<compile_context>
chip_gen: v7x
topology: tpu7x:2x2x1
jax: 0.10.2.dev20260603
libtpu: 0.0.44.dev20260713+nightly
codegen_flags: <defaults>
</compile_context>

<pallas_src>
import functools

import jax
import jax.numpy as jnp
from jax import lax
from jax.experimental import pallas as pl
from jax.experimental.pallas import tpu as pltpu
from jax.experimental.pallas import tpu_sc as plsc

B = 4096
SEQ = 50
D = 128
BN_EPS = 1e-3
LN_EPS = 1e-3

NC = 2
NS = 16
NW = NC * NS
BPW = B // NW
CHUNK_IDX = 100
NBUF = 4
UNROLL = 2
ROWS_PER_CHUNK = CHUNK_IDX // SEQ
NCHUNK = BPW // ROWS_PER_CHUNK
NVEC = D // 16


def _sc_pool_body(xr_hbm, table_hbm, out_hbm, idx_v, rows_v, out_v, *sems):
    wid = lax.axis_index("s") * NC + lax.axis_index("c")

    pltpu.sync_copy(xr_hbm.at[pl.ds(wid * NCHUNK, NCHUNK)], idx_v)

    bufs = [rows_v.at[k] for k in range(NBUF)]

    for k in range(NBUF):
        pltpu.async_copy(table_hbm.at[idx_v.at[k]], bufs[k], sems[k])

    def accumulate(buf, out_row0):
        def jbody(ju, acc):
            j = UNROLL * ju
            for u in range(UNROLL):
                jj = j + u
                acc = tuple(acc[d] + buf[jj, pl.ds(16 * d, 16)]
                            for d in range(NVEC)) + tuple(
                    acc[NVEC + d] + buf[SEQ + jj, pl.ds(16 * d, 16)]
                    for d in range(NVEC))
            return acc

        zero = tuple(jnp.zeros((16,), jnp.float32) for _ in range(2 * NVEC))
        acc = lax.fori_loop(0, SEQ // UNROLL, jbody, zero)
        for d in range(NVEC):
            out_v[out_row0, pl.ds(16 * d, 16)] = acc[d]
            out_v[out_row0 + 1, pl.ds(16 * d, 16)] = acc[NVEC + d]

    def ibody(i, carry):
        g = NBUF * i
        for k in range(NBUF):
            pltpu.make_async_copy(
                table_hbm.at[idx_v.at[g + k]], bufs[k], sems[k]).wait()
            accumulate(bufs[k], 2 * (g + k))

            @pl.when(i < NCHUNK // NBUF - 1)
            def _():
                pltpu.async_copy(
                    table_hbm.at[idx_v.at[g + k + NBUF]], bufs[k], sems[k])

        return carry

    lax.fori_loop(0, NCHUNK // NBUF, ibody, 0)

    pltpu.sync_copy(out_v, out_hbm.at[pl.ds(wid * BPW, BPW)])


_sc_pool = functools.partial(
    pl.kernel,
    out_type=jax.ShapeDtypeStruct((B, D), jnp.float32),
    mesh=plsc.VectorSubcoreMesh(core_axis_name="c", subcore_axis_name="s"),
    scratch_types=[
        pltpu.VMEM((NCHUNK, CHUNK_IDX), jnp.int32),
        pltpu.VMEM((NBUF, CHUNK_IDX, D), jnp.float32),
        pltpu.VMEM((BPW, D), jnp.float32),
    ] + [pltpu.SemaphoreType.DMA] * NBUF,
)(_sc_pool_body)


def _tc_dense_body(p_ref, w_ref, b_ref, bg_ref, bb_ref, bm_ref, bv_ref,
                   lg_ref, lb_ref, o_ref):
    x = p_ref[...] * (1.0 / SEQ)
    h = jnp.dot(x, w_ref[...], preferred_element_type=jnp.float32) + b_ref[...]
    bn_scale = bg_ref[...] * lax.rsqrt(bv_ref[...] + BN_EPS)
    h = (h - bm_ref[...]) * bn_scale + bb_ref[...]
    mu = jnp.mean(h, axis=1, keepdims=True)
    hc = h - mu
    var = jnp.mean(hc * hc, axis=1, keepdims=True)
    o_ref[...] = hc * lax.rsqrt(var + LN_EPS) * lg_ref[...] + lb_ref[...]


def kernel(x, table, W, b, bn_gamma, bn_beta, bn_mean, bn_var, ln_gamma,
           ln_beta):
    assert x.shape == (B, SEQ) and table.shape[1] == D

    xr = x.astype(jnp.int32).reshape(B * SEQ // CHUNK_IDX, CHUNK_IDX)
    pooled_sum = _sc_pool(xr, table)

    vec = lambda v: v.astype(jnp.float32).reshape(1, D)
    blk = 2048
    vspec = pl.BlockSpec((1, D), lambda i: (0, 0))
    out = pl.pallas_call(
        _tc_dense_body,
        grid=(B // blk,),
        in_specs=[pl.BlockSpec((blk, D), lambda i: (i, 0)),
                  pl.BlockSpec((D, D), lambda i: (0, 0))] + [vspec] * 7,
        out_specs=pl.BlockSpec((blk, D), lambda i: (i, 0)),
        out_shape=jax.ShapeDtypeStruct((B, D), jnp.float32),
    )(pooled_sum, W, vec(b), vec(bn_gamma), vec(bn_beta), vec(bn_mean),
      vec(bn_var), vec(ln_gamma), vec(ln_beta))
    return out

# --- scband reference (transcript-rebuilt; emitter-appended) ---
"""Pipeline reference for scband-triplet-model-78692390798014 (READ-ONLY COPY).

The authoritative reference and input builder live on the scoring server;
editing this copy changes nothing except your own understanding.
"""

import jax, jax.numpy as jnp
import numpy as np

VOCAB = 100000
D = 128
B = 4096
L = 50
BN_EPS = 1e-3
LN_EPS = 1e-3


def setup_inputs(seed: int = 0) -> dict:
    key = jax.random.key(seed)
    ks = jax.random.split(key, 4)
    x = jax.random.randint(ks[0], (B, L), 0, VOCAB)
    table = jax.random.normal(ks[1], (VOCAB, D), dtype=jnp.float32) * 0.05
    W = jax.random.normal(ks[2], (D, D), dtype=jnp.float32) * (1.0 / np.sqrt(D))
    b = jnp.zeros((D,), dtype=jnp.float32)
    bn_gamma = jnp.ones((D,), dtype=jnp.float32)
    bn_beta = jnp.zeros((D,), dtype=jnp.float32)
    bn_mean = jnp.zeros((D,), dtype=jnp.float32)
    bn_var = jnp.ones((D,), dtype=jnp.float32)
    ln_gamma = jnp.ones((D,), dtype=jnp.float32)
    ln_beta = jnp.zeros((D,), dtype=jnp.float32)
    return {"x": x, "table": table, "W": W, "b": b,
            "bn_gamma": bn_gamma, "bn_beta": bn_beta,
            "bn_mean": bn_mean, "bn_var": bn_var,
            "ln_gamma": ln_gamma, "ln_beta": ln_beta}


def reference(x, table, W, b, bn_gamma, bn_beta, bn_mean, bn_var, ln_gamma, ln_beta):
    # Embedding lookup: [B, L] -> [B, L, D]
    emb = jnp.take(table, x, axis=0)
    # GlobalAveragePooling1D over sequence axis -> [B, D]
    pooled = jnp.mean(emb, axis=1)
    # Flatten is a no-op on [B, D]
    h = pooled @ W + b
    # BatchNormalization in inference mode (training=False): use moving stats
    h = (h - bn_mean) / jnp.sqrt(bn_var + BN_EPS) * bn_gamma + bn_beta
    # LayerNormalization over last axis
    mu = jnp.mean(h, axis=-1, keepdims=True)
    var = jnp.var(h, axis=-1, keepdims=True)
    out = (h - mu) / jnp.sqrt(var + LN_EPS) * ln_gamma + ln_beta
    return out

if __name__ == "__main__":
    import jax
    _d = setup_inputs()
    print(jax.jit(kernel)(*tuple(_d.values())))

</pallas_src>

<mosaic_0001>
#map = affine_map<(d0, d1) -> (0, 0)>
module attributes {stable_mosaic.version = 14 : i64} {
  func.func @_sc_pool_body(%arg0: i32, %arg1: i32, %arg2: memref<2048x100xi32, #tpu.memory_space<hbm>>, %arg3: memref<100000x128xf32, #tpu.memory_space<hbm>>, %arg4: memref<4096x128xf32, #tpu.memory_space<hbm>>, %arg5: memref<64x100xi32, #tpu.memory_space<vmem>>, %arg6: memref<4x100x128xf32, #tpu.memory_space<vmem>>, %arg7: memref<128x128xf32, #tpu.memory_space<vmem>>, %arg8: memref<!tpu.dma_semaphore, #tpu.memory_space<semaphore_mem>>, %arg9: memref<!tpu.dma_semaphore, #tpu.memory_space<semaphore_mem>>, %arg10: memref<!tpu.dma_semaphore, #tpu.memory_space<semaphore_mem>>, %arg11: memref<!tpu.dma_semaphore, #tpu.memory_space<semaphore_mem>>) attributes {dimension_semantics = [#tpu.dimension_semantics<core_parallel>, #tpu.dimension_semantics<subcore_parallel>], iteration_bounds = array<i64: 2, 16>, scalar_prefetch = 0 : i64, scratch_operands = 7 : i64, tpu.core_type = #tpu.core_type<sc_vector_subcore>, window_params = [{transform_indices = #map}, {transform_indices = #map}, {transform_indices = #map}]} {
    %mul3A = arith.constant 2 : i32
    %mul3A_0 = arith.muli %arg1, %mul3A : i32
    %add3A = arith.addi %mul3A_0, %arg0 : i32
    %mul3A_1 = arith.constant 64 : i32
    %mul3A_2 = arith.muli %add3A, %mul3A_1 : i32
    "tpu.region"() ({
      %run_scoped3A = tpu.sem_alloc : memref<!tpu.dma_semaphore, #tpu.memory_space<semaphore_mem>>
      %dma_start3A_61 = arith.constant 0 : i32
      %dma_start3A_62 = tpu.memref_slice %arg2[%mul3A_2, %dma_start3A_61] : memref<2048x100xi32, #tpu.memory_space<hbm>> -> memref<64x100xi32, #tpu.memory_space<hbm>>
      %dma_start3A_63 = arith.constant 0 : i32
      %dma_start3A_64 = tpu.memref_slice %arg2[%mul3A_2, %dma_start3A_63] : memref<2048x100xi32, #tpu.memory_space<hbm>> -> memref<64x100xi32, #tpu.memory_space<hbm>>
      tpu.enqueue_dma source(%dma_start3A_64 : memref<64x100xi32, #tpu.memory_space<hbm>>) target(%arg5 : memref<64x100xi32, #tpu.memory_space<vmem>>) target_semaphore(%run_scoped3A : memref<!tpu.dma_semaphore, #tpu.memory_space<semaphore_mem>>)
      %dma_wait3A = arith.constant 0 : i32
      %dma_wait3A_65 = tpu.memref_slice %arg2[%mul3A_2, %dma_wait3A] : memref<2048x100xi32, #tpu.memory_space<hbm>> -> memref<64x100xi32, #tpu.memory_space<hbm>>
      %dma_wait3A_66 = arith.constant 0 : i32
      %dma_wait3A_67 = tpu.memref_slice %arg2[%mul3A_2, %dma_wait3A_66] : memref<2048x100xi32, #tpu.memory_space<hbm>> -> memref<64x100xi32, #tpu.memory_space<hbm>>
      tpu.wait_dma2 semaphore(%run_scoped3A : memref<!tpu.dma_semaphore, #tpu.memory_space<semaphore_mem>>) src(%dma_wait3A_67 : memref<64x100xi32, #tpu.memory_space<hbm>>) dst(%arg5 : memref<64x100xi32, #tpu.memory_space<vmem>>)
      tpu.yield
    }) : () -> ()
    %dma_start3A = arith.constant 0 : i32
    %dma_start3A_3 = arith.constant 0 : i32
    %dma_start3A_4 = arith.constant 0 : i32
    %dma_start3A_5 = arith.constant 0 : i32
    %dma_start3A_6 = tpu.memref_slice %arg6[%dma_start3A_3, %dma_start3A_4, %dma_start3A_5] : memref<4x100x128xf32, #tpu.memory_space<vmem>> -> memref<1x100x128xf32, #tpu.memory_space<vmem>>
    %dma_start3A_7 = tpu.memref_squeeze %dma_start3A_6 : memref<1x100x128xf32, #tpu.memory_space<vmem>> -> memref<100x128xf32, #tpu.memory_space<vmem>>
    %dma_start3A_8 = arith.constant 0 : i32
    %dma_start3A_9 = tpu.memref_slice %arg5[%dma_start3A, %dma_start3A_8] : memref<64x100xi32, #tpu.memory_space<vmem>> -> memref<1x100xi32, #tpu.memory_space<vmem>>
    %dma_start3A_10 = tpu.memref_squeeze %dma_start3A_9 : memref<1x100xi32, #tpu.memory_space<vmem>> -> memref<100xi32, #tpu.memory_space<vmem>>
    %dma_start3A_11 = arith.constant 0 : i32
    %dma_start3A_12 = arith.constant 0 : i32
    %dma_start3A_13 = tpu.memref_slice %arg3[%dma_start3A_11, %dma_start3A_12] : memref<100000x128xf32, #tpu.memory_space<hbm>> -> memref<100000x128xf32, #tpu.memory_space<hbm>>
    tpu.enqueue_indirect_dma source(%dma_start3A_13 : memref<100000x128xf32, #tpu.memory_space<hbm>>) target(%dma_start3A_7 : memref<100x128xf32, #tpu.memory_space<vmem>>) offsets(%dma_start3A_10 : memref<100xi32, #tpu.memory_space<vmem>>) semaphore(%arg8 : memref<!tpu.dma_semaphore, #tpu.memory_space<semaphore_mem>>)
    %dma_start3A_14 = arith.constant 1 : i32
    %dma_start3A_15 = arith.constant 1 : i32
    %dma_start3A_16 = arith.constant 0 : i32
    %dma_start3A_17 = arith.constant 0 : i32
    %dma_start3A_18 = tpu.memref_slice %arg6[%dma_start3A_15, %dma_start3A_16, %dma_start3A_17] : memref<4x100x128xf32, #tpu.memory_space<vmem>> -> memref<1x100x128xf32, #tpu.memory_space<vmem>>
    %dma_start3A_19 = tpu.memref_squeeze %dma_start3A_18 : memref<1x100x128xf32, #tpu.memory_space<vmem>> -> memref<100x128xf32, #tpu.memory_space<vmem>>
    %dma_start3A_20 = arith.constant 0 : i32
    %dma_start3A_21 = tpu.memref_slice %arg5[%dma_start3A_14, %dma_start3A_20] : memref<64x100xi32, #tpu.memory_space<vmem>> -> memref<1x100xi32, #tpu.memory_space<vmem>>
    %dma_start3A_22 = tpu.memref_squeeze %dma_start3A_21 : memref<1x100xi32, #tpu.memory_space<vmem>> -> memref<100xi32, #tpu.memory_space<vmem>>
    %dma_start3A_23 = arith.constant 0 : i32
    %dma_start3A_24 = arith.constant 0 : i32
    %dma_start3A_25 = tpu.memref_slice %arg3[%dma_start3A_23, %dma_start3A_24] : memref<100000x128xf32, #tpu.memory_space<hbm>> -> memref<100000x128xf32, #tpu.memory_space<hbm>>
    tpu.enqueue_indirect_dma source(%dma_start3A_25 : memref<100000x128xf32, #tpu.memory_space<hbm>>) target(%dma_start3A_19 : memref<100x128xf32, #tpu.memory_space<vmem>>) offsets(%dma_start3A_22 : memref<100xi32, #tpu.memory_space<vmem>>) semaphore(%arg9 : memref<!tpu.dma_semaphore, #tpu.memory_space<semaphore_mem>>)
    %dma_start3A_26 = arith.constant 2 : i32
    %dma_start3A_27 = arith.constant 2 : i32
    %dma_start3A_28 = arith.constant 0 : i32
    %dma_start3A_29 = arith.constant 0 : i32
    %dma_start3A_30 = tpu.memref_slice %arg6[%dma_start3A_27, %dma_start3A_28, %dma_start3A_29] : memref<4x100x128xf32, #tpu.memory_space<vmem>> -> memref<1x100x128xf32, #tpu.memory_space<vmem>>
    %dma_start3A_31 = tpu.memref_squeeze %dma_start3A_30 : memref<1x100x128xf32, #tpu.memory_space<vmem>> -> memref<100x128xf32, #tpu.memory_space<vmem>>
    %dma_start3A_32 = arith.constant 0 : i32
    %dma_start3A_33 = tpu.memref_slice %arg5[%dma_start3A_26, %dma_start3A_32] : memref<64x100xi32, #tpu.memory_space<vmem>> -> memref<1x100xi32, #tpu.memory_space<vmem>>
    %dma_start3A_34 = tpu.memref_squeeze %dma_start3A_33 : memref<1x100xi32, #tpu.memory_space<vmem>> -> memref<100xi32, #tpu.memory_space<vmem>>
    %dma_start3A_35 = arith.constant 0 : i32
    %dma_start3A_36 = arith.constant 0 : i32
    %dma_start3A_37 = tpu.memref_slice %arg3[%dma_start3A_35, %dma_start3A_36] : memref<100000x128xf32, #tpu.memory_space<hbm>> -> memref<100000x128xf32, #tpu.memory_space<hbm>>
    tpu.enqueue_indirect_dma source(%dma_start3A_37 : memref<100000x128xf32, #tpu.memory_space<hbm>>) target(%dma_start3A_31 : memref<100x128xf32, #tpu.memory_space<vmem>>) offsets(%dma_start3A_34 : memref<100xi32, #tpu.memory_space<vmem>>) semaphore(%arg10 : memref<!tpu.dma_semaphore, #tpu.memory_space<semaphore_mem>>)
    %dma_start3A_38 = arith.constant 3 : i32
    %dma_start3A_39 = arith.constant 3 : i32
    %dma_start3A_40 = arith.constant 0 : i32
    %dma_start3A_41 = arith.constant 0 : i32
    %dma_start3A_42 = tpu.memref_slice %arg6[%dma_start3A_39, %dma_start3A_40, %dma_start3A_41] : memref<4x100x128xf32, #tpu.memory_space<vmem>> -> memref<1x100x128xf32, #tpu.memory_space<vmem>>
    %dma_start3A_43 = tpu.memref_squeeze %dma_start3A_42 : memref<1x100x128xf32, #tpu.memory_space<vmem>> -> memref<100x128xf32, #tpu.memory_space<vmem>>
    %dma_start3A_44 = arith.constant 0 : i32
    %dma_start3A_45 = tpu.memref_slice %arg5[%dma_start3A_38, %dma_start3A_44] : memref<64x100xi32, #tpu.memory_space<vmem>> -> memref<1x100xi32, #tpu.memory_space<vmem>>
    %dma_start3A_46 = tpu.memref_squeeze %dma_start3A_45 : memref<1x100xi32, #tpu.memory_space<vmem>> -> memref<100xi32, #tpu.memory_space<vmem>>
    %dma_start3A_47 = arith.constant 0 : i32
    %dma_start3A_48 = arith.constant 0 : i32
    %dma_start3A_49 = tpu.memref_slice %arg3[%dma_start3A_47, %dma_start3A_48] : memref<100000x128xf32, #tpu.memory_space<hbm>> -> memref<100000x128xf32, #tpu.memory_space<hbm>>
    tpu.enqueue_indirect_dma source(%dma_start3A_49 : memref<100000x128xf32, #tpu.memory_space<hbm>>) target(%dma_start3A_43 : memref<100x128xf32, #tpu.memory_space<vmem>>) offsets(%dma_start3A_46 : memref<100xi32, #tpu.memory_space<vmem>>) semaphore(%arg11 : memref<!tpu.dma_semaphore, #tpu.memory_space<semaphore_mem>>)
    %scan3A = arith.constant 0 : i32
    %scan3A_50 = arith.constant 0 : i32
    %scan3A_51 = arith.constant 1 : i32
    %scan3A_52 = arith.constant 2 : i32
    %scan3A_53 = arith.constant 3 : i32
    %scan3A_54 = arith.constant 0 : i32
    %scan3A_55 = arith.constant 16 : i32
    %scan3A_56 = arith.addi %scan3A_54, %scan3A_55 : i32
    %scan3A_57 = arith.constant 1 : i32
    scf.for %scan3A_61 = %scan3A_54 to %scan3A_56 step %scan3A_57  : i32 {
      %mul3A_62 = arith.constant 4 : i32
      %mul3A_63 = arith.muli %mul3A_62, %scan3A_61 : i32
      %add3A_64 = arith.constant 0 : i32
      %add3A_65 = arith.addi %mul3A_63, %add3A_64 : i32
      %dma_wait3A = arith.constant 0 : i32
      %dma_wait3A_66 = arith.constant 0 : i32
      %dma_wait3A_67 = tpu.memref_slice %arg6[%scan3A_50, %dma_wait3A, %dma_wait3A_66] : memref<4x100x128xf32, #tpu.memory_space<vmem>> -> memref<1x100x128xf32, #tpu.memory_space<vmem>>
      %dma_wait3A_68 = tpu.memref_squeeze %dma_wait3A_67 : memref<1x100x128xf32, #tpu.memory_space<vmem>> -> memref<100x128xf32, #tpu.memory_space<vmem>>
      %dma_wait3A_69 = arith.constant 0 : i32
      %dma_wait3A_70 = tpu.memref_slice %arg5[%add3A_65, %dma_wait3A_69] : memref<64x100xi32, #tpu.memory_space<vmem>> -> memref<1x100xi32, #tpu.memory_space<vmem>>
      %dma_wait3A_71 = tpu.memref_squeeze %dma_wait3A_70 : memref<1x100xi32, #tpu.memory_space<vmem>> -> memref<100xi32, #tpu.memory_space<vmem>>
      %dma_wait3A_72 = arith.constant 0 : i32
      %dma_wait3A_73 = arith.constant 0 : i32
      %dma_wait3A_74 = tpu.memref_slice %arg3[%dma_wait3A_72, %dma_wait3A_73] : memref<100000x128xf32, #tpu.memory_space<hbm>> -> memref<100000x128xf32, #tpu.memory_space<hbm>>
      tpu.wait_indirect_dma semaphore(%arg8 : memref<!tpu.dma_semaphore, #tpu.memory_space<semaphore_mem>>) src(%dma_wait3A_74 : memref<100000x128xf32, #tpu.memory_space<hbm>>) dst(%dma_wait3A_68 : memref<100x128xf32, #tpu.memory_space<vmem>>)
      %add3A_75 = arith.constant 0 : i32
      %add3A_76 = arith.addi %mul3A_63, %add3A_75 : i32
      %mul3A_77 = arith.constant 2 : i32
      %mul3A_78 = arith.muli %mul3A_77, %add3A_76 : i32
      %broadcast_in_dim3A = arith.constant 0.000000e+00 : f32
      %broadcast_in_dim3A_79 = vector.broadcast %broadcast_in_dim3A : f32 to vector<16xf32>
      %broadcast_in_dim3A_80 = arith.constant 0.000000e+00 : f32
      %broadcast_in_dim3A_81 = vector.broadcast %broadcast_in_dim3A_80 : f32 to vector<16xf32>
      %broadcast_in_dim3A_82 = arith.constant 0.000000e+00 : f32
      %broadcast_in_dim3A_83 = vector.broadcast %broadcast_in_dim3A_82 : f32 to vector<16xf32>
      %broadcast_in_dim3A_84 = arith.constant 0.000000e+00 : f32
      %broadcast_in_dim3A_85 = vector.broadcast %broadcast_in_dim3A_84 : f32 to vector<16xf32>
      %broadcast_in_dim3A_86 = arith.constant 0.000000e+00 : f32
      %broadcast_in_dim3A_87 = vector.broadcast %broadcast_in_dim3A_86 : f32 to vector<16xf32>
      %broadcast_in_dim3A_88 = arith.constant 0.000000e+00 : f32
      %broadcast_in_dim3A_89 = vector.broadcast %broadcast_in_dim3A_88 : f32 to vector<16xf32>
      %broadcast_in_dim3A_90 = arith.constant 0.000000e+00 : f32
      %broadcast_in_dim3A_91 = vector.broadcast %broadcast_in_dim3A_90 : f32 to vector<16xf32>
      %broadcast_in_dim3A_92 = arith.constant 0.000000e+00 : f32
      %broadcast_in_dim3A_93 = vector.broadcast %broadcast_in_dim3A_92 : f32 to vector<16xf32>
      %broadcast_in_dim3A_94 = arith.constant 0.000000e+00 : f32
      %broadcast_in_dim3A_95 = vector.broadcast %broadcast_in_dim3A_94 : f32 to vector<16xf32>
      %broadcast_in_dim3A_96 = arith.constant 0.000000e+00 : f32
      %broadcast_in_dim3A_97 = vector.broadcast %broadcast_in_dim3A_96 : f32 to vector<16xf32>
      %broadcast_in_dim3A_98 = arith.constant 0.000000e+00 : f32
      %broadcast_in_dim3A_99 = vector.broadcast %broadcast_in_dim3A_98 : f32 to vector<16xf32>
      %broadcast_in_dim3A_100 = arith.constant 0.000000e+00 : f32
      %broadcast_in_dim3A_101 = vector.broadcast %broadcast_in_dim3A_100 : f32 to vector<16xf32>
      %broadcast_in_dim3A_102 = arith.constant 0.000000e+00 : f32
      %broadcast_in_dim3A_103 = vector.broadcast %broadcast_in_dim3A_102 : f32 to vector<16xf32>
      %broadcast_in_dim3A_104 = arith.constant 0.000000e+00 : f32
      %broadcast_in_dim3A_105 = vector.broadcast %broadcast_in_dim3A_104 : f32 to vector<16xf32>
      %broadcast_in_dim3A_106 = arith.constant 0.000000e+00 : f32
      %broadcast_in_dim3A_107 = vector.broadcast %broadcast_in_dim3A_106 : f32 to vector<16xf32>
      %broadcast_in_dim3A_108 = arith.constant 0.000000e+00 : f32
      %broadcast_in_dim3A_109 = vector.broadcast %broadcast_in_dim3A_108 : f32 to vector<16xf32>
      %scan3A_110 = arith.constant 0 : i32
      %scan3A_111 = arith.constant 25 : i32
      %scan3A_112 = arith.addi %scan3A_110, %scan3A_111 : i32
      %scan3A_113 = arith.constant 1 : i32
      %scan3A_114:16 = scf.for %scan3A_678 = %scan3A_110 to %scan3A_112 step %scan3A_113 iter_args(%scan3A_679 = %broadcast_in_dim3A_79, %scan3A_680 = %broadcast_in_dim3A_81, %scan3A_681 = %broadcast_in_dim3A_83, %scan3A_682 = %broadcast_in_dim3A_85, %scan3A_683 = %broadcast_in_dim3A_87, %scan3A_684 = %broadcast_in_dim3A_89, %scan3A_685 = %broadcast_in_dim3A_91, %scan3A_686 = %broadcast_in_dim3A_93, %scan3A_687 = %broadcast_in_dim3A_95, %scan3A_688 = %broadcast_in_dim3A_97, %scan3A_689 = %broadcast_in_dim3A_99, %scan3A_690 = %broadcast_in_dim3A_101, %scan3A_691 = %broadcast_in_dim3A_103, %scan3A_692 = %broadcast_in_dim3A_105, %scan3A_693 = %broadcast_in_dim3A_107, %scan3A_694 = %broadcast_in_dim3A_109) -> (vector<16xf32>, vector<16xf32>, vector<16xf32>, vector<16xf32>, vector<16xf32>, vector<16xf32>, vector<16xf32>, vector<16xf32>, vector<16xf32>, vector<16xf32>, vector<16xf32>, vector<16xf32>, vector<16xf32>, vector<16xf32>, vector<16xf32>, vector<16xf32>)  : i32 {
        %mul3A_695 = arith.constant 2 : i32
        %mul3A_696 = arith.muli %mul3A_695, %scan3A_678 : i32
        %add3A_697 = arith.constant 0 : i32
        %add3A_698 = arith.addi %mul3A_696, %add3A_697 : i32
        %get3A = arith.constant 0 : i32
        %get3A_699 = arith.constant 0 : i32
        %get3A_700 = tpu.memref_slice %arg6[%scan3A_50, %get3A, %get3A_699] : memref<4x100x128xf32, #tpu.memory_space<vmem>> -> memref<1x100x128xf32, #tpu.memory_space<vmem>>
        %get3A_701 = tpu.memref_squeeze %get3A_700 : memref<1x100x128xf32, #tpu.memory_space<vmem>> -> memref<100x128xf32, #tpu.memory_space<vmem>>
        %get3A_702 = arith.index_cast %add3A_698 : i32 to index
        %get3A_703 = arith.constant 0 : index
        %get3A_704 = tpu.vector_load %get3A_701[%get3A_702, %get3A_703] {strides = array<i32>} : memref<100x128xf32, #tpu.memory_space<vmem>>, vector<1x16xf32>,
        %get3A_705 = vector.shape_cast %get3A_704 : vector<1x16xf32> to vector<16xf32>
        %add3A_706 = arith.addf %scan3A_679, %get3A_705 : vector<16xf32>
        %get3A_707 = arith.constant 0 : i32
        %get3A_708 = arith.constant 0 : i32
        %get3A_709 = tpu.memref_slice %arg6[%scan3A_50, %get3A_707, %get3A_708] : memref<4x100x128xf32, #tpu.memory_space<vmem>> -> memref<1x100x128xf32, #tpu.memory_space<vmem>>
        %get3A_710 = tpu.memref_squeeze %get3A_709 : memref<1x100x128xf32, #tpu.memory_space<vmem>> -> memref<100x128xf32, #tpu.memory_space<vmem>>
        %get3A_711 = arith.index_cast %add3A_698 : i32 to index
        %get3A_712 = arith.constant 16 : index
        %get3A_713 = tpu.vector_load %get3A_710[%get3A_711, %get3A_712] {strides = array<i32>} : memref<100x128xf32, #tpu.memory_space<vmem>>, vector<1x16xf32>,
        %get3A_714 = vector.shape_cast %get3A_713 : vector<1x16xf32> to vector<16xf32>
        %add3A_715 = arith.addf %scan3A_680, %get3A_714 : vector<16xf32>
        %get3A_716 = arith.constant 0 : i32
        %get3A_717 = arith.constant 0 : i32
        %get3A_718 = tpu.memref_slice %arg6[%scan3A_50, %get3A_716, %get3A_717] : memref<4x100x128xf32, #tpu.memory_space<vmem>> -> memref<1x100x128xf32, #tpu.memory_space<vmem>>
        %get3A_719 = tpu.memref_squeeze %get3A_718 : memref<1x100x128xf32, #tpu.memory_space<vmem>> -> memref<100x128xf32, #tpu.memory_space<vmem>>
        %get3A_720 = arith.index_cast %add3A_698 : i32 to index
        %get3A_721 = arith.constant 32 : index
        %get3A_722 = tpu.vector_load %get3A_719[%get3A_720, %get3A_721] {strides = array<i32>} : memref<100x128xf32, #tpu.memory_space<vmem>>, vector<1x16xf32>,
        %get3A_723 = vector.shape_cast %get3A_722 : vector<1x16xf32> to vector<16xf32>
        %add3A_724 = arith.addf %scan3A_681, %get3A_723 : vector<16xf32>
        %get3A_725 = arith.constant 0 : i32
        %get3A_726 = arith.constant 0 : i32
        %get3A_727 = tpu.memref_slice %arg6[%scan3A_50, %get3A_725, %get3A_726] : memref<4x100x128xf32, #tpu.memory_space<vmem>> -> memref<1x100x128xf32, #tpu.memory_space<vmem>>
        %get3A_728 = tpu.memref_squeeze %get3A_727 : memref<1x100x128xf32, #tpu.memory_space<vmem>> -> memref<100x128xf32, #tpu.memory_space<vmem>>
        %get3A_729 = arith.index_cast %add3A_698 : i32 to index
        %get3A_730 = arith.constant 48 : index
        %get3A_731 = tpu.vector_load %get3A_728[%get3A_729, %get3A_730] {strides = array<i32>} : memref<100x128xf32, #tpu.memory_space<vmem>>, vector<1x16xf32>,
        %get3A_732 = vector.shape_cast %get3A_731 : vector<1x16xf32> to vector<16xf32>
        %add3A_733 = arith.addf %scan3A_682, %get3A_732 : vector<16xf32>
        %get3A_734 = arith.constant 0 : i32
        %get3A_735 = arith.constant 0 : i32
        %get3A_736 = tpu.memref_slice %arg6[%scan3A_50, %get3A_734, %get3A_735] : memref<4x100x128xf32, #tpu.memory_space<vmem>> -> memref<1x100x128xf32, #tpu.memory_space<vmem>>
        %get3A_737 = tpu.memref_squeeze %get3A_736 : memref<1x100x128xf32, #tpu.memory_space<vmem>> -> memref<100x128xf32, #tpu.memory_space<vmem>>
        %get3A_738 = arith.index_cast %add3A_698 : i32 to index
        %get3A_739 = arith.constant 64 : index
        %get3A_740 = tpu.vector_load %get3A_737[%get3A_738, %get3A_739] {strides = array<i32>} : memref<100x128xf32, #tpu.memory_space<vmem>>, vector<1x16xf32>,
        %get3A_741 = vector.shape_cast %get3A_740 : vector<1x16xf32> to vector<16xf32>
        %add3A_742 = arith.addf %scan3A_683, %get3A_741 : vector<16xf32>
        %get3A_743 = arith.constant 0 : i32
        %get3A_744 = arith.constant 0 : i32
        %get3A_745 = tpu.memref_slice %arg6[%scan3A_50, %get3A_743, %get3A_744] : memref<4x100x128xf32, #tpu.memory_space<vmem>> -> memref<1x100x128xf32, #tpu.memory_space<vmem>>
        %get3A_746 = tpu.memref_squeeze %get3A_745 : memref<1x100x128xf32, #tpu.memory_space<vmem>> -> memref<100x128xf32, #tpu.memory_space<vmem>>
        %get3A_747 = arith.index_cast %add3A_698 : i32 to index
        %get3A_748 = arith.constant 80 : index
        %get3A_749 = tpu.vector_load %get3A_746[%get3A_747, %get3A_748] {strides = array<i32>} : memref<100x128xf32, #tpu.memory_space<vmem>>, vector<1x16xf32>,
        %get3A_750 = vector.shape_cast %get3A_749 : vector<1x16xf32> to vector<16xf32>
        %add3A_751 = arith.addf %scan3A_684, %get3A_750 : vector<16xf32>
        %get3A_752 = arith.constant 0 : i32
        %get3A_753 = arith.constant 0 : i32
        %get3A_754 = tpu.memref_slice %arg6[%scan3A_50, %get3A_752, %get3A_753] : memref<4x100x128xf32, #tpu.memory_space<vmem>> -> memref<1x100x128xf32, #tpu.memory_space<vmem>>
        %get3A_755 = tpu.memref_squeeze %get3A_754 : memref<1x100x128xf32, #tpu.memory_space<vmem>> -> memref<100x128xf32, #tpu.memory_space<vmem>>
        %get3A_756 = arith.index_cast %add3A_698 : i32 to index
        %get3A_757 = arith.constant 96 : index
        %get3A_758 = tpu.vector_load %get3A_755[%get3A_756, %get3A_757] {strides = array<i32>} : memref<100x128xf32, #tpu.memory_space<vmem>>, vector<1x16xf32>,
        %get3A_759 = vector.shape_cast %get3A_758 : vector<1x16xf32> to vector<16xf32>
        %add3A_760 = arith.addf %scan3A_685, %get3A_759 : vector<16xf32>
        %get3A_761 = arith.constant 0 : i32
        %get3A_762 = arith.constant 0 : i32
        %get3A_763 = tpu.memref_slice %arg6[%scan3A_50, %get3A_761, %get3A_762] : memref<4x100x128xf32, #tpu.memory_space<vmem>> -> memref<1x100x128xf32, #tpu.memory_space<vmem>>
        %get3A_764 = tpu.memref_squeeze %get3A_763 : memref<1x100x128xf32, #tpu.memory_space<vmem>> -> memref<100x128xf32, #tpu.memory_space<vmem>>
        %get3A_765 = arith.index_cast %add3A_698 : i32 to index
        %get3A_766 = arith.constant 112 : index
        %get3A_767 = tpu.vector_load %get3A_764[%get3A_765, %get3A_766] {strides = array<i32>} : memref<100x128xf32, #tpu.memory_space<vmem>>, vector<1x16xf32>,
        %get3A_768 = vector.shape_cast %get3A_767 : vector<1x16xf32> to vector<16xf32>
        %add3A_769 = arith.addf %scan3A_686, %get3A_768 : vector<16xf32>
        %add3A_770 = arith.constant 50 : i32
        %add3A_771 = arith.addi %add3A_770, %add3A_698 : i32
        %get3A_772 = arith.constant 0 : i32
        %get3A_773 = arith.constant 0 : i32
        %get3A_774 = tpu.memref_slice %arg6[%scan3A_50, %get3A_772, %get3A_773] : memref<4x100x128xf32, #tpu.memory_space<vmem>> -> memref<1x100x128xf32, #tpu.memory_space<vmem>>
        %get3A_775 = tpu.memref_squeeze %get3A_774 : memref<1x100x128xf32, #tpu.memory_space<vmem>> -> memref<100x128xf32, #tpu.memory_space<vmem>>
        %get3A_776 = arith.index_cast %add3A_771 : i32 to index
        %get3A_777 = arith.constant 0 : index
        %get3A_778 = tpu.vector_load %get3A_775[%get3A_776, %get3A_777] {strides = array<i32>} : memref<100x128xf32, #tpu.memory_space<vmem>>, vector<1x16xf32>,
        %get3A_779 = vector.shape_cast %get3A_778 : vector<1x16xf32> to vector<16xf32>
        %add3A_780 = arith.addf %scan3A_687, %get3A_779 : vector<16xf32>
        %add3A_781 = arith.constant 50 : i32
        %add3A_782 = arith.addi %add3A_781, %add3A_698 : i32
        %get3A_783 = arith.constant 0 : i32
        %get3A_784 = arith.constant 0 : i32
        %get3A_785 = tpu.memref_slice %arg6[%scan3A_50, %get3A_783, %get3A_784] : memref<4x100x128xf32, #tpu.memory_space<vmem>> -> memref<1x100x128xf32, #tpu.memory_space<vmem>>
        %get3A_786 = tpu.memref_squeeze %get3A_785 : memref<1x100x128xf32, #tpu.memory_space<vmem>> -> memref<100x128xf32, #tpu.memory_space<vmem>>
        %get3A_787 = arith.index_cast %add3A_782 : i32 to index
        %get3A_788 = arith.constant 16 : index
        %get3A_789 = tpu.vector_load %get3A_786[%get3A_787, %get3A_788] {strides = array<i32>} : memref<100x128xf32, #tpu.memory_space<vmem>>, vector<1x16xf32>,
        %get3A_790 = vector.shape_cast %get3A_789 : vector<1x16xf32> to vector<16xf32>
        %add3A_791 = arith.addf %scan3A_688, %get3A_790 : vector<16xf32>
        %add3A_792 = arith.constant 50 : i32
        %add3A_793 = arith.addi %add3A_792, %add3A_698 : i32
        %get3A_794 = arith.constant 0 : i32
        %get3A_795 = arith.constant 0 : i32
        %get3A_796 = tpu.memref_slice %arg6[%scan3A_50, %get3A_794, %get3A_795] : memref<4x100x128xf32, #tpu.memory_space<vmem>> -> memref<1x100x128xf32, #tpu.memory_space<vmem>>
        %get3A_797 = tpu.memref_squeeze %get3A_796 : memref<1x100x128xf32, #tpu.memory_space<vmem>> -> memref<100x128xf32, #tpu.memory_space<vmem>>
        %get3A_798 = arith.index_cast %add3A_793 : i32 to index
        %get3A_799 = arith.constant 32 : index
        %get3A_800 = tpu.vector_load %get3A_797[%get3A_798, %get3A_799] {strides = array<i32>} : memref<100x128xf32, #tpu.memory_space<vmem>>, vector<1x16xf32>,
        %get3A_801 = vector.shape_cast %get3A_800 : vector<1x16xf32> to vector<16xf32>
        %add3A_802 = arith.addf %scan3A_689, %get3A_801 : vector<16xf32>
        %add3A_803 = arith.constant 50 : i32
        %add3A_804 = arith.addi %add3A_803, %add3A_698 : i32
        %get3A_805 = arith.constant 0 : i32
        %get3A_806 = arith.constant 0 : i32
        %get3A_807 = tpu.memref_slice %arg6[%scan3A_50, %get3A_805, %get3A_806] : memref<4x100x128xf32, #tpu.memory_space<vmem>> -> memref<1x100x128xf32, #tpu.memory_space<vmem>>
        %get3A_808 = tpu.memref_squeeze %get3A_807 : memref<1x100x128xf32, #tpu.memory_space<vmem>> -> memref<100x128xf32, #tpu.memory_space<vmem>>
        %get3A_809 = arith.index_cast %add3A_804 : i32 to index
        %get3A_810 = arith.constant 48 : index
        %get3A_811 = tpu.vector_load %get3A_808[%get3A_809, %get3A_810] {strides = array<i32>} : memref<100x128xf32, #tpu.memory_space<vmem>>, vector<1x16xf32>,
        %get3A_812 = vector.shape_cast %get3A_811 : vector<1x16xf32> to vector<16xf32>
        %add3A_813 = arith.addf %scan3A_690, %get3A_812 : vector<16xf32>
        %add3A_814 = arith.constant 50 : i32
        %add3A_815 = arith.addi %add3A_814, %add3A_698 : i32
        %get3A_816 = arith.constant 0 : i32
        %get3A_817 = arith.constant 0 : i32
        %get3A_818 = tpu.memref_slice %arg6[%scan3A_50, %get3A_816, %get3A_817] : memref<4x100x128xf32, #tpu.memory_space<vmem>> -> memref<1x100x128xf32, #tpu.memory_space<vmem>>
        %get3A_819 = tpu.memref_squeeze %get3A_818 : memref<1x100x128xf32, #tpu.memory_space<vmem>> -> memref<100x128xf32, #tpu.memory_space<vmem>>
        %get3A_820 = arith.index_cast %add3A_815 : i32 to index
        %get3A_821 = arith.constant 64 : index
        %get3A_822 = tpu.vector_load %get3A_819[%get3A_820, %get3A_821] {strides = array<i32>} : memref<100x128xf32, #tpu.memory_space<vmem>>, vector<1x16xf32>,
        %get3A_823 = vector.shape_cast %get3A_822 : vector<1x16xf32> to vector<16xf32>
        %add3A_824 = arith.addf %scan3A_691, %get3A_823 : vector<16xf32>
        %add3A_825 = arith.constant 50 : i32
        %add3A_826 = arith.addi %add3A_825, %add3A_698 : i32
        %get3A_827 = arith.constant 0 : i32
        %get3A_828 = arith.constant 0 : i32
        %get3A_829 = tpu.memref_slice %arg6[%scan3A_50, %get3A_827, %get3A_828] : memref<4x100x128xf32, #tpu.memory_space<vmem>> -> memref<1x100x128xf32, #tpu.memory_space<vmem>>
        %get3A_830 = tpu.memref_squeeze %get3A_829 : memref<1x100x128xf32, #tpu.memory_space<vmem>> -> memref<100x128xf32, #tpu.memory_space<vmem>>
        %get3A_831 = arith.index_cast %add3A_826 : i32 to index
        %get3A_832 = arith.constant 80 : index
        %get3A_833 = tpu.vector_load %get3A_830[%get3A_831, %get3A_832] {strides = array<i32>} : memref<100x128xf32, #tpu.memory_space<vmem>>, vector<1x16xf32>,
        %get3A_834 = vector.shape_cast %get3A_833 : vector<1x16xf32> to vector<16xf32>
        %add3A_835 = arith.addf %scan3A_692, %get3A_834 : vector<16xf32>
        %add3A_836 = arith.constant 50 : i32
        %add3A_837 = arith.addi %add3A_836, %add3A_698 : i32
        %get3A_838 = arith.constant 0 : i32
        %get3A_839 = arith.constant 0 : i32
        %get3A_840 = tpu.memref_slice %arg6[%scan3A_50, %get3A_838, %get3A_839] : memref<4x100x128xf32, #tpu.memory_space<vmem>> -> memref<1x100x128xf32, #tpu.memory_space<vmem>>
        %get3A_841 = tpu.memref_squeeze %get3A_840 : memref<1x100x128xf32, #tpu.memory_space<vmem>> -> memref<100x128xf32, #tpu.memory_space<vmem>>
        %get3A_842 = arith.index_cast %add3A_837 : i32 to index
        %get3A_843 = arith.constant 96 : index
        %get3A_844 = tpu.vector_load %get3A_841[%get3A_842, %get3A_843] {strides = array<i32>} : memref<100x128xf32, #tpu.memory_space<vmem>>, vector<1x16xf32>,
        %get3A_845 = vector.shape_cast %get3A_844 : vector<1x16xf32> to vector<16xf32>
        %add3A_846 = arith.addf %scan3A_693, %get3A_845 : vector<16xf32>
        %add3A_847 = arith.constant 50 : i32
        %add3A_848 = arith.addi %add3A_847, %add3A_698 : i32
        %get3A_849 = arith.constant 0 : i32
        %get3A_850 = arith.constant 0 : i32
        %get3A_851 = tpu.memref_slice %arg6[%scan3A_50, %get3A_849, %get3A_850] : memref<4x100x128xf32, #tpu.memory_space<vmem>> -> memref<1x100x128xf32, #tpu.memory_space<vmem>>
        %get3A_852 = tpu.memref_squeeze %get3A_851 : memref<1x100x128xf32, #tpu.memory_space<vmem>> -> memref<100x128xf32, #tpu.memory_space<vmem>>
        %get3A_853 = arith.index_cast %add3A_848 : i32 to index
        %get3A_854 = arith.constant 112 : index
        %get3A_855 = tpu.vector_load %get3A_852[%get3A_853, %get3A_854] {strides = array<i32>} : memref<100x128xf32, #tpu.memory_space<vmem>>, vector<1x16xf32>,
        %get3A_856 = vector.shape_cast %get3A_855 : vector<1x16xf32> to vector<16xf32>
        %add3A_857 = arith.addf %scan3A_694, %get3A_856 : vector<16xf32>
        %add3A_858 = arith.constant 1 : i32
        %add3A_859 = arith.addi %mul3A_696, %add3A_858 : i32
        %get3A_860 = arith.constant 0 : i32
        %get3A_861 = arith.constant 0 : i32
        %get3A_862 = tpu.memref_slice %arg6[%scan3A_50, %get3A_860, %get3A_861] : memref<4x100x128xf32, #tpu.memory_space<vmem>> -> memref<1x100x128xf32, #tpu.memory_space<vmem>>
        %get3A_863 = tpu.memref_squeeze %get3A_862 : memref<1x100x128xf32, #tpu.memory_space<vmem>> -> memref<100x128xf32, #tpu.memory_space<vmem>>
        %get3A_864 = arith.index_cast %add3A_859 : i32 to index
        %get3A_865 = arith.constant 0 : index
        %get3A_866 = tpu.vector_load %get3A_863[%get3A_864, %get3A_865] {strides = array<i32>} : memref<100x128xf32, #tpu.memory_space<vmem>>, vector<1x16xf32>,
        %get3A_867 = vector.shape_cast %get3A_866 : vector<1x16xf32> to vector<16xf32>
        %add3A_868 = arith.addf %add3A_706, %get3A_867 : vector<16xf32>
        %get3A_869 = arith.constant 0 : i32
        %get3A_870 = arith.constant 0 : i32
        %get3A_871 = tpu.memref_slice %arg6[%scan3A_50, %get3A_869, %get3A_870] : memref<4x100x128xf32, #tpu.memory_space<vmem>> -> memref<1x100x128xf32, #tpu.memory_space<vmem>>
        %get3A_872 = tpu.memref_squeeze %get3A_871 : memref<1x100x128xf32, #tpu.memory_space<vmem>> -> memref<100x128xf32, #tpu.memory_space<vmem>>
        %get3A_873 = arith.index_cast %add3A_859 : i32 to index
        %get3A_874 = arith.constant 16 : index
        %get3A_875 = tpu.vector_load %get3A_872[%get3A_873, %get3A_874] {strides = array<i32>} : memref<100x128xf32, #tpu.memory_space<vmem>>, vector<1x16xf32>,
        %get3A_876 = vector.shape_cast %get3A_875 : vector<1x16xf32> to vector<16xf32>
        %add3A_877 = arith.addf %add3A_715, %get3A_876 : vector<16xf32>
        %get3A_878 = arith.constant 0 : i32
        %get3A_879 = arith.constant 0 : i32
        %get3A_880 = tpu.memref_slice %arg6[%scan3A_50, %get3A_878, %get3A_879] : memref<4x100x128xf32, #tpu.memory_space<vmem>> -> memref<1x100x128xf32, #tpu.memory_space<vmem>>
        %get3A_881 = tpu.memref_squeeze %get3A_880 : memref<1x100x128xf32, #tpu.memory_space<vmem>> -> memref<100x128xf32, #tpu.memory_space<vmem>>
        %get3A_882 = arith.index_cast %add3A_859 : i32 to index
        %get3A_883 = arith.constant 32 : index
        %get3A_884 = tpu.vector_load %get3A_881[%get3A_882, %get3A_883] {strides = array<i32>} : memref<100x128xf32, #tpu.memory_space<vmem>>, vector<1x16xf32>,
        %get3A_885 = vector.shape_cast %get3A_884 : vector<1x16xf32> to vector<16xf32>
        %add3A_886 = arith.addf %add3A_724, %get3A_885 : vector<16xf32>
        %get3A_887 = arith.constant 0 : i32
        %get3A_888 = arith.constant 0 : i32
        %get3A_889 = tpu.memref_slice %arg6[%scan3A_50, %get3A_887, %get3A_888] : memref<4x100x128xf32, #tpu.memory_space<vmem>> -> memref<1x100x128xf32, #tpu.memory_space<vmem>>
        %get3A_890 = tpu.memref_squeeze %get3A_889 : memref<1x100x128xf32, #tpu.memory_space<vmem>> -> memref<100x128xf32, #tpu.memory_space<vmem>>
        %get3A_891 = arith.index_cast %add3A_859 : i32 to index
        %get3A_892 = arith.constant 48 : index
        %get3A_893 = tpu.vector_load %get3A_890[%get3A_891, %get3A_892] {strides = array<i32>} : memref<100x128xf32, #tpu.memory_space<vmem>>, vector<1x16xf32>,
        %get3A_894 = vector.shape_cast %get3A_893 : vector<1x16xf32> to vector<16xf32>
        %add3A_895 = arith.addf %add3A_733, %get3A_894 : vector<16xf32>
        %get3A_896 = arith.constant 0 : i32
        %get3A_897 = arith.constant 0 : i32
        %get3A_898 = tpu.memref_slice %arg6[%scan3A_50, %get3A_896, %get3A_897] : memref<4x100x128xf32, #tpu.memory_space<vmem>> -> memref<1x100x128xf32, #tpu.memory_space<vmem>>
        %get3A_899 = tpu.memref_squeeze %get3A_898 : memref<1x100x128xf32, #tpu.memory_space<vmem>> -> memref<100x128xf32, #tpu.memory_space<vmem>>
        %get3A_900 = arith.index_cast %add3A_859 : i32 to index
        %get3A_901 = arith.constant 64 : index
        %get3A_902 = tpu.vector_load %get3A_899[%get3A_900, %get3A_901] {strides = array<i32>} : memref<100x128xf32, #tpu.memory_space<vmem>>, vector<1x16xf32>,
        %get3A_903 = vector.shape_cast %get3A_902 : vector<1x16xf32> to vector<16xf32>
        %add3A_904 = arith.addf %add3A_742, %get3A_903 : vector<16xf32>
        %get3A_905 = arith.constant 0 : i32
        %get3A_906 = arith.constant 0 : i32
        %get3A_907 = tpu.memref_slice %arg6[%scan3A_50, %get3A_905, %get3A_906] : memref<4x100x128xf32, #tpu.memory_space<vmem>> -> memref<1x100x128xf32, #tpu.memory_space<vmem>>
        %get3A_908 = tpu.memref_squeeze %get3A_907 : memref<1x100x128xf32, #tpu.memory_space<vmem>> -> memref<100x128xf32, #tpu.memory_space<vmem>>
        %get3A_909 = arith.index_cast %add3A_859 : i32 to index
        %get3A_910 = arith.constant 80 : index
        %get3A_911 = tpu.vector_load %get3A_908[%get3A_909, %get3A_910] {strides = array<i32>} : memref<100x128xf32, #tpu.memory_space<vmem>>, vector<1x16xf32>,
        %get3A_912 = vector.shape_cast %get3A_911 : vector<1x16xf32> to vector<16xf32>
        %add3A_913 = arith.addf %add3A_751, %get3A_912 : vector<16xf32>
        %get3A_914 = arith.constant 0 : i32
        %get3A_915 = arith.constant 0 : i32
        %get3A_916 = tpu.memref_slice %arg6[%scan3A_50, %get3A_914, %get3A_915] : memref<4x100x128xf32, #tpu.memory_space<vmem>> -> memref<1x100x128xf32, #tpu.memory_space<vmem>>
        %get3A_917 = tpu.memref_squeeze %get3A_916 : memref<1x100x128xf32, #tpu.memory_space<vmem>> -> memref<100x128xf32, #tpu.memory_space<vmem>>
        %get3A_918 = arith.index_cast %add3A_859 : i32 to index
        %get3A_919 = arith.constant 96 : index
        %get3A_920 = tpu.vector_load %get3A_917[%get3A_918, %get3A_919] {strides = array<i32>} : memref<100x128xf32, #tpu.memory_space<vmem>>, vector<1x16xf32>,
        %get3A_921 = vector.shape_cast %get3A_920 : vector<1x16xf32> to vector<16xf32>
        %add3A_922 = arith.addf %add3A_760, %get3A_921 : vector<16xf32>
        %get3A_923 = arith.constant 0 : i32
        %get3A_924 = arith.constant 0 : i32
        %get3A_925 = tpu.memref_slice %arg6[%scan3A_50, %get3A_923, %get3A_924] : memref<4x100x128xf32, #tpu.memory_space<vmem>> -> memref<1x100x128xf32, #tpu.memory_space<vmem>>
        %get3A_926 = tpu.memref_squeeze %get3A_925 : memref<1x100x128xf32, #tpu.memory_space<vmem>> -> memref<100x128xf32, #tpu.memory_space<vmem>>
        %get3A_927 = arith.index_cast %add3A_859 : i32 to index
        %get3A_928 = arith.constant 112 : index
        %get3A_929 = tpu.vector_load %get3A_926[%get3A_927, %get3A_928] {strides = array<i32>} : memref<100x128xf32, #tpu.memory_space<vmem>>, vector<1x16xf32>,
        %get3A_930 = vector.shape_cast %get3A_929 : vector<1x16xf32> to vector<16xf32>
        %add3A_931 = arith.addf %add3A_769, %get3A_930 : vector<16xf32>
        %add3A_932 = arith.constant 50 : i32
        %add3A_933 = arith.addi %add3A_932, %add3A_859 : i32
        %get3A_934 = arith.constant 0 : i32
        %get3A_935 = arith.constant 0 : i32
        %get3A_936 = tpu.memref_slice %arg6[%scan3A_50, %get3A_934, %get3A_935] : memref<4x100x128xf32, #tpu.memory_space<vmem>> -> memref<1x100x128xf32, #tpu.memory_space<vmem>>
        %get3A_937 = tpu.memref_squeeze %get3A_936 : memref<1x100x128xf32, #tpu.memory_space<vmem>> -> memref<100x128xf32, #tpu.memory_space<vmem>>
        %get3A_938 = arith.index_cast %add3A_933 : i32 to index
        %get3A_939 = arith.constant 0 : index
        %get3A_940 = tpu.vector_load %get3A_937[%get3A_938, %get3A_939] {strides = array<i32>} : memref<100x128xf32, #tpu.memory_space<vmem>>, vector<1x16xf32>,
        %get3A_941 = vector.shape_cast %get3A_940 : vector<1x16xf32> to vector<16xf32>
        %add3A_942 = arith.addf %add3A_780, %get3A_941 : vector<16xf32>
        %add3A_943 = arith.constant 50 : i32
        %add3A_944 = arith.addi %add3A_943, %add3A_859 : i32
        %get3A_945 = arith.constant 0 : i32
        %get3A_946 = arith.constant 0 : i32
        %get3A_947 = tpu.memref_slice %arg6[%scan3A_50, %get3A_945, %get3A_946] : memref<4x100x128xf32, #tpu.memory_space<vmem>> -> memref<1x100x128xf32, #tpu.memory_space<vmem>>
        %get3A_948 = tpu.memref_squeeze %get3A_947 : memref<1x100x128xf32, #tpu.memory_space<vmem>> -> memref<100x128xf32, #tpu.memory_space<vmem>>
        %get3A_949 = arith.index_cast %add3A_944 : i32 to index
        %get3A_950 = arith.constant 16 : index
        %get3A_951 = tpu.vector_load %get3A_948[%get3A_949, %get3A_950] {strides = array<i32>} : memref<100x128xf32, #tpu.memory_space<vmem>>, vector<1x16xf32>,
        %get3A_952 = vector.shape_cast %get3A_951 : vector<1x16xf32> to vector<16xf32>
        %add3A_953 = arith.addf %add3A_791, %get3A_952 : vector<16xf32>
        %add3A_954 = arith.constant 50 : i32
        %add3A_955 = arith.addi %add3A_954, %add3A_859 : i32
        %get3A_956 = arith.constant 0 : i32
        %get3A_957 = arith.constant 0 : i32
        %get3A_958 = tpu.memref_slice %arg6[%scan3A_50, %get3A_956, %get3A_957] : memref<4x100x128xf32, #tpu.memory_space<vmem>> -> memref<1x100x128xf32, #tpu.memory_space<vmem>>
        %get3A_959 = tpu.memref_squeeze %get3A_958 : memref<1x100x128xf32, #tpu.memory_space<vmem>> -> memref<100x128xf32, #tpu.memory_space<vmem>>
        %get3A_960 = arith.index_cast %add3A_955 : i32 to index
        %get3A_961 = arith.constant 32 : index
        %get3A_962 = tpu.vector_load %get3A_959[%get3A_960, %get3A_961] {strides = array<i32>} : memref<100x128xf32, #tpu.memory_space<vmem>>, vector<1x16xf32>,
        %get3A_963 = vector.shape_cast %get3A_962 : vector<1x16xf32> to vector<16xf32>
        %add3A_964 = arith.addf %add3A_802, %get3A_963 : vector<16xf32>
        %add3A_965 = arith.constant 50 : i32
        %add3A_966 = arith.addi %add3A_965, %add3A_859 : i32
        %get3A_967 = arith.constant 0 : i32
        %get3A_968 = arith.constant 0 : i32
        %get3A_969 = tpu.memref_slice %arg6[%scan3A_50, %get3A_967, %get3A_968] : memref<4x100x128xf32, #tpu.memory_space<vmem>> -> memref<1x100x128xf32, #tpu.memory_space<vmem>>
        %get3A_970 = tpu.memref_squeeze %get3A_969 : memref<1x100x128xf32, #tpu.memory_space<vmem>> -> memref<100x128xf32, #tpu.memory_space<vmem>>
        %get3A_971 = arith.index_cast %add3A_966 : i32 to index
        %get3A_972 = arith.constant 48 : index
        %get3A_973 = tpu.vector_load %get3A_970[%get3A_971, %get3A_972] {strides = array<i32>} : memref<100x128xf32, #tpu.memory_space<vmem>>, vector<1x16xf32>,
        %get3A_974 = vector.shape_cast %get3A_973 : vector<1x16xf32> to vector<16xf32>
        %add3A_975 = arith.addf %add3A_813, %get3A_974 : vector<16xf32>
        %add3A_976 = arith.constant 50 : i32
        %add3A_977 = arith.addi %add3A_976, %add3A_859 : i32
        %get3A_978 = arith.constant 0 : i32
        %get3A_979 = arith.constant 0 : i32
        %get3A_980 = tpu.memref_slice %arg6[%scan3A_50, %get3A_978, %get3A_979] : memref<4x100x128xf32, #tpu.memory_space<vmem>> -> memref<1x100x128xf32, #tpu.memory_space<vmem>>
        %get3A_981 = tpu.memref_squeeze %get3A_980 : memref<1x100x128xf32, #tpu.memory_space<vmem>> -> memref<100x128xf32, #tpu.memory_space<vmem>>
        %get3A_982 = arith.index_cast %add3A_977 : i32 to index
        %get3A_983 = arith.constant 64 : index
        %get3A_984 = tpu.vector_load %get3A_981[%get3A_982, %get3A_983] {strides = array<i32>} : memref<100x128xf32, #tpu.memory_space<vmem>>, vector<1x16xf32>,
        %get3A_985 = vector.shape_cast %get3A_984 : vector<1x16xf32> to vector<16xf32>
        %add3A_986 = arith.addf %add3A_824, %get3A_985 : vector<16xf32>
        %add3A_987 = arith.constant 50 : i32
        %add3A_988 = arith.addi %add3A_987, %add3A_859 : i32
        %get3A_989 = arith.constant 0 : i32
        %get3A_990 = arith.constant 0 : i32
        %get3A_991 = tpu.memref_slice %arg6[%scan3A_50, %get3A_989, %get3A_990] : memref<4x100x128xf32, #tpu.memory_space<vmem>> -> memref<1x100x128xf32, #tpu.memory_space<vmem>>
        %get3A_992 = tpu.memref_squeeze %get3A_991 : memref<1x100x128xf32, #tpu.memory_space<vmem>> -> memref<100x128xf32, #tpu.memory_space<vmem>>
        %get3A_993 = arith.index_cast %add3A_988 : i32 to index
        %get3A_994 = arith.constant 80 : index
        %get3A_995 = tpu.vector_load %get3A_992[%get3A_993, %get3A_994] {strides = array<i32>} : memref<100x128xf32, #tpu.memory_space<vmem>>, vector<1x16xf32>,
        %get3A_996 = vector.shape_cast %get3A_995 : vector<1x16xf32> to vector<16xf32>
        %add3A_997 = arith.addf %add3A_835, %get3A_996 : vector<16xf32>
        %add3A_998 = arith.constant 50 : i32
        %add3A_999 = arith.addi %add3A_998, %add3A_859 : i32
        %get3A_1000 = arith.constant 0 : i32
        %get3A_1001 = arith.constant 0 : i32
        %get3A_1002 = tpu.memref_slice %arg6[%scan3A_50, %get3A_1000, %get3A_1001] : memref<4x100x128xf32, #tpu.memory_space<vmem>> -> memref<1x100x128xf32, #tpu.memory_space<vmem>>
        %get3A_1003 = tpu.memref_squeeze %get3A_1002 : memref<1x100x128xf32, #tpu.memory_space<vmem>> -> memref<100x128xf32, #tpu.memory_space<vmem>>
        %get3A_1004 = arith.index_cast %add3A_999 : i32 to index
        %get3A_1005 = arith.constant 96 : index
        %get3A_1006 = tpu.vector_load %get3A_1003[%get3A_1004, %get3A_1005] {strides = array<i32>} : memref<100x128xf32, #tpu.memory_space<vmem>>, vector<1x16xf32>,
        %get3A_1007 = vector.shape_cast %get3A_1006 : vector<1x16xf32> to vector<16xf32>
        %add3A_1008 = arith.addf %add3A_846, %get3A_1007 : vector<16xf32>
        %add3A_1009 = arith.constant 50 : i32
        %add3A_1010 = arith.addi %add3A_1009, %add3A_859 : i32
        %get3A_1011 = arith.constant 0 : i32
        %get3A_1012 = arith.constant 0 : i32
        %get3A_1013 = tpu.memref_slice %arg6[%scan3A_50, %get3A_1011, %get3A_1012] : memref<4x100x128xf32, #tpu.memory_space<vmem>> -> memref<1x100x128xf32, #tpu.memory_space<vmem>>
        %get3A_1014 = tpu.memref_squeeze %get3A_1013 : memref<1x100x128xf32, #tpu.memory_space<vmem>> -> memref<100x128xf32, #tpu.memory_space<vmem>>
        %get3A_1015 = arith.index_cast %add3A_1010 : i32 to index
        %get3A_1016 = arith.constant 112 : index
        %get3A_1017 = tpu.vector_load %get3A_1014[%get3A_1015, %get3A_1016] {strides = array<i32>} : memref<100x128xf32, #tpu.memory_space<vmem>>, vector<1x16xf32>,
        %get3A_1018 = vector.shape_cast %get3A_1017 : vector<1x16xf32> to vector<16xf32>
        %add3A_1019 = arith.addf %add3A_857, %get3A_1018 : vector<16xf32>
        scf.yield %add3A_868, %add3A_877, %add3A_886, %add3A_895, %add3A_904, %add3A_913, %add3A_922, %add3A_931, %add3A_942, %add3A_953, %add3A_964, %add3A_975, %add3A_986, %add3A_997, %add3A_1008, %add3A_1019 : vector<16xf32>, vector<16xf32>, vector<16xf32>, vector<16xf32>, vector<16xf32>, vector<16xf32>, vector<16xf32>, vector<16xf32>, vector<16xf32>, vector<16xf32>, vector<16xf32>, vector<16xf32>, vector<16xf32>, vector<16xf32>, vector<16xf32>, vector<16xf32>
      }
      %scan3A_115 = arith.constant 25 : i32
      %swap3A = arith.index_cast %mul3A_78 : i32 to index
      %swap3A_116 = arith.constant 0 : index
      %swap3A_117 = tpu.vector_load %arg7[%swap3A, %swap3A_116] {strides = array<i32>} : memref<128x128xf32, #tpu.memory_space<vmem>>, vector<1x16xf32>,
      %swap3A_118 = vector.shape_cast %swap3A_117 : vector<1x16xf32> to vector<16xf32>
      %swap3A_119 = vector.shape_cast %scan3A_114#0 : vector<16xf32> to vector<1x16xf32>
      tpu.vector_store %arg7[%swap3A, %swap3A_116], %swap3A_119 {strides = array<i32>} : memref<128x128xf32, #tpu.memory_space<vmem>>, vector<1x16xf32>,
      %add3A_120 = arith.constant 1 : i32
      %add3A_121 = arith.addi %mul3A_78, %add3A_120 : i32
      %swap3A_122 = arith.index_cast %add3A_121 : i32 to index
      %swap3A_123 = arith.constant 0 : index
      %swap3A_124 = tpu.vector_load %arg7[%swap3A_122, %swap3A_123] {strides = array<i32>} : memref<128x128xf32, #tpu.memory_space<vmem>>, vector<1x16xf32>,
      %swap3A_125 = vector.shape_cast %swap3A_124 : vector<1x16xf32> to vector<16xf32>
      %swap3A_126 = vector.shape_cast %scan3A_114#8 : vector<16xf32> to vector<1x16xf32>
      tpu.vector_store %arg7[%swap3A_122, %swap3A_123], %swap3A_126 {strides = array<i32>} : memref<128x128xf32, #tpu.memory_space<vmem>>, vector<1x16xf32>,
      %swap3A_127 = arith.index_cast %mul3A_78 : i32 to index
      %swap3A_128 = arith.constant 16 : index
      %swap3A_129 = tpu.vector_load %arg7[%swap3A_127, %swap3A_128] {strides = array<i32>} : memref<128x128xf32, #tpu.memory_space<vmem>>, vector<1x16xf32>,
      %swap3A_130 = vector.shape_cast %swap3A_129 : vector<1x16xf32> to vector<16xf32>
      %swap3A_131 = vector.shape_cast %scan3A_114#1 : vector<16xf32> to vector<1x16xf32>
      tpu.vector_store %arg7[%swap3A_127, %swap3A_128], %swap3A_131 {strides = array<i32>} : memref<128x128xf32, #tpu.memory_space<vmem>>, vector<1x16xf32>,
      %add3A_132 = arith.constant 1 : i32
      %add3A_133 = arith.addi %mul3A_78, %add3A_132 : i32
      %swap3A_134 = arith.index_cast %add3A_133 : i32 to index
      %swap3A_135 = arith.constant 16 : index
      %swap3A_136 = tpu.vector_load %arg7[%swap3A_134, %swap3A_135] {strides = array<i32>} : memref<128x128xf32, #tpu.memory_space<vmem>>, vector<1x16xf32>,
      %swap3A_137 = vector.shape_cast %swap3A_136 : vector<1x16xf32> to vector<16xf32>
      %swap3A_138 = vector.shape_cast %scan3A_114#9 : vector<16xf32> to vector<1x16xf32>
      tpu.vector_store %arg7[%swap3A_134, %swap3A_135], %swap3A_138 {strides = array<i32>} : memref<128x128xf32, #tpu.memory_space<vmem>>, vector<1x16xf32>,
      %swap3A_139 = arith.index_cast %mul3A_78 : i32 to index
      %swap3A_140 = arith.constant 32 : index
      %swap3A_141 = tpu.vector_load %arg7[%swap3A_139, %swap3A_140] {strides = array<i32>} : memref<128x128xf32, #tpu.memory_space<vmem>>, vector<1x16xf32>,
      %swap3A_142 = vector.shape_cast %swap3A_141 : vector<1x16xf32> to vector<16xf32>
      %swap3A_143 = vector.shape_cast %scan3A_114#2 : vector<16xf32> to vector<1x16xf32>
      tpu.vector_store %arg7[%swap3A_139, %swap3A_140], %swap3A_143 {strides = array<i32>} : memref<128x128xf32, #tpu.memory_space<vmem>>, vector<1x16xf32>,
      %add3A_144 = arith.constant 1 : i32
      %add3A_145 = arith.addi %mul3A_78, %add3A_144 : i32
      %swap3A_146 = arith.index_cast %add3A_145 : i32 to index
      %swap3A_147 = arith.constant 32 : index
      %swap3A_148 = tpu.vector_load %arg7[%swap3A_146, %swap3A_147] {strides = array<i32>} : memref<128x128xf32, #tpu.memory_space<vmem>>, vector<1x16xf32>,
      %swap3A_149 = vector.shape_cast %swap3A_148 : vector<1x16xf32> to vector<16xf32>
      %swap3A_150 = vector.shape_cast %scan3A_114#10 : vector<16xf32> to vector<1x16xf32>
      tpu.vector_store %arg7[%swap3A_146, %swap3A_147], %swap3A_150 {strides = array<i32>} : memref<128x128xf32, #tpu.memory_space<vmem>>, vector<1x16xf32>,
      %swap3A_151 = arith.index_cast %mul3A_78 : i32 to index
      %swap3A_152 = arith.constant 48 : index
      %swap3A_153 = tpu.vector_load %arg7[%swap3A_151, %swap3A_152] {strides = array<i32>} : memref<128x128xf32, #tpu.memory_space<vmem>>, vector<1x16xf32>,
      %swap3A_154 = vector.shape_cast %swap3A_153 : vector<1x16xf32> to vector<16xf32>
      %swap3A_155 = vector.shape_cast %scan3A_114#3 : vector<16xf32> to vector<1x16xf32>
      tpu.vector_store %arg7[%swap3A_151, %swap3A_152], %swap3A_155 {strides = array<i32>} : memref<128x128xf32, #tpu.memory_space<vmem>>, vector<1x16xf32>,
      %add3A_156 = arith.constant 1 : i32
      %add3A_157 = arith.addi %mul3A_78, %add3A_156 : i32
      %swap3A_158 = arith.index_cast %add3A_157 : i32 to index
      %swap3A_159 = arith.constant 48 : index
      %swap3A_160 = tpu.vector_load %arg7[%swap3A_158, %swap3A_159] {strides = array<i32>} : memref<128x128xf32, #tpu.memory_space<vmem>>, vector<1x16xf32>,
      %swap3A_161 = vector.shape_cast %swap3A_160 : vector<1x16xf32> to vector<16xf32>
      %swap3A_162 = vector.shape_cast %scan3A_114#11 : vector<16xf32> to vector<1x16xf32>
      tpu.vector_store %arg7[%swap3A_158, %swap3A_159], %swap3A_162 {strides = array<i32>} : memref<128x128xf32, #tpu.memory_space<vmem>>, vector<1x16xf32>,
      %swap3A_163 = arith.index_cast %mul3A_78 : i32 to index
      %swap3A_164 = arith.constant 64 : index
      %swap3A_165 = tpu.vector_load %arg7[%swap3A_163, %swap3A_164] {strides = array<i32>} : memref<128x128xf32, #tpu.memory_space<vmem>>, vector<1x16xf32>,
      %swap3A_166 = vector.shape_cast %swap3A_165 : vector<1x16xf32> to vector<16xf32>
      %swap3A_167 = vector.shape_cast %scan3A_114#4 : vector<16xf32> to vector<1x16xf32>
      tpu.vector_store %arg7[%swap3A_163, %swap3A_164], %swap3A_167 {strides = array<i32>} : memref<128x128xf32, #tpu.memory_space<vmem>>, vector<1x16xf32>,
      %add3A_168 = arith.constant 1 : i32
      %add3A_169 = arith.addi %mul3A_78, %add3A_168 : i32
      %swap3A_170 = arith.index_cast %add3A_169 : i32 to index
      %swap3A_171 = arith.constant 64 : index
      %swap3A_172 = tpu.vector_load %arg7[%swap3A_170, %swap3A_171] {strides = array<i32>} : memref<128x128xf32, #tpu.memory_space<vmem>>, vector<1x16xf32>,
      %swap3A_173 = vector.shape_cast %swap3A_172 : vector<1x16xf32> to vector<16xf32>
      %swap3A_174 = vector.shape_cast %scan3A_114#12 : vector<16xf32> to vector<1x16xf32>
      tpu.vector_store %arg7[%swap3A_170, %swap3A_171], %swap3A_174 {strides = array<i32>} : memref<128x128xf32, #tpu.memory_space<vmem>>, vector<1x16xf32>,
      %swap3A_175 = arith.index_cast %mul3A_78 : i32 to index
      %swap3A_176 = arith.constant 80 : index
      %swap3A_177 = tpu.vector_load %arg7[%swap3A_175, %swap3A_176] {strides = array<i32>} : memref<128x128xf32, #tpu.memory_space<vmem>>, vector<1x16xf32>,
      %swap3A_178 = vector.shape_cast %swap3A_177 : vector<1x16xf32> to vector<16xf32>
      %swap3A_179 = vector.shape_cast %scan3A_114#5 : vector<16xf32> to vector<1x16xf32>
      tpu.vector_store %arg7[%swap3A_175, %swap3A_176], %swap3A_179 {strides = array<i32>} : memref<128x128xf32, #tpu.memory_space<vmem>>, vector<1x16xf32>,
      %add3A_180 = arith.constant 1 : i32
      %add3A_181 = arith.addi %mul3A_78, %add3A_180 : i32
      %swap3A_182 = arith.index_cast %add3A_181 : i32 to index
      %swap3A_183 = arith.constant 80 : index
      %swap3A_184 = tpu.vector_load %arg7[%swap3A_182, %swap3A_183] {strides = array<i32>} : memref<128x128xf32, #tpu.memory_space<vmem>>, vector<1x16xf32>,
      %swap3A_185 = vector.shape_cast %swap3A_184 : vector<1x16xf32> to vector<16xf32>
      %swap3A_186 = vector.shape_cast %scan3A_114#13 : vector<16xf32> to vector<1x16xf32>
      tpu.vector_store %arg7[%swap3A_182, %swap3A_183], %swap3A_186 {strides = array<i32>} : memref<128x128xf32, #tpu.memory_space<vmem>>, vector<1x16xf32>,
      %swap3A_187 = arith.index_cast %mul3A_78 : i32 to index
      %swap3A_188 = arith.constant 96 : index
      %swap3A_189 = tpu.vector_load %arg7[%swap3A_187, %swap3A_188] {strides = array<i32>} : memref<128x128xf32, #tpu.memory_space<vmem>>, vector<1x16xf32>,
      %swap3A_190 = vector.shape_cast %swap3A_189 : vector<1x16xf32> to vector<16xf32>
      %swap3A_191 = vector.shape_cast %scan3A_114#6 : vector<16xf32> to vector<1x16xf32>
      tpu.vector_store %arg7[%swap3A_187, %swap3A_188], %swap3A_191 {strides = array<i32>} : memref<128x128xf32, #tpu.memory_space<vmem>>, vector<1x16xf32>,
      %add3A_192 = arith.constant 1 : i32
      %add3A_193 = arith.addi %mul3A_78, %add3A_192 : i32
      %swap3A_194 = arith.index_cast %add3A_193 : i32 to index
      %swap3A_195 = arith.constant 96 : index
      %swap3A_196 = tpu.vector_load %arg7[%swap3A_194, %swap3A_195] {strides = array<i32>} : memref<128x128xf32, #tpu.memory_space<vmem>>, vector<1x16xf32>,
      %swap3A_197 = vector.shape_cast %swap3A_196 : vector<1x16xf32> to vector<16xf32>
      %swap3A_198 = vector.shape_cast %scan3A_114#14 : vector<16xf32> to vector<1x16xf32>
      tpu.vector_store %arg7[%swap3A_194, %swap3A_195], %swap3A_198 {strides = array<i32>} : memref<128x128xf32, #tpu.memory_space<vmem>>, vector<1x16xf32>,
      %swap3A_199 = arith.index_cast %mul3A_78 : i32 to index
      %swap3A_200 = arith.constant 112 : index
      %swap3A_201 = tpu.vector_load %arg7[%swap3A_199, %swap3A_200] {strides = array<i32>} : memref<128x128xf32, #tpu.memory_space<vmem>>, vector<1x16xf32>,
      %swap3A_202 = vector.shape_cast %swap3A_201 : vector<1x16xf32> to vector<16xf32>
      %swap3A_203 = vector.shape_cast %scan3A_114#7 : vector<16xf32> to vector<1x16xf32>
      tpu.vector_store %arg7[%swap3A_199, %swap3A_200], %swap3A_203 {strides = array<i32>} : memref<128x128xf32, #tpu.memory_space<vmem>>, vector<1x16xf32>,
      %add3A_204 = arith.constant 1 : i32
      %add3A_205 = arith.addi %mul3A_78, %add3A_204 : i32
      %swap3A_206 = arith.index_cast %add3A_205 : i32 to index
      %swap3A_207 = arith.constant 112 : index
      %swap3A_208 = tpu.vector_load %arg7[%swap3A_206, %swap3A_207] {strides = array<i32>} : memref<128x128xf32, #tpu.memory_space<vmem>>, vector<1x16xf32>,
      %swap3A_209 = vector.shape_cast %swap3A_208 : vector<1x16xf32> to vector<16xf32>
      %swap3A_210 = vector.shape_cast %scan3A_114#15 : vector<16xf32> to vector<1x16xf32>
      tpu.vector_store %arg7[%swap3A_206, %swap3A_207], %swap3A_210 {strides = array<i32>} : memref<128x128xf32, #tpu.memory_space<vmem>>, vector<1x16xf32>,
      %lt3A = arith.constant 15 : i32
      %lt3A_211 = arith.cmpi slt, %scan3A_61, %lt3A : i32
      %convert_element_type3A = arith.extui %lt3A_211 : i1 to i32
      %cond3A = arith.constant 0 : i32
      %cond3A_212 = arith.cmpi ne, %convert_element_type3A, %cond3A : i32
      scf.if %cond3A_212 {
        %add3A_678 = arith.constant 0 : i32
        %add3A_679 = arith.addi %mul3A_63, %add3A_678 : i32
        %add3A_680 = arith.constant 4 : i32
        %add3A_681 = arith.addi %add3A_679, %add3A_680 : i32
        %dma_start3A_682 = arith.constant 0 : i32
        %dma_start3A_683 = arith.constant 0 : i32
        %dma_start3A_684 = tpu.memref_slice %arg6[%scan3A_50, %dma_start3A_682, %dma_start3A_683] : memref<4x100x128xf32, #tpu.memory_space<vmem>> -> memref<1x100x128xf32, #tpu.memory_space<vmem>>
        %dma_start3A_685 = tpu.memref_squeeze %dma_start3A_684 : memref<1x100x128xf32, #tpu.memory_space<vmem>> -> memref<100x128xf32, #tpu.memory_space<vmem>>
        %dma_start3A_686 = arith.constant 0 : i32
        %dma_start3A_687 = tpu.memref_slice %arg5[%add3A_681, %dma_start3A_686] : memref<64x100xi32, #tpu.memory_space<vmem>> -> memref<1x100xi32, #tpu.memory_space<vmem>>
        %dma_start3A_688 = tpu.memref_squeeze %dma_start3A_687 : memref<1x100xi32, #tpu.memory_space<vmem>> -> memref<100xi32, #tpu.memory_space<vmem>>
        %dma_start3A_689 = arith.constant 0 : i32
        %dma_start3A_690 = arith.constant 0 : i32
        %dma_start3A_691 = tpu.memref_slice %arg3[%dma_start3A_689, %dma_start3A_690] : memref<100000x128xf32, #tpu.memory_space<hbm>> -> memref<100000x128xf32, #tpu.memory_space<hbm>>
        tpu.enqueue_indirect_dma source(%dma_start3A_691 : memref<100000x128xf32, #tpu.memory_space<hbm>>) target(%dma_start3A_685 : memref<100x128xf32, #tpu.memory_space<vmem>>) offsets(%dma_start3A_688 : memref<100xi32, #tpu.memory_space<vmem>>) semaphore(%arg8 : memref<!tpu.dma_semaphore, #tpu.memory_space<semaphore_mem>>)
      } else {
      }
      %add3A_213 = arith.constant 1 : i32
      %add3A_214 = arith.addi %mul3A_63, %add3A_213 : i32
      %dma_wait3A_215 = arith.constant 0 : i32
      %dma_wait3A_216 = arith.constant 0 : i32
      %dma_wait3A_217 = tpu.memref_slice %arg6[%scan3A_51, %dma_wait3A_215, %dma_wait3A_216] : memref<4x100x128xf32, #tpu.memory_space<vmem>> -> memref<1x100x128xf32, #tpu.memory_space<vmem>>
      %dma_wait3A_218 = tpu.memref_squeeze %dma_wait3A_217 : memref<1x100x128xf32, #tpu.memory_space<vmem>> -> memref<100x128xf32, #tpu.memory_space<vmem>>
      %dma_wait3A_219 = arith.constant 0 : i32
      %dma_wait3A_220 = tpu.memref_slice %arg5[%add3A_214, %dma_wait3A_219] : memref<64x100xi32, #tpu.memory_space<vmem>> -> memref<1x100xi32, #tpu.memory_space<vmem>>
      %dma_wait3A_221 = tpu.memref_squeeze %dma_wait3A_220 : memref<1x100xi32, #tpu.memory_space<vmem>> -> memref<100xi32, #tpu.memory_space<vmem>>
      %dma_wait3A_222 = arith.constant 0 : i32
      %dma_wait3A_223 = arith.constant 0 : i32
      %dma_wait3A_224 = tpu.memref_slice %arg3[%dma_wait3A_222, %dma_wait3A_223] : memref<100000x128xf32, #tpu.memory_space<hbm>> -> memref<100000x128xf32, #tpu.memory_space<hbm>>
      tpu.wait_indirect_dma semaphore(%arg9 : memref<!tpu.dma_semaphore, #tpu.memory_space<semaphore_mem>>) src(%dma_wait3A_224 : memref<100000x128xf32, #tpu.memory_space<hbm>>) dst(%dma_wait3A_218 : memref<100x128xf32, #tpu.memory_space<vmem>>)
      %add3A_225 = arith.constant 1 : i32
      %add3A_226 = arith.addi %mul3A_63, %add3A_225 : i32
      %mul3A_227 = arith.constant 2 : i32
      %mul3A_228 = arith.muli %mul3A_227, %add3A_226 : i32
      %broadcast_in_dim3A_229 = arith.constant 0.000000e+00 : f32
      %broadcast_in_dim3A_230 = vector.broadcast %broadcast_in_dim3A_229 : f32 to vector<16xf32>
      %broadcast_in_dim3A_231 = arith.constant 0.000000e+00 : f32
      %broadcast_in_dim3A_232 = vector.broadcast %broadcast_in_dim3A_231 : f32 to vector<16xf32>
      %broadcast_in_dim3A_233 = arith.constant 0.000000e+00 : f32
      %broadcast_in_dim3A_234 = vector.broadcast %broadcast_in_dim3A_233 : f32 to vector<16xf32>
      %broadcast_in_dim3A_235 = arith.constant 0.000000e+00 : f32
      %broadcast_in_dim3A_236 = vector.broadcast %broadcast_in_dim3A_235 : f32 to vector<16xf32>
      %broadcast_in_dim3A_237 = arith.constant 0.000000e+00 : f32
      %broadcast_in_dim3A_238 = vector.broadcast %broadcast_in_dim3A_237 : f32 to vector<16xf32>
      %broadcast_in_dim3A_239 = arith.constant 0.000000e+00 : f32
      %broadcast_in_dim3A_240 = vector.broadcast %broadcast_in_dim3A_239 : f32 to vector<16xf32>
      %broadcast_in_dim3A_241 = arith.constant 0.000000e+00 : f32
      %broadcast_in_dim3A_242 = vector.broadcast %broadcast_in_dim3A_241 : f32 to vector<16xf32>
      %broadcast_in_dim3A_243 = arith.constant 0.000000e+00 : f32
      %broadcast_in_dim3A_244 = vector.broadcast %broadcast_in_dim3A_243 : f32 to vector<16xf32>
      %broadcast_in_dim3A_245 = arith.constant 0.000000e+00 : f32
      %broadcast_in_dim3A_246 = vector.broadcast %broadcast_in_dim3A_245 : f32 to vector<16xf32>
      %broadcast_in_dim3A_247 = arith.constant 0.000000e+00 : f32
      %broadcast_in_dim3A_248 = vector.broadcast %broadcast_in_dim3A_247 : f32 to vector<16xf32>
      %broadcast_in_dim3A_249 = arith.constant 0.000000e+00 : f32
      %broadcast_in_dim3A_250 = vector.broadcast %broadcast_in_dim3A_249 : f32 to vector<16xf32>
      %broadcast_in_dim3A_251 = arith.constant 0.000000e+00 : f32
      %broadcast_in_dim3A_252 = vector.broadcast %broadcast_in_dim3A_251 : f32 to vector<16xf32>
      %broadcast_in_dim3A_253 = arith.constant 0.000000e+00 : f32
      %broadcast_in_dim3A_254 = vector.broadcast %broadcast_in_dim3A_253 : f32 to vector<16xf32>
      %broadcast_in_dim3A_255 = arith.constant 0.000000e+00 : f32
      %broadcast_in_dim3A_256 = vector.broadcast %broadcast_in_dim3A_255 : f32 to vector<16xf32>
      %broadcast_in_dim3A_257 = arith.constant 0.000000e+00 : f32
      %broadcast_in_dim3A_258 = vector.broadcast %broadcast_in_dim3A_257 : f32 to vector<16xf32>
      %broadcast_in_dim3A_259 = arith.constant 0.000000e+00 : f32
      %broadcast_in_dim3A_260 = vector.broadcast %broadcast_in_dim3A_259 : f32 to vector<16xf32>
      %scan3A_261 = arith.constant 0 : i32
      %scan3A_262 = arith.constant 25 : i32
      %scan3A_263 = arith.addi %scan3A_261, %scan3A_262 : i32
      %scan3A_264 = arith.constant 1 : i32
      %scan3A_265:16 = scf.for %scan3A_678 = %scan3A_261 to %scan3A_263 step %scan3A_264 iter_args(%scan3A_679 = %broadcast_in_dim3A_230, %scan3A_680 = %broadcast_in_dim3A_232, %scan3A_681 = %broadcast_in_dim3A_234, %scan3A_682 = %broadcast_in_dim3A_236, %scan3A_683 = %broadcast_in_dim3A_238, %scan3A_684 = %broadcast_in_dim3A_240, %scan3A_685 = %broadcast_in_dim3A_242, %scan3A_686 = %broadcast_in_dim3A_244, %scan3A_687 = %broadcast_in_dim3A_246, %scan3A_688 = %broadcast_in_dim3A_248, %scan3A_689 = %broadcast_in_dim3A_250, %scan3A_690 = %broadcast_in_dim3A_252, %scan3A_691 = %broadcast_in_dim3A_254, %scan3A_692 = %broadcast_in_dim3A_256, %scan3A_693 = %broadcast_in_dim3A_258, %scan3A_694 = %broadcast_in_dim3A_260) -> (vector<16xf32>, vector<16xf32>, vector<16xf32>, vector<16xf32>, vector<16xf32>, vector<16xf32>, vector<16xf32>, vector<16xf32>, vector<16xf32>, vector<16xf32>, vector<16xf32>, vector<16xf32>, vector<16xf32>, vector<16xf32>, vector<16xf32>, vector<16xf32>)  : i32 {
        %mul3A_695 = arith.constant 2 : i32
        %mul3A_696 = arith.muli %mul3A_695, %scan3A_678 : i32
        %add3A_697 = arith.constant 0 : i32
        %add3A_698 = arith.addi %mul3A_696, %add3A_697 : i32
        %get3A = arith.constant 0 : i32
        %get3A_699 = arith.constant 0 : i32
        %get3A_700 = tpu.memref_slice %arg6[%scan3A_51, %get3A, %get3A_699] : memref<4x100x128xf32, #tpu.memory_space<vmem>> -> memref<1x100x128xf32, #tpu.memory_space<vmem>>
        %get3A_701 = tpu.memref_squeeze %get3A_700 : memref<1x100x128xf32, #tpu.memory_space<vmem>> -> memref<100x128xf32, #tpu.memory_space<vmem>>
        %get3A_702 = arith.index_cast %add3A_698 : i32 to index
        %get3A_703 = arith.constant 0 : index
        %get3A_704 = tpu.vector_load %get3A_701[%get3A_702, %get3A_703] {strides = array<i32>} : memref<100x128xf32, #tpu.memory_space<vmem>>, vector<1x16xf32>,
        %get3A_705 = vector.shape_cast %get3A_704 : vector<1x16xf32> to vector<16xf32>
        %add3A_706 = arith.addf %scan3A_679, %get3A_705 : vector<16xf32>
        %get3A_707 = arith.constant 0 : i32
        %get3A_708 = arith.constant 0 : i32
        %get3A_709 = tpu.memref_slice %arg6[%scan3A_51, %get3A_707, %get3A_708] : memref<4x100x128xf32, #tpu.memory_space<vmem>> -> memref<1x100x128xf32, #tpu.memory_space<vmem>>
        %get3A_710 = tpu.memref_squeeze %get3A_709 : memref<1x100x128xf32, #tpu.memory_space<vmem>> -> memref<100x128xf32, #tpu.memory_space<vmem>>
        %get3A_711 = arith.index_cast %add3A_698 : i32 to index
        %get3A_712 = arith.constant 16 : index
        %get3A_713 = tpu.vector_load %get3A_710[%get3A_711, %get3A_712] {strides = array<i32>} : memref<100x128xf32, #tpu.memory_space<vmem>>, vector<1x16xf32>,
        %get3A_714 = vector.shape_cast %get3A_713 : vector<1x16xf32> to vector<16xf32>
        %add3A_715 = arith.addf %scan3A_680, %get3A_714 : vector<16xf32>
        %get3A_716 = arith.constant 0 : i32
        %get3A_717 = arith.constant 0 : i32
        %get3A_718 = tpu.memref_slice %arg6[%scan3A_51, %get3A_716, %get3A_717] : memref<4x100x128xf32, #tpu.memory_space<vmem>> -> memref<1x100x128xf32, #tpu.memory_space<vmem>>
        %get3A_719 = tpu.memref_squeeze %get3A_718 : memref<1x100x128xf32, #tpu.memory_space<vmem>> -> memref<100x128xf32, #tpu.memory_space<vmem>>
        %get3A_720 = arith.index_cast %add3A_698 : i32 to index
        %get3A_721 = arith.constant 32 : index
        %get3A_722 = tpu.vector_load %get3A_719[%get3A_720, %get3A_721] {strides = array<i32>} : memref<100x128xf32, #tpu.memory_space<vmem>>, vector<1x16xf32>,
        %get3A_723 = vector.shape_cast %get3A_722 : vector<1x16xf32> to vector<16xf32>
        %add3A_724 = arith.addf %scan3A_681, %get3A_723 : vector<16xf32>
        %get3A_725 = arith.constant 0 : i32
        %get3A_726 = arith.constant 0 : i32
        %get3A_727 = tpu.memref_slice %arg6[%scan3A_51, %get3A_725, %get3A_726] : memref<4x100x128xf32, #tpu.memory_space<vmem>> -> memref<1x100x128xf32, #tpu.memory_space<vmem>>
        %get3A_728 = tpu.memref_squeeze %get3A_727 : memref<1x100x128xf32, #tpu.memory_space<vmem>> -> memref<100x128xf32, #tpu.memory_space<vmem>>
        %get3A_729 = arith.index_cast %add3A_698 : i32 to index
        %get3A_730 = arith.constant 48 : index
        %get3A_731 = tpu.vector_load %get3A_728[%get3A_729, %get3A_730] {strides = array<i32>} : memref<100x128xf32, #tpu.memory_space<vmem>>, vector<1x16xf32>,
        %get3A_732 = vector.shape_cast %get3A_731 : vector<1x16xf32> to vector<16xf32>
        %add3A_733 = arith.addf %scan3A_682, %get3A_732 : vector<16xf32>
        %get3A_734 = arith.constant 0 : i32
        %get3A_735 = arith.constant 0 : i32
        %get3A_736 = tpu.memref_slice %arg6[%scan3A_51, %get3A_734, %get3A_735] : memref<4x100x128xf32, #tpu.memory_space<vmem>> -> memref<1x100x128xf32, #tpu.memory_space<vmem>>
        %get3A_737 = tpu.memref_squeeze %get3A_736 : memref<1x100x128xf32, #tpu.memory_space<vmem>> -> memref<100x128xf32, #tpu.memory_space<vmem>>
        %get3A_738 = arith.index_cast %add3A_698 : i32 to index
        %get3A_739 = arith.constant 64 : index
        %get3A_740 = tpu.vector_load %get3A_737[%get3A_738, %get3A_739] {strides = array<i32>} : memref<100x128xf32, #tpu.memory_space<vmem>>, vector<1x16xf32>,
        %get3A_741 = vector.shape_cast %get3A_740 : vector<1x16xf32> to vector<16xf32>
        %add3A_742 = arith.addf %scan3A_683, %get3A_741 : vector<16xf32>
        %get3A_743 = arith.constant 0 : i32
        %get3A_744 = arith.constant 0 : i32
        %get3A_745 = tpu.memref_slice %arg6[%scan3A_51, %get3A_743, %get3A_744] : memref<4x100x128xf32, #tpu.memory_space<vmem>> -> memref<1x100x128xf32, #tpu.memory_space<vmem>>
        %get3A_746 = tpu.memref_squeeze %get3A_745 : memref<1x100x128xf32, #tpu.memory_space<vmem>> -> memref<100x128xf32, #tpu.memory_space<vmem>>
        %get3A_747 = arith.index_cast %add3A_698 : i32 to index
        %get3A_748 = arith.constant 80 : index
        %get3A_749 = tpu.vector_load %get3A_746[%get3A_747, %get3A_748] {strides = array<i32>} : memref<100x128xf32, #tpu.memory_space<vmem>>, vector<1x16xf32>,
        %get3A_750 = vector.shape_cast %get3A_749 : vector<1x16xf32> to vector<16xf32>
        %add3A_751 = arith.addf %scan3A_684, %get3A_750 : vector<16xf32>
        %get3A_752 = arith.constant 0 : i32
        %get3A_753 = arith.constant 0 : i32
        %get3A_754 = tpu.memref_slice %arg6[%scan3A_51, %get3A_752, %get3A_753] : memref<4x100x128xf32, #tpu.memory_space<vmem>> -> memref<1x100x128xf32, #tpu.memory_space<vmem>>
        %get3A_755 = tpu.memref_squeeze %get3A_754 : memref<1x100x128xf32, #tpu.memory_space<vmem>> -> memref<100x128xf32, #tpu.memory_space<vmem>>
        %get3A_756 = arith.index_cast %add3A_698 : i32 to index
        %get3A_757 = arith.constant 96 : index
        %get3A_758 = tpu.vector_load %get3A_755[%get3A_756, %get3A_757] {strides = array<i32>} : memref<100x128xf32, #tpu.memory_space<vmem>>, vector<1x16xf32>,
        %get3A_759 = vector.shape_cast %get3A_758 : vector<1x16xf32> to vector<16xf32>
        %add3A_760 = arith.addf %scan3A_685, %get3A_759 : vector<16xf32>
        %get3A_761 = arith.constant 0 : i32
        %get3A_762 = arith.constant 0 : i32
        %get3A_763 = tpu.memref_slice %arg6[%scan3A_51, %get3A_761, %get3A_762] : memref<4x100x128xf32, #tpu.memory_space<vmem>> -> memref<1x100x128xf32, #tpu.memory_space<vmem>>
        %get3A_764 = tpu.memref_squeeze %get3A_763 : memref<1x100x128xf32, #tpu.memory_space<vmem>> -> memref<100x128xf32, #tpu.memory_space<vmem>>
        %get3A_765 = arith.index_cast %add3A_698 : i32 to index
        %get3A_766 = arith.constant 112 : index
        %get3A_767 = tpu.vector_load %get3A_764[%get3A_765, %get3A_766] {strides = array<i32>} : memref<100x128xf32, #tpu.memory_space<vmem>>, vector<1x16xf32>,
        %get3A_768 = vector.shape_cast %get3A_767 : vector<1x16xf32> to vector<16xf32>
        %add3A_769 = arith.addf %scan3A_686, %get3A_768 : vector<16xf32>
        %add3A_770 = arith.constant 50 : i32
        %add3A_771 = arith.addi %add3A_770, %add3A_698 : i32
        %get3A_772 = arith.constant 0 : i32
        %get3A_773 = arith.constant 0 : i32
        %get3A_774 = tpu.memref_slice %arg6[%scan3A_51, %get3A_772, %get3A_773] : memref<4x100x128xf32, #tpu.memory_space<vmem>> -> memref<1x100x128xf32, #tpu.memory_space<vmem>>
        %get3A_775 = tpu.memref_squeeze %get3A_774 : memref<1x100x128xf32, #tpu.memory_space<vmem>> -> memref<100x128xf32, #tpu.memory_space<vmem>>
        %get3A_776 = arith.index_cast %add3A_771 : i32 to index
        %get3A_777 = arith.constant 0 : index
        %get3A_778 = tpu.vector_load %get3A_775[%get3A_776, %get3A_777] {strides = array<i32>} : memref<100x128xf32, #tpu.memory_space<vmem>>, vector<1x16xf32>,
        %get3A_779 = vector.shape_cast %get3A_778 : vector<1x16xf32> to vector<16xf32>
        %add3A_780 = arith.addf %scan3A_687, %get3A_779 : vector<16xf32>
        %add3A_781 = arith.constant 50 : i32
        %add3A_782 = arith.addi %add3A_781, %add3A_698 : i32
        %get3A_783 = arith.constant 0 : i32
        %get3A_784 = arith.constant 0 : i32
        %get3A_785 = tpu.memref_slice %arg6[%scan3A_51, %get3A_783, %get3A_784] : memref<4x100x128xf32, #tpu.memory_space<vmem>> -> memref<1x100x128xf32, #tpu.memory_space<vmem>>
        %get3A_786 = tpu.memref_squeeze %get3A_785 : memref<1x100x128xf32, #tpu.memory_space<vmem>> -> memref<100x128xf32, #tpu.memory_space<vmem>>
        %get3A_787 = arith.index_cast %add3A_782 : i32 to index
        %get3A_788 = arith.constant 16 : index
        %get3A_789 = tpu.vector_load %get3A_786[%get3A_787, %get3A_788] {strides = array<i32>} : memref<100x128xf32, #tpu.memory_space<vmem>>, vector<1x16xf32>,
        %get3A_790 = vector.shape_cast %get3A_789 : vector<1x16xf32> to vector<16xf32>
        %add3A_791 = arith.addf %scan3A_688, %get3A_790 : vector<16xf32>
        %add3A_792 = arith.constant 50 : i32
        %add3A_793 = arith.addi %add3A_792, %add3A_698 : i32
        %get3A_794 = arith.constant 0 : i32
        %get3A_795 = arith.constant 0 : i32
        %get3A_796 = tpu.memref_slice %arg6[%scan3A_51, %get3A_794, %get3A_795] : memref<4x100x128xf32, #tpu.memory_space<vmem>> -> memref<1x100x128xf32, #tpu.memory_space<vmem>>
        %get3A_797 = tpu.memref_squeeze %get3A_796 : memref<1x100x128xf32, #tpu.memory_space<vmem>> -> memref<100x128xf32, #tpu.memory_space<vmem>>
        %get3A_798 = arith.index_cast %add3A_793 : i32 to index
        %get3A_799 = arith.constant 32 : index
        %get3A_800 = tpu.vector_load %get3A_797[%get3A_798, %get3A_799] {strides = array<i32>} : memref<100x128xf32, #tpu.memory_space<vmem>>, vector<1x16xf32>,
        %get3A_801 = vector.shape_cast %get3A_800 : vector<1x16xf32> to vector<16xf32>
        %add3A_802 = arith.addf %scan3A_689, %get3A_801 : vector<16xf32>
        %add3A_803 = arith.constant 50 : i32
        %add3A_804 = arith.addi %add3A_803, %add3A_698 : i32
        %get3A_805 = arith.constant 0 : i32
        %get3A_806 = arith.constant 0 : i32
        %get3A_807 = tpu.memref_slice %arg6[%scan3A_51, %get3A_805, %get3A_806] : memref<4x100x128xf32, #tpu.memory_space<vmem>> -> memref<1x100x128xf32, #tpu.memory_space<vmem>>
        %get3A_808 = tpu.memref_squeeze %get3A_807 : memref<1x100x128xf32, #tpu.memory_space<vmem>> -> memref<100x128xf32, #tpu.memory_space<vmem>>
        %get3A_809 = arith.index_cast %add3A_804 : i32 to index
        %get3A_810 = arith.constant 48 : index
        %get3A_811 = tpu.vector_load %get3A_808[%get3A_809, %get3A_810] {strides = array<i32>} : memref<100x128xf32, #tpu.memory_space<vmem>>, vector<1x16xf32>,
        %get3A_812 = vector.shape_cast %get3A_811 : vector<1x16xf32> to vector<16xf32>
        %add3A_813 = arith.addf %scan3A_690, %get3A_812 : vector<16xf32>
        %add3A_814 = arith.constant 50 : i32
        %add3A_815 = arith.addi %add3A_814, %add3A_698 : i32
        %get3A_816 = arith.constant 0 : i32
        %get3A_817 = arith.constant 0 : i32
        %get3A_818 = tpu.memref_slice %arg6[%scan3A_51, %get3A_816, %get3A_817] : memref<4x100x128xf32, #tpu.memory_space<vmem>> -> memref<1x100x128xf32, #tpu.memory_space<vmem>>
        %get3A_819 = tpu.memref_squeeze %get3A_818 : memref<1x100x128xf32, #tpu.memory_space<vmem>> -> memref<100x128xf32, #tpu.memory_space<vmem>>
        %get3A_820 = arith.index_cast %add3A_815 : i32 to index
        %get3A_821 = arith.constant 64 : index
        %get3A_822 = tpu.vector_load %get3A_819[%get3A_820, %get3A_821] {strides = array<i32>} : memref<100x128xf32, #tpu.memory_space<vmem>>, vector<1x16xf32>,
        %get3A_823 = vector.shape_cast %get3A_822 : vector<1x16xf32> to vector<16xf32>
        %add3A_824 = arith.addf %scan3A_691, %get3A_823 : vector<16xf32>
        %add3A_825 = arith.constant 50 : i32
        %add3A_826 = arith.addi %add3A_825, %add3A_698 : i32
        %get3A_827 = arith.constant 0 : i32
        %get3A_828 = arith.constant 0 : i32
        %get3A_829 = tpu.memref_slice %arg6[%scan3A_51, %get3A_827, %get3A_828] : memref<4x100x128xf32, #tpu.memory_space<vmem>> -> memref<1x100x128xf32, #tpu.memory_space<vmem>>
        %get3A_830 = tpu.memref_squeeze %get3A_829 : memref<1x100x128xf32, #tpu.memory_space<vmem>> -> memref<100x128xf32, #tpu.memory_space<vmem>>
        %get3A_831 = arith.index_cast %add3A_826 : i32 to index
        %get3A_832 = arith.constant 80 : index
        %get3A_833 = tpu.vector_load %get3A_830[%get3A_831, %get3A_832] {strides = array<i32>} : memref<100x128xf32, #tpu.memory_space<vmem>>, vector<1x16xf32>,
        %get3A_834 = vector.shape_cast %get3A_833 : vector<1x16xf32> to vector<16xf32>
        %add3A_835 = arith.addf %scan3A_692, %get3A_834 : vector<16xf32>
        %add3A_836 = arith.constant 50 : i32
        %add3A_837 = arith.addi %add3A_836, %add3A_698 : i32
        %get3A_838 = arith.constant 0 : i32
        %get3A_839 = arith.constant 0 : i32
        %get3A_840 = tpu.memref_slice %arg6[%scan3A_51, %get3A_838, %get3A_839] : memref<4x100x128xf32, #tpu.memory_space<vmem>> -> memref<1x100x128xf32, #tpu.memory_space<vmem>>
        %get3A_841 = tpu.memref_squeeze %get3A_840 : memref<1x100x128xf32, #tpu.memory_space<vmem>> -> memref<100x128xf32, #tpu.memory_space<vmem>>
        %get3A_842 = arith.index_cast %add3A_837 : i32 to index
        %get3A_843 = arith.constant 96 : index
        %get3A_844 = tpu.vector_load %get3A_841[%get3A_842, %get3A_843] {strides = array<i32>} : memref<100x128xf32, #tpu.memory_space<vmem>>, vector<1x16xf32>,
        %get3A_845 = vector.shape_cast %get3A_844 : vector<1x16xf32> to vector<16xf32>
        %add3A_846 = arith.addf %scan3A_693, %get3A_845 : vector<16xf32>
        %add3A_847 = arith.constant 50 : i32
        %add3A_848 = arith.addi %add3A_847, %add3A_698 : i32
        %get3A_849 = arith.constant 0 : i32
        %get3A_850 = arith.constant 0 : i32
        %get3A_851 = tpu.memref_slice %arg6[%scan3A_51, %get3A_849, %get3A_850] : memref<4x100x128xf32, #tpu.memory_space<vmem>> -> memref<1x100x128xf32, #tpu.memory_space<vmem>>
        %get3A_852 = tpu.memref_squeeze %get3A_851 : memref<1x100x128xf32, #tpu.memory_space<vmem>> -> memref<100x128xf32, #tpu.memory_space<vmem>>
        %get3A_853 = arith.index_cast %add3A_848 : i32 to index
        %get3A_854 = arith.constant 112 : index
        %get3A_855 = tpu.vector_load %get3A_852[%get3A_853, %get3A_854] {strides = array<i32>} : memref<100x128xf32, #tpu.memory_space<vmem>>, vector<1x16xf32>,
        %get3A_856 = vector.shape_cast %get3A_855 : vector<1x16xf32> to vector<16xf32>
        %add3A_857 = arith.addf %scan3A_694, %get3A_856 : vector<16xf32>
        %add3A_858 = arith.constant 1 : i32
        %add3A_859 = arith.addi %mul3A_696, %add3A_858 : i32
        %get3A_860 = arith.constant 0 : i32
        %get3A_861 = arith.constant 0 : i32
        %get3A_862 = tpu.memref_slice %arg6[%scan3A_51, %get3A_860, %get3A_861] : memref<4x100x128xf32, #tpu.memory_space<vmem>> -> memref<1x100x128xf32, #tpu.memory_space<vmem>>
        %get3A_863 = tpu.memref_squeeze %get3A_862 : memref<1x100x128xf32, #tpu.memory_space<vmem>> -> memref<100x128xf32, #tpu.memory_space<vmem>>
        %get3A_864 = arith.index_cast %add3A_859 : i32 to index
        %get3A_865 = arith.constant 0 : index
        %get3A_866 = tpu.vector_load %get3A_863[%get3A_864, %get3A_865] {strides = array<i32>} : memref<100x128xf32, #tpu.memory_space<vmem>>, vector<1x16xf32>,
        %get3A_867 = vector.shape_cast %get3A_866 : vector<1x16xf32> to vector<16xf32>
        %add3A_868 = arith.addf %add3A_706, %get3A_867 : vector<16xf32>
        %get3A_869 = arith.constant 0 : i32
        %get3A_870 = arith.constant 0 : i32
        %get3A_871 = tpu.memref_slice %arg6[%scan3A_51, %get3A_869, %get3A_870] : memref<4x100x128xf32, #tpu.memory_space<vmem>> -> memref<1x100x128xf32, #tpu.memory_space<vmem>>
        %get3A_872 = tpu.memref_squeeze %get3A_871 : memref<1x100x128xf32, #tpu.memory_space<vmem>> -> memref<100x128xf32, #tpu.memory_space<vmem>>
        %get3A_873 = arith.index_cast %add3A_859 : i32 to index
        %get3A_874 = arith.constant 16 : index
        %get3A_875 = tpu.vector_load %get3A_872[%get3A_873, %get3A_874] {strides = array<i32>} : memref<100x128xf32, #tpu.memory_space<vmem>>, vector<1x16xf32>,
        %get3A_876 = vector.shape_cast %get3A_875 : vector<1x16xf32> to vector<16xf32>
        %add3A_877 = arith.addf %add3A_715, %get3A_876 : vector<16xf32>
        %get3A_878 = arith.constant 0 : i32
        %get3A_879 = arith.constant 0 : i32
        %get3A_880 = tpu.memref_slice %arg6[%scan3A_51, %get3A_878, %get3A_879] : memref<4x100x128xf32, #tpu.memory_space<vmem>> -> memref<1x100x128xf32, #tpu.memory_space<vmem>>
        %get3A_881 = tpu.memref_squeeze %get3A_880 : memref<1x100x128xf32, #tpu.memory_space<vmem>> -> memref<100x128xf32, #tpu.memory_space<vmem>>
        %get3A_882 = arith.index_cast %add3A_859 : i32 to index
        %get3A_883 = arith.constant 32 : index
        %get3A_884 = tpu.vector_load %get3A_881[%get3A_882, %get3A_883] {strides = array<i32>} : memref<100x128xf32, #tpu.memory_space<vmem>>, vector<1x16xf32>,
        %get3A_885 = vector.shape_cast %get3A_884 : vector<1x16xf32> to vector<16xf32>
        %add3A_886 = arith.addf %add3A_724, %get3A_885 : vector<16xf32>
        %get3A_887 = arith.constant 0 : i32
        %get3A_888 = arith.constant 0 : i32
        %get3A_889 = tpu.memref_slice %arg6[%scan3A_51, %get3A_887, %get3A_888] : memref<4x100x128xf32, #tpu.memory_space<vmem>> -> memref<1x100x128xf32, #tpu.memory_space<vmem>>
        %get3A_890 = tpu.memref_squeeze %get3A_889 : memref<1x100x128xf32, #tpu.memory_space<vmem>> -> memref<100x128xf32, #tpu.memory_space<vmem>>
        %get3A_891 = arith.index_cast %add3A_859 : i32 to index
        %get3A_892 = arith.constant 48 : index
        %get3A_893 = tpu.vector_load %get3A_890[%get3A_891, %get3A_892] {strides = array<i32>} : memref<100x128xf32, #tpu.memory_space<vmem>>, vector<1x16xf32>,
        %get3A_894 = vector.shape_cast %get3A_893 : vector<1x16xf32> to vector<16xf32>
        %add3A_895 = arith.addf %add3A_733, %get3A_894 : vector<16xf32>
        %get3A_896 = arith.constant 0 : i32
        %get3A_897 = arith.constant 0 : i32
        %get3A_898 = tpu.memref_slice %arg6[%scan3A_51, %get3A_896, %get3A_897] : memref<4x100x128xf32, #tpu.memory_space<vmem>> -> memref<1x100x128xf32, #tpu.memory_space<vmem>>
        %get3A_899 = tpu.memref_squeeze %get3A_898 : memref<1x100x128xf32, #tpu.memory_space<vmem>> -> memref<100x128xf32, #tpu.memory_space<vmem>>
        %get3A_900 = arith.index_cast %add3A_859 : i32 to index
        %get3A_901 = arith.constant 64 : index
        %get3A_902 = tpu.vector_load %get3A_899[%get3A_900, %get3A_901] {strides = array<i32>} : memref<100x128xf32, #tpu.memory_space<vmem>>, vector<1x16xf32>,
        %get3A_903 = vector.shape_cast %get3A_902 : vector<1x16xf32> to vector<16xf32>
        %add3A_904 = arith.addf %add3A_742, %get3A_903 : vector<16xf32>
        %get3A_905 = arith.constant 0 : i32
        %get3A_906 = arith.constant 0 : i32
        %get3A_907 = tpu.memref_slice %arg6[%scan3A_51, %get3A_905, %get3A_906] : memref<4x100x128xf32, #tpu.memory_space<vmem>> -> memref<1x100x128xf32, #tpu.memory_space<vmem>>
        %get3A_908 = tpu.memref_squeeze %get3A_907 : memref<1x100x128xf32, #tpu.memory_space<vmem>> -> memref<100x128xf32, #tpu.memory_space<vmem>>
        %get3A_909 = arith.index_cast %add3A_859 : i32 to index
        %get3A_910 = arith.constant 80 : index
        %get3A_911 = tpu.vector_load %get3A_908[%get3A_909, %get3A_910] {strides = array<i32>} : memref<100x128xf32, #tpu.memory_space<vmem>>, vector<1x16xf32>,
        %get3A_912 = vector.shape_cast %get3A_911 : vector<1x16xf32> to vector<16xf32>
        %add3A_913 = arith.addf %add3A_751, %get3A_912 : vector<16xf32>
        %get3A_914 = arith.constant 0 : i32
        %get3A_915 = arith.constant 0 : i32
        %get3A_916 = tpu.memref_slice %arg6[%scan3A_51, %get3A_914, %get3A_915] : memref<4x100x128xf32, #tpu.memory_space<vmem>> -> memref<1x100x128xf32, #tpu.memory_space<vmem>>
        %get3A_917 = tpu.memref_squeeze %get3A_916 : memref<1x100x128xf32, #tpu.memory_space<vmem>> -> memref<100x128xf32, #tpu.memory_space<vmem>>
        %get3A_918 = arith.index_cast %add3A_859 : i32 to index
        %get3A_919 = arith.constant 96 : index
        %get3A_920 = tpu.vector_load %get3A_917[%get3A_918, %get3A_919] {strides = array<i32>} : memref<100x128xf32, #tpu.memory_space<vmem>>, vector<1x16xf32>,
        %get3A_921 = vector.shape_cast %get3A_920 : vector<1x16xf32> to vector<16xf32>
        %add3A_922 = arith.addf %add3A_760, %get3A_921 : vector<16xf32>
        %get3A_923 = arith.constant 0 : i32
        %get3A_924 = arith.constant 0 : i32
        %get3A_925 = tpu.memref_slice %arg6[%scan3A_51, %get3A_923, %get3A_924] : memref<4x100x128xf32, #tpu.memory_space<vmem>> -> memref<1x100x128xf32, #tpu.memory_space<vmem>>
        %get3A_926 = tpu.memref_squeeze %get3A_925 : memref<1x100x128xf32, #tpu.memory_space<vmem>> -> memref<100x128xf32, #tpu.memory_space<vmem>>
        %get3A_927 = arith.index_cast %add3A_859 : i32 to index
        %get3A_928 = arith.constant 112 : index
        %get3A_929 = tpu.vector_load %get3A_926[%get3A_927, %get3A_928] {strides = array<i32>} : memref<100x128xf32, #tpu.memory_space<vmem>>, vector<1x16xf32>,
        %get3A_930 = vector.shape_cast %get3A_929 : vector<1x16xf32> to vector<16xf32>
        %add3A_931 = arith.addf %add3A_769, %get3A_930 : vector<16xf32>
        %add3A_932 = arith.constant 50 : i32
        %add3A_933 = arith.addi %add3A_932, %add3A_859 : i32
        %get3A_934 = arith.constant 0 : i32
        %get3A_935 = arith.constant 0 : i32
        %get3A_936 = tpu.memref_slice %arg6[%scan3A_51, %get3A_934, %get3A_935] : memref<4x100x128xf32, #tpu.memory_space<vmem>> -> memref<1x100x128xf32, #tpu.memory_space<vmem>>
        %get3A_937 = tpu.memref_squeeze %get3A_936 : memref<1x100x128xf32, #tpu.memory_space<vmem>> -> memref<100x128xf32, #tpu.memory_space<vmem>>
        %get3A_938 = arith.index_cast %add3A_933 : i32 to index
        %get3A_939 = arith.constant 0 : index
        %get3A_940 = tpu.vector_load %get3A_937[%get3A_938, %get3A_939] {strides = array<i32>} : memref<100x128xf32, #tpu.memory_space<vmem>>, vector<1x16xf32>,
        %get3A_941 = vector.shape_cast %get3A_940 : vector<1x16xf32> to vector<16xf32>
        %add3A_942 = arith.addf %add3A_780, %get3A_941 : vector<16xf32>
        %add3A_943 = arith.constant 50 : i32
        %add3A_944 = arith.addi %add3A_943, %add3A_859 : i32
        %get3A_945 = arith.constant 0 : i32
        %get3A_946 = arith.constant 0 : i32
        %get3A_947 = tpu.memref_slice %arg6[%scan3A_51, %get3A_945, %get3A_946] : memref<4x100x128xf32, #tpu.memory_space<vmem>> -> memref<1x100x128xf32, #tpu.memory_space<vmem>>
        %get3A_948 = tpu.memref_squeeze %get3A_947 : memref<1x100x128xf32, #tpu.memory_space<vmem>> -> memref<100x128xf32, #tpu.memory_space<vmem>>
        %get3A_949 = arith.index_cast %add3A_944 : i32 to index
        %get3A_950 = arith.constant 16 : index
        %get3A_951 = tpu.vector_load %get3A_948[%get3A_949, %get3A_950] {strides = array<i32>} : memref<100x128xf32, #tpu.memory_space<vmem>>, vector<1x16xf32>,
        %get3A_952 = vector.shape_cast %get3A_951 : vector<1x16xf32> to vector<16xf32>
        %add3A_953 = arith.addf %add3A_791, %get3A_952 : vector<16xf32>
        %add3A_954 = arith.constant 50 : i32
        %add3A_955 = arith.addi %add3A_954, %add3A_859 : i32
        %get3A_956 = arith.constant 0 : i32
        %get3A_957 = arith.constant 0 : i32
        %get3A_958 = tpu.memref_slice %arg6[%scan3A_51, %get3A_956, %get3A_957] : memref<4x100x128xf32, #tpu.memory_space<vmem>> -> memref<1x100x128xf32, #tpu.memory_space<vmem>>
        %get3A_959 = tpu.memref_squeeze %get3A_958 : memref<1x100x128xf32, #tpu.memory_space<vmem>> -> memref<100x128xf32, #tpu.memory_space<vmem>>
        %get3A_960 = arith.index_cast %add3A_955 : i32 to index
        %get3A_961 = arith.constant 32 : index
        %get3A_962 = tpu.vector_load %get3A_959[%get3A_960, %get3A_961] {strides = array<i32>} : memref<100x128xf32, #tpu.memory_space<vmem>>, vector<1x16xf32>,
        %get3A_963 = vector.shape_cast %get3A_962 : vector<1x16xf32> to vector<16xf32>
        %add3A_964 = arith.addf %add3A_802, %get3A_963 : vector<16xf32>
        %add3A_965 = arith.constant 50 : i32
        %add3A_966 = arith.addi %add3A_965, %add3A_859 : i32
        %get3A_967 = arith.constant 0 : i32
        %get3A_968 = arith.constant 0 : i32
        %get3A_969 = tpu.memref_slice %arg6[%scan3A_51, %get3A_967, %get3A_968] : memref<4x100x128xf32, #tpu.memory_space<vmem>> -> memref<1x100x128xf32, #tpu.memory_space<vmem>>
        %get3A_970 = tpu.memref_squeeze %get3A_969 : memref<1x100x128xf32, #tpu.memory_space<vmem>> -> memref<100x128xf32, #tpu.memory_space<vmem>>
        %get3A_971 = arith.index_cast %add3A_966 : i32 to index
        %get3A_972 = arith.constant 48 : index
        %get3A_973 = tpu.vector_load %get3A_970[%get3A_971, %get3A_972] {strides = array<i32>} : memref<100x128xf32, #tpu.memory_space<vmem>>, vector<1x16xf32>,
        %get3A_974 = vector.shape_cast %get3A_973 : vector<1x16xf32> to vector<16xf32>
        %add3A_975 = arith.addf %add3A_813, %get3A_974 : vector<16xf32>
        %add3A_976 = arith.constant 50 : i32
        %add3A_977 = arith.addi %add3A_976, %add3A_859 : i32
        %get3A_978 = arith.constant 0 : i32
        %get3A_979 = arith.constant 0 : i32
        %get3A_980 = tpu.memref_slice %arg6[%scan3A_51, %get3A_978, %get3A_979] : memref<4x100x128xf32, #tpu.memory_space<vmem>> -> memref<1x100x128xf32, #tpu.memory_space<vmem>>
        %get3A_981 = tpu.memref_squeeze %get3A_980 : memref<1x100x128xf32, #tpu.memory_space<vmem>> -> memref<100x128xf32, #tpu.memory_space<vmem>>
        %get3A_982 = arith.index_cast %add3A_977 : i32 to index
        %get3A_983 = arith.constant 64 : index
        %get3A_984 = tpu.vector_load %get3A_981[%get3A_982, %get3A_983] {strides = array<i32>} : memref<100x128xf32, #tpu.memory_space<vmem>>, vector<1x16xf32>,
        %get3A_985 = vector.shape_cast %get3A_984 : vector<1x16xf32> to vector<16xf32>
        %add3A_986 = arith.addf %add3A_824, %get3A_985 : vector<16xf32>
        %add3A_987 = arith.constant 50 : i32
        %add3A_988 = arith.addi %add3A_987, %add3A_859 : i32
        %get3A_989 = arith.constant 0 : i32
        %get3A_990 = arith.constant 0 : i32
        %get3A_991 = tpu.memref_slice %arg6[%scan3A_51, %get3A_989, %get3A_990] : memref<4x100x128xf32, #tpu.memory_space<vmem>> -> memref<1x100x128xf32, #tpu.memory_space<vmem>>
        %get3A_992 = tpu.memref_squeeze %get3A_991 : memref<1x100x128xf32, #tpu.memory_space<vmem>> -> memref<100x128xf32, #tpu.memory_space<vmem>>
        %get3A_993 = arith.index_cast %add3A_988 : i32 to index
        %get3A_994 = arith.constant 80 : index
        %get3A_995 = tpu.vector_load %get3A_992[%get3A_993, %get3A_994] {strides = array<i32>} : memref<100x128xf32, #tpu.memory_space<vmem>>, vector<1x16xf32>,
        %get3A_996 = vector.shape_cast %get3A_995 : vector<1x16xf32> to vector<16xf32>
        %add3A_997 = arith.addf %add3A_835, %get3A_996 : vector<16xf32>
        %add3A_998 = arith.constant 50 : i32
        %add3A_999 = arith.addi %add3A_998, %add3A_859 : i32
        %get3A_1000 = arith.constant 0 : i32
        %get3A_1001 = arith.constant 0 : i32
        %get3A_1002 = tpu.memref_slice %arg6[%scan3A_51, %get3A_1000, %get3A_1001] : memref<4x100x128xf32, #tpu.memory_space<vmem>> -> memref<1x100x128xf32, #tpu.memory_space<vmem>>
        %get3A_1003 = tpu.memref_squeeze %get3A_1002 : memref<1x100x128xf32, #tpu.memory_space<vmem>> -> memref<100x128xf32, #tpu.memory_space<vmem>>
        %get3A_1004 = arith.index_cast %add3A_999 : i32 to index
        %get3A_1005 = arith.constant 96 : index
        %get3A_1006 = tpu.vector_load %get3A_1003[%get3A_1004, %get3A_1005] {strides = array<i32>} : memref<100x128xf32, #tpu.memory_space<vmem>>, vector<1x16xf32>,
        %get3A_1007 = vector.shape_cast %get3A_1006 : vector<1x16xf32> to vector<16xf32>
        %add3A_1008 = arith.addf %add3A_846, %get3A_1007 : vector<16xf32>
        %add3A_1009 = arith.constant 50 : i32
        %add3A_1010 = arith.addi %add3A_1009, %add3A_859 : i32
        %get3A_1011 = arith.constant 0 : i32
        %get3A_1012 = arith.constant 0 : i32
        %get3A_1013 = tpu.memref_slice %arg6[%scan3A_51, %get3A_1011, %get3A_1012] : memref<4x100x128xf32, #tpu.memory_space<vmem>> -> memref<1x100x128xf32, #tpu.memory_space<vmem>>
        %get3A_1014 = tpu.memref_squeeze %get3A_1013 : memref<1x100x128xf32, #tpu.memory_space<vmem>> -> memref<100x128xf32, #tpu.memory_space<vmem>>
        %get3A_1015 = arith.index_cast %add3A_1010 : i32 to index
        %get3A_1016 = arith.constant 112 : index
        %get3A_1017 = tpu.vector_load %get3A_1014[%get3A_1015, %get3A_1016] {strides = array<i32>} : memref<100x128xf32, #tpu.memory_space<vmem>>, vector<1x16xf32>,
        %get3A_1018 = vector.shape_cast %get3A_1017 : vector<1x16xf32> to vector<16xf32>
        %add3A_1019 = arith.addf %add3A_857, %get3A_1018 : vector<16xf32>
        scf.yield %add3A_868, %add3A_877, %add3A_886, %add3A_895, %add3A_904, %add3A_913, %add3A_922, %add3A_931, %add3A_942, %add3A_953, %add3A_964, %add3A_975, %add3A_986, %add3A_997, %add3A_1008, %add3A_1019 : vector<16xf32>, vector<16xf32>, vector<16xf32>, vector<16xf32>, vector<16xf32>, vector<16xf32>, vector<16xf32>, vector<16xf32>, vector<16xf32>, vector<16xf32>, vector<16xf32>, vector<16xf32>, vector<16xf32>, vector<16xf32>, vector<16xf32>, vector<16xf32>
      }
      %scan3A_266 = arith.constant 25 : i32
      %swap3A_267 = arith.index_cast %mul3A_228 : i32 to index
      %swap3A_268 = arith.constant 0 : index
      %swap3A_269 = tpu.vector_load %arg7[%swap3A_267, %swap3A_268] {strides = array<i32>} : memref<128x128xf32, #tpu.memory_space<vmem>>, vector<1x16xf32>,
      %swap3A_270 = vector.shape_cast %swap3A_269 : vector<1x16xf32> to vector<16xf32>
      %swap3A_271 = vector.shape_cast %scan3A_265#0 : vector<16xf32> to vector<1x16xf32>
      tpu.vector_store %arg7[%swap3A_267, %swap3A_268], %swap3A_271 {strides = array<i32>} : memref<128x128xf32, #tpu.memory_space<vmem>>, vector<1x16xf32>,
      %add3A_272 = arith.constant 1 : i32
      %add3A_273 = arith.addi %mul3A_228, %add3A_272 : i32
      %swap3A_274 = arith.index_cast %add3A_273 : i32 to index
      %swap3A_275 = arith.constant 0 : index
      %swap3A_276 = tpu.vector_load %arg7[%swap3A_274, %swap3A_275] {strides = array<i32>} : memref<128x128xf32, #tpu.memory_space<vmem>>, vector<1x16xf32>,
      %swap3A_277 = vector.shape_cast %swap3A_276 : vector<1x16xf32> to vector<16xf32>
      %swap3A_278 = vector.shape_cast %scan3A_265#8 : vector<16xf32> to vector<1x16xf32>
      tpu.vector_store %arg7[%swap3A_274, %swap3A_275], %swap3A_278 {strides = array<i32>} : memref<128x128xf32, #tpu.memory_space<vmem>>, vector<1x16xf32>,
      %swap3A_279 = arith.index_cast %mul3A_228 : i32 to index
      %swap3A_280 = arith.constant 16 : index
      %swap3A_281 = tpu.vector_load %arg7[%swap3A_279, %swap3A_280] {strides = array<i32>} : memref<128x128xf32, #tpu.memory_space<vmem>>, vector<1x16xf32>,
      %swap3A_282 = vector.shape_cast %swap3A_281 : vector<1x16xf32> to vector<16xf32>
      %swap3A_283 = vector.shape_cast %scan3A_265#1 : vector<16xf32> to vector<1x16xf32>
      tpu.vector_store %arg7[%swap3A_279, %swap3A_280], %swap3A_283 {strides = array<i32>} : memref<128x128xf32, #tpu.memory_space<vmem>>, vector<1x16xf32>,
      %add3A_284 = arith.constant 1 : i32
      %add3A_285 = arith.addi %mul3A_228, %add3A_284 : i32
      %swap3A_286 = arith.index_cast %add3A_285 : i32 to index
      %swap3A_287 = arith.constant 16 : index
      %swap3A_288 = tpu.vector_load %arg7[%swap3A_286, %swap3A_287] {strides = array<i32>} : memref<128x128xf32, #tpu.memory_space<vmem>>, vector<1x16xf32>,
      %swap3A_289 = vector.shape_cast %swap3A_288 : vector<1x16xf32> to vector<16xf32>
      %swap3A_290 = vector.shape_cast %scan3A_265#9 : vector<16xf32> to vector<1x16xf32>
      tpu.vector_store %arg7[%swap3A_286, %swap3A_287], %swap3A_290 {strides = array<i32>} : memref<128x128xf32, #tpu.memory_space<vmem>>, vector<1x16xf32>,
      %swap3A_291 = arith.index_cast %mul3A_228 : i32 to index
      %swap3A_292 = arith.constant 32 : index
      %swap3A_293 = tpu.vector_load %arg7[%swap3A_291, %swap3A_292] {strides = array<i32>} : memref<128x128xf32, #tpu.memory_space<vmem>>, vector<1x16xf32>,
      %swap3A_294 = vector.shape_cast %swap3A_293 : vector<1x16xf32> to vector<16xf32>
      %swap3A_295 = vector.shape_cast %scan3A_265#2 : vector<16xf32> to vector<1x16xf32>
      tpu.vector_store %arg7[%swap3A_291, %swap3A_292], %swap3A_295 {strides = array<i32>} : memref<128x128xf32, #tpu.memory_space<vmem>>, vector<1x16xf32>,
      %add3A_296 = arith.constant 1 : i32
      %add3A_297 = arith.addi %mul3A_228, %add3A_296 : i32
      %swap3A_298 = arith.index_cast %add3A_297 : i32 to index
      %swap3A_299 = arith.constant 32 : index
      %swap3A_300 = tpu.vector_load %arg7[%swap3A_298, %swap3A_299] {strides = array<i32>} : memref<128x128xf32, #tpu.memory_space<vmem>>, vector<1x16xf32>,
      %swap3A_301 = vector.shape_cast %swap3A_300 : vector<1x16xf32> to vector<16xf32>
      %swap3A_302 = vector.shape_cast %scan3A_265#10 : vector<16xf32> to vector<1x16xf32>
      tpu.vector_store %arg7[%swap3A_298, %swap3A_299], %swap3A_302 {strides = array<i32>} : memref<128x128xf32, #tpu.memory_space<vmem>>, vector<1x16xf32>,
      %swap3A_303 = arith.index_cast %mul3A_228 : i32 to index
      %swap3A_304 = arith.constant 48 : index
      %swap3A_305 = tpu.vector_load %arg7[%swap3A_303, %swap3A_304] {strides = array<i32>} : memref<128x128xf32, #tpu.memory_space<vmem>>, vector<1x16xf32>,
      %swap3A_306 = vector.shape_cast %swap3A_305 : vector<1x16xf32> to vector<16xf32>
      %swap3A_307 = vector.shape_cast %scan3A_265#3 : vector<16xf32> to vector<1x16xf32>
      tpu.vector_store %arg7[%swap3A_303, %swap3A_304], %swap3A_307 {strides = array<i32>} : memref<128x128xf32, #tpu.memory_space<vmem>>, vector<1x16xf32>,
      %add3A_308 = arith.constant 1 : i32
      %add3A_309 = arith.addi %mul3A_228, %add3A_308 : i32
      %swap3A_310 = arith.index_cast %add3A_309 : i32 to index
      %swap3A_311 = arith.constant 48 : index
      %swap3A_312 = tpu.vector_load %arg7[%swap3A_310, %swap3A_311] {strides = array<i32>} : memref<128x128xf32, #tpu.memory_space<vmem>>, vector<1x16xf32>,
      %swap3A_313 = vector.shape_cast %swap3A_312 : vector<1x16xf32> to vector<16xf32>
      %swap3A_314 = vector.shape_cast %scan3A_265#11 : vector<16xf32> to vector<1x16xf32>
      tpu.vector_store %arg7[%swap3A_310, %swap3A_311], %swap3A_314 {strides = array<i32>} : memref<128x128xf32, #tpu.memory_space<vmem>>, vector<1x16xf32>,
      %swap3A_315 = arith.index_cast %mul3A_228 : i32 to index
      %swap3A_316 = arith.constant 64 : index
      %swap3A_317 = tpu.vector_load %arg7[%swap3A_315, %swap3A_316] {strides = array<i32>} : memref<128x128xf32, #tpu.memory_space<vmem>>, vector<1x16xf32>,
      %swap3A_318 = vector.shape_cast %swap3A_317 : vector<1x16xf32> to vector<16xf32>
      %swap3A_319 = vector.shape_cast %scan3A_265#4 : vector<16xf32> to vector<1x16xf32>
      tpu.vector_store %arg7[%swap3A_315, %swap3A_316], %swap3A_319 {strides = array<i32>} : memref<128x128xf32, #tpu.memory_space<vmem>>, vector<1x16xf32>,
      %add3A_320 = arith.constant 1 : i32
      %add3A_321 = arith.addi %mul3A_228, %add3A_320 : i32
      %swap3A_322 = arith.index_cast %add3A_321 : i32 to index
      %swap3A_323 = arith.constant 64 : index
      %swap3A_324 = tpu.vector_load %arg7[%swap3A_322, %swap3A_323] {strides = array<i32>} : memref<128x128xf32, #tpu.memory_space<vmem>>, vector<1x16xf32>,
      %swap3A_325 = vector.shape_cast %swap3A_324 : vector<1x16xf32> to vector<16xf32>
      %swap3A_326 = vector.shape_cast %scan3A_265#12 : vector<16xf32> to vector<1x16xf32>
      tpu.vector_store %arg7[%swap3A_322, %swap3A_323], %swap3A_326 {strides = array<i32>} : memref<128x128xf32, #tpu.memory_space<vmem>>, vector<1x16xf32>,
      %swap3A_327 = arith.index_cast %mul3A_228 : i32 to index
      %swap3A_328 = arith.constant 80 : index
      %swap3A_329 = tpu.vector_load %arg7[%swap3A_327, %swap3A_328] {strides = array<i32>} : memref<128x128xf32, #tpu.memory_space<vmem>>, vector<1x16xf32>,
      %swap3A_330 = vector.shape_cast %swap3A_329 : vector<1x16xf32> to vector<16xf32>
      %swap3A_331 = vector.shape_cast %scan3A_265#5 : vector<16xf32> to vector<1x16xf32>
      tpu.vector_store %arg7[%swap3A_327, %swap3A_328], %swap3A_331 {strides = array<i32>} : memref<128x128xf32, #tpu.memory_space<vmem>>, vector<1x16xf32>,
      %add3A_332 = arith.constant 1 : i32
      %add3A_333 = arith.addi %mul3A_228, %add3A_332 : i32
      %swap3A_334 = arith.index_cast %add3A_333 : i32 to index
      %swap3A_335 = arith.constant 80 : index
      %swap3A_336 = tpu.vector_load %arg7[%swap3A_334, %swap3A_335] {strides = array<i32>} : memref<128x128xf32, #tpu.memory_space<vmem>>, vector<1x16xf32>,
      %swap3A_337 = vector.shape_cast %swap3A_336 : vector<1x16xf32> to vector<16xf32>
      %swap3A_338 = vector.shape_cast %scan3A_265#13 : vector<16xf32> to vector<1x16xf32>
      tpu.vector_store %arg7[%swap3A_334, %swap3A_335], %swap3A_338 {strides = array<i32>} : memref<128x128xf32, #tpu.memory_space<vmem>>, vector<1x16xf32>,
      %swap3A_339 = arith.index_cast %mul3A_228 : i32 to index
      %swap3A_340 = arith.constant 96 : index
      %swap3A_341 = tpu.vector_load %arg7[%swap3A_339, %swap3A_340] {strides = array<i32>} : memref<128x128xf32, #tpu.memory_space<vmem>>, vector<1x16xf32>,
      %swap3A_342 = vector.shape_cast %swap3A_341 : vector<1x16xf32> to vector<16xf32>
      %swap3A_343 = vector.shape_cast %scan3A_265#6 : vector<16xf32> to vector<1x16xf32>
      tpu.vector_store %arg7[%swap3A_339, %swap3A_340], %swap3A_343 {strides = array<i32>} : memref<128x128xf32, #tpu.memory_space<vmem>>, vector<1x16xf32>,
      %add3A_344 = arith.constant 1 : i32
      %add3A_345 = arith.addi %mul3A_228, %add3A_344 : i32
      %swap3A_346 = arith.index_cast %add3A_345 : i32 to index
      %swap3A_347 = arith.constant 96 : index
      %swap3A_348 = tpu.vector_load %arg7[%swap3A_346, %swap3A_347] {strides = array<i32>} : memref<128x128xf32, #tpu.memory_space<vmem>>, vector<1x16xf32>,
      %swap3A_349 = vector.shape_cast %swap3A_348 : vector<1x16xf32> to vector<16xf32>
      %swap3A_350 = vector.shape_cast %scan3A_265#14 : vector<16xf32> to vector<1x16xf32>
      tpu.vector_store %arg7[%swap3A_346, %swap3A_347], %swap3A_350 {strides = array<i32>} : memref<128x128xf32, #tpu.memory_space<vmem>>, vector<1x16xf32>,
      %swap3A_351 = arith.index_cast %mul3A_228 : i32 to index
      %swap3A_352 = arith.constant 112 : index
      %swap3A_353 = tpu.vector_load %arg7[%swap3A_351, %swap3A_352] {strides = array<i32>} : memref<128x128xf32, #tpu.memory_space<vmem>>, vector<1x16xf32>,
      %swap3A_354 = vector.shape_cast %swap3A_353 : vector<1x16xf32> to vector<16xf32>
      %swap3A_355 = vector.shape_cast %scan3A_265#7 : vector<16xf32> to vector<1x16xf32>
      tpu.vector_store %arg7[%swap3A_351, %swap3A_352], %swap3A_355 {strides = array<i32>} : memref<128x128xf32, #tpu.memory_space<vmem>>, vector<1x16xf32>,
      %add3A_356 = arith.constant 1 : i32
      %add3A_357 = arith.addi %mul3A_228, %add3A_356 : i32
      %swap3A_358 = arith.index_cast %add3A_357 : i32 to index
      %swap3A_359 = arith.constant 112 : index
      %swap3A_360 = tpu.vector_load %arg7[%swap3A_358, %swap3A_359] {strides = array<i32>} : memref<128x128xf32, #tpu.memory_space<vmem>>, vector<1x16xf32>,
      %swap3A_361 = vector.shape_cast %swap3A_360 : vector<1x16xf32> to vector<16xf32>
      %swap3A_362 = vector.shape_cast %scan3A_265#15 : vector<16xf32> to vector<1x16xf32>
      tpu.vector_store %arg7[%swap3A_358, %swap3A_359], %swap3A_362 {strides = array<i32>} : memref<128x128xf32, #tpu.memory_space<vmem>>, vector<1x16xf32>,
      %lt3A_363 = arith.constant 15 : i32
      %lt3A_364 = arith.cmpi slt, %scan3A_61, %lt3A_363 : i32
      %convert_element_type3A_365 = arith.extui %lt3A_364 : i1 to i32
      %cond3A_366 = arith.constant 0 : i32
      %cond3A_367 = arith.cmpi ne, %convert_element_type3A_365, %cond3A_366 : i32
      scf.if %cond3A_367 {
        %add3A_678 = arith.constant 1 : i32
        %add3A_679 = arith.addi %mul3A_63, %add3A_678 : i32
        %add3A_680 = arith.constant 4 : i32
        %add3A_681 = arith.addi %add3A_679, %add3A_680 : i32
        %dma_start3A_682 = arith.constant 0 : i32
        %dma_start3A_683 = arith.constant 0 : i32
        %dma_start3A_684 = tpu.memref_slice %arg6[%scan3A_51, %dma_start3A_682, %dma_start3A_683] : memref<4x100x128xf32, #tpu.memory_space<vmem>> -> memref<1x100x128xf32, #tpu.memory_space<vmem>>
        %dma_start3A_685 = tpu.memref_squeeze %dma_start3A_684 : memref<1x100x128xf32, #tpu.memory_space<vmem>> -> memref<100x128xf32, #tpu.memory_space<vmem>>
        %dma_start3A_686 = arith.constant 0 : i32
        %dma_start3A_687 = tpu.memref_slice %arg5[%add3A_681, %dma_start3A_686] : memref<64x100xi32, #tpu.memory_space<vmem>> -> memref<1x100xi32, #tpu.memory_space<vmem>>
        %dma_start3A_688 = tpu.memref_squeeze %dma_start3A_687 : memref<1x100xi32, #tpu.memory_space<vmem>> -> memref<100xi32, #tpu.memory_space<vmem>>
        %dma_start3A_689 = arith.constant 0 : i32
        %dma_start3A_690 = arith.constant 0 : i32
        %dma_start3A_691 = tpu.memref_slice %arg3[%dma_start3A_689, %dma_start3A_690] : memref<100000x128xf32, #tpu.memory_space<hbm>> -> memref<100000x128xf32, #tpu.memory_space<hbm>>
        tpu.enqueue_indirect_dma source(%dma_start3A_691 : memref<100000x128xf32, #tpu.memory_space<hbm>>) target(%dma_start3A_685 : memref<100x128xf32, #tpu.memory_space<vmem>>) offsets(%dma_start3A_688 : memref<100xi32, #tpu.memory_space<vmem>>) semaphore(%arg9 : memref<!tpu.dma_semaphore, #tpu.memory_space<semaphore_mem>>)
      } else {
      }
      %add3A_368 = arith.constant 2 : i32
      %add3A_369 = arith.addi %mul3A_63, %add3A_368 : i32
      %dma_wait3A_370 = arith.constant 0 : i32
      %dma_wait3A_371 = arith.constant 0 : i32
      %dma_wait3A_372 = tpu.memref_slice %arg6[%scan3A_52, %dma_wait3A_370, %dma_wait3A_371] : memref<4x100x128xf32, #tpu.memory_space<vmem>> -> memref<1x100x128xf32, #tpu.memory_space<vmem>>
      %dma_wait3A_373 = tpu.memref_squeeze %dma_wait3A_372 : memref<1x100x128xf32, #tpu.memory_space<vmem>> -> memref<100x128xf32, #tpu.memory_space<vmem>>
      %dma_wait3A_374 = arith.constant 0 : i32
      %dma_wait3A_375 = tpu.memref_slice %arg5[%add3A_369, %dma_wait3A_374] : memref<64x100xi32, #tpu.memory_space<vmem>> -> memref<1x100xi32, #tpu.memory_space<vmem>>
      %dma_wait3A_376 = tpu.memref_squeeze %dma_wait3A_375 : memref<1x100xi32, #tpu.memory_space<vmem>> -> memref<100xi32, #tpu.memory_space<vmem>>
      %dma_wait3A_377 = arith.constant 0 : i32
      %dma_wait3A_378 = arith.constant 0 : i32
      %dma_wait3A_379 = tpu.memref_slice %arg3[%dma_wait3A_377, %dma_wait3A_378] : memref<100000x128xf32, #tpu.memory_space<hbm>> -> memref<100000x128xf32, #tpu.memory_space<hbm>>
      tpu.wait_indirect_dma semaphore(%arg10 : memref<!tpu.dma_semaphore, #tpu.memory_space<semaphore_mem>>) src(%dma_wait3A_379 : memref<100000x128xf32, #tpu.memory_space<hbm>>) dst(%dma_wait3A_373 : memref<100x128xf32, #tpu.memory_space<vmem>>)
      %add3A_380 = arith.constant 2 : i32
      %add3A_381 = arith.addi %mul3A_63, %add3A_380 : i32
      %mul3A_382 = arith.constant 2 : i32
      %mul3A_383 = arith.muli %mul3A_382, %add3A_381 : i32
      %broadcast_in_dim3A_384 = arith.constant 0.000000e+00 : f32
      %broadcast_in_dim3A_385 = vector.broadcast %broadcast_in_dim3A_384 : f32 to vector<16xf32>
      %broadcast_in_dim3A_386 = arith.constant 0.000000e+00 : f32
      %broadcast_in_dim3A_387 = vector.broadcast %broadcast_in_dim3A_386 : f32 to vector<16xf32>
      %broadcast_in_dim3A_388 = arith.constant 0.000000e+00 : f32
      %broadcast_in_dim3A_389 = vector.broadcast %broadcast_in_dim3A_388 : f32 to vector<16xf32>
      %broadcast_in_dim3A_390 = arith.constant 0.000000e+00 : f32
      %broadcast_in_dim3A_391 = vector.broadcast %broadcast_in_dim3A_390 : f32 to vector<16xf32>
      %broadcast_in_dim3A_392 = arith.constant 0.000000e+00 : f32
      %broadcast_in_dim3A_393 = vector.broadcast %broadcast_in_dim3A_392 : f32 to vector<16xf32>
      %broadcast_in_dim3A_394 = arith.constant 0.000000e+00 : f32
      %broadcast_in_dim3A_395 = vector.broadcast %broadcast_in_dim3A_394 : f32 to vector<16xf32>
      %broadcast_in_dim3A_396 = arith.constant 0.000000e+00 : f32
      %broadcast_in_dim3A_397 = vector.broadcast %broadcast_in_dim3A_396 : f32 to vector<16xf32>
      %broadcast_in_dim3A_398 = arith.constant 0.000000e+00 : f32
      %broadcast_in_dim3A_399 = vector.broadcast %broadcast_in_dim3A_398 : f32 to vector<16xf32>
      %broadcast_in_dim3A_400 = arith.constant 0.000000e+00 : f32
      %broadcast_in_dim3A_401 = vector.broadcast %broadcast_in_dim3A_400 : f32 to vector<16xf32>
      %broadcast_in_dim3A_402 = arith.constant 0.000000e+00 : f32
      %broadcast_in_dim3A_403 = vector.broadcast %broadcast_in_dim3A_402 : f32 to vector<16xf32>
      %broadcast_in_dim3A_404 = arith.constant 0.000000e+00 : f32
      %broadcast_in_dim3A_405 = vector.broadcast %broadcast_in_dim3A_404 : f32 to vector<16xf32>
      %broadcast_in_dim3A_406 = arith.constant 0.000000e+00 : f32
      %broadcast_in_dim3A_407 = vector.broadcast %broadcast_in_dim3A_406 : f32 to vector<16xf32>
      %broadcast_in_dim3A_408 = arith.constant 0.000000e+00 : f32
      %broadcast_in_dim3A_409 = vector.broadcast %broadcast_in_dim3A_408 : f32 to vector<16xf32>
      %broadcast_in_dim3A_410 = arith.constant 0.000000e+00 : f32
      %broadcast_in_dim3A_411 = vector.broadcast %broadcast_in_dim3A_410 : f32 to vector<16xf32>
      %broadcast_in_dim3A_412 = arith.constant 0.000000e+00 : f32
      %broadcast_in_dim3A_413 = vector.broadcast %broadcast_in_dim3A_412 : f32 to vector<16xf32>
      %broadcast_in_dim3A_414 = arith.constant 0.000000e+00 : f32
      %broadcast_in_dim3A_415 = vector.broadcast %broadcast_in_dim3A_414 : f32 to vector<16xf32>
      %scan3A_416 = arith.constant 0 : i32
      %scan3A_417 = arith.constant 25 : i32
      %scan3A_418 = arith.addi %scan3A_416, %scan3A_417 : i32
      %scan3A_419 = arith.constant 1 : i32
      %scan3A_420:16 = scf.for %scan3A_678 = %scan3A_416 to %scan3A_418 step %scan3A_419 iter_args(%scan3A_679 = %broadcast_in_dim3A_385, %scan3A_680 = %broadcast_in_dim3A_387, %scan3A_681 = %broadcast_in_dim3A_389, %scan3A_682 = %broadcast_in_dim3A_391, %scan3A_683 = %broadcast_in_dim3A_393, %scan3A_684 = %broadcast_in_dim3A_395, %scan3A_685 = %broadcast_in_dim3A_397, %scan3A_686 = %broadcast_in_dim3A_399, %scan3A_687 = %broadcast_in_dim3A_401, %scan3A_688 = %broadcast_in_dim3A_403, %scan3A_689 = %broadcast_in_dim3A_405, %scan3A_690 = %broadcast_in_dim3A_407, %scan3A_691 = %broadcast_in_dim3A_409, %scan3A_692 = %broadcast_in_dim3A_411, %scan3A_693 = %broadcast_in_dim3A_413, %scan3A_694 = %broadcast_in_dim3A_415) -> (vector<16xf32>, vector<16xf32>, vector<16xf32>, vector<16xf32>, vector<16xf32>, vector<16xf32>, vector<16xf32>, vector<16xf32>, vector<16xf32>, vector<16xf32>, vector<16xf32>, vector<16xf32>, vector<16xf32>, vector<16xf32>, vector<16xf32>, vector<16xf32>)  : i32 {
        %mul3A_695 = arith.constant 2 : i32
        %mul3A_696 = arith.muli %mul3A_695, %scan3A_678 : i32
        %add3A_697 = arith.constant 0 : i32
        %add3A_698 = arith.addi %mul3A_696, %add3A_697 : i32
        %get3A = arith.constant 0 : i32
        %get3A_699 = arith.constant 0 : i32
        %get3A_700 = tpu.memref_slice %arg6[%scan3A_52, %get3A, %get3A_699] : memref<4x100x128xf32, #tpu.memory_space<vmem>> -> memref<1x100x128xf32, #tpu.memory_space<vmem>>
        %get3A_701 = tpu.memref_squeeze %get3A_700 : memref<1x100x128xf32, #tpu.memory_space<vmem>> -> memref<100x128xf32, #tpu.memory_space<vmem>>
        %get3A_702 = arith.index_cast %add3A_698 : i32 to index
        %get3A_703 = arith.constant 0 : index
        %get3A_704 = tpu.vector_load %get3A_701[%get3A_702, %get3A_703] {strides = array<i32>} : memref<100x128xf32, #tpu.memory_space<vmem>>, vector<1x16xf32>,
        %get3A_705 = vector.shape_cast %get3A_704 : vector<1x16xf32> to vector<16xf32>
        %add3A_706 = arith.addf %scan3A_679, %get3A_705 : vector<16xf32>
        %get3A_707 = arith.constant 0 : i32
        %get3A_708 = arith.constant 0 : i32
        %get3A_709 = tpu.memref_slice %arg6[%scan3A_52, %get3A_707, %get3A_708] : memref<4x100x128xf32, #tpu.memory_space<vmem>> -> memref<1x100x128xf32, #tpu.memory_space<vmem>>
        %get3A_710 = tpu.memref_squeeze %get3A_709 : memref<1x100x128xf32, #tpu.memory_space<vmem>> -> memref<100x128xf32, #tpu.memory_space<vmem>>
        %get3A_711 = arith.index_cast %add3A_698 : i32 to index
        %get3A_712 = arith.constant 16 : index
        %get3A_713 = tpu.vector_load %get3A_710[%get3A_711, %get3A_712] {strides = array<i32>} : memref<100x128xf32, #tpu.memory_space<vmem>>, vector<1x16xf32>,
        %get3A_714 = vector.shape_cast %get3A_713 : vector<1x16xf32> to vector<16xf32>
        %add3A_715 = arith.addf %scan3A_680, %get3A_714 : vector<16xf32>
        %get3A_716 = arith.constant 0 : i32
        %get3A_717 = arith.constant 0 : i32
        %get3A_718 = tpu.memref_slice %arg6[%scan3A_52, %get3A_716, %get3A_717] : memref<4x100x128xf32, #tpu.memory_space<vmem>> -> memref<1x100x128xf32, #tpu.memory_space<vmem>>
        %get3A_719 = tpu.memref_squeeze %get3A_718 : memref<1x100x128xf32, #tpu.memory_space<vmem>> -> memref<100x128xf32, #tpu.memory_space<vmem>>
        %get3A_720 = arith.index_cast %add3A_698 : i32 to index
        %get3A_721 = arith.constant 32 : index
        %get3A_722 = tpu.vector_load %get3A_719[%get3A_720, %get3A_721] {strides = array<i32>} : memref<100x128xf32, #tpu.memory_space<vmem>>, vector<1x16xf32>,
        %get3A_723 = vector.shape_cast %get3A_722 : vector<1x16xf32> to vector<16xf32>
        %add3A_724 = arith.addf %scan3A_681, %get3A_723 : vector<16xf32>
        %get3A_725 = arith.constant 0 : i32
        %get3A_726 = arith.constant 0 : i32
        %get3A_727 = tpu.memref_slice %arg6[%scan3A_52, %get3A_725, %get3A_726] : memref<4x100x128xf32, #tpu.memory_space<vmem>> -> memref<1x100x128xf32, #tpu.memory_space<vmem>>
        %get3A_728 = tpu.memref_squeeze %get3A_727 : memref<1x100x128xf32, #tpu.memory_space<vmem>> -> memref<100x128xf32, #tpu.memory_space<vmem>>
        %get3A_729 = arith.index_cast %add3A_698 : i32 to index
        %get3A_730 = arith.constant 48 : index
        %get3A_731 = tpu.vector_load %get3A_728[%get3A_729, %get3A_730] {strides = array<i32>} : memref<100x128xf32, #tpu.memory_space<vmem>>, vector<1x16xf32>,
        %get3A_732 = vector.shape_cast %get3A_731 : vector<1x16xf32> to vector<16xf32>
        %add3A_733 = arith.addf %scan3A_682, %get3A_732 : vector<16xf32>
        %get3A_734 = arith.constant 0 : i32
        %get3A_735 = arith.constant 0 : i32
        %get3A_736 = tpu.memref_slice %arg6[%scan3A_52, %get3A_734, %get3A_735] : memref<4x100x128xf32, #tpu.memory_space<vmem>> -> memref<1x100x128xf32, #tpu.memory_space<vmem>>
        %get3A_737 = tpu.memref_squeeze %get3A_736 : memref<1x100x128xf32, #tpu.memory_space<vmem>> -> memref<100x128xf32, #tpu.memory_space<vmem>>
        %get3A_738 = arith.index_cast %add3A_698 : i32 to index
        %get3A_739 = arith.constant 64 : index
        %get3A_740 = tpu.vector_load %get3A_737[%get3A_738, %get3A_739] {strides = array<i32>} : memref<100x128xf32, #tpu.memory_space<vmem>>, vector<1x16xf32>,
        %get3A_741 = vector.shape_cast %get3A_740 : vector<1x16xf32> to vector<16xf32>
        %add3A_742 = arith.addf %scan3A_683, %get3A_741 : vector<16xf32>
        %get3A_743 = arith.constant 0 : i32
        %get3A_744 = arith.constant 0 : i32
        %get3A_745 = tpu.memref_slice %arg6[%scan3A_52, %get3A_743, %get3A_744] : memref<4x100x128xf32, #tpu.memory_space<vmem>> -> memref<1x100x128xf32, #tpu.memory_space<vmem>>
        %get3A_746 = tpu.memref_squeeze %get3A_745 : memref<1x100x128xf32, #tpu.memory_space<vmem>> -> memref<100x128xf32, #tpu.memory_space<vmem>>
        %get3A_747 = arith.index_cast %add3A_698 : i32 to index
        %get3A_748 = arith.constant 80 : index
        %get3A_749 = tpu.vector_load %get3A_746[%get3A_747, %get3A_748] {strides = array<i32>} : memref<100x128xf32, #tpu.memory_space<vmem>>, vector<1x16xf32>,
        %get3A_750 = vector.shape_cast %get3A_749 : vector<1x16xf32> to vector<16xf32>
        %add3A_751 = arith.addf %scan3A_684, %get3A_750 : vector<16xf32>
        %get3A_752 = arith.constant 0 : i32
        %get3A_753 = arith.constant 0 : i32
        %get3A_754 = tpu.memref_slice %arg6[%scan3A_52, %get3A_752, %get3A_753] : memref<4x100x128xf32, #tpu.memory_space<vmem>> -> memref<1x100x128xf32, #tpu.memory_space<vmem>>
        %get3A_755 = tpu.memref_squeeze %get3A_754 : memref<1x100x128xf32, #tpu.memory_space<vmem>> -> memref<100x128xf32, #tpu.memory_space<vmem>>
        %get3A_756 = arith.index_cast %add3A_698 : i32 to index
        %get3A_757 = arith.constant 96 : index
        %get3A_758 = tpu.vector_load %get3A_755[%get3A_756, %get3A_757] {strides = array<i32>} : memref<100x128xf32, #tpu.memory_space<vmem>>, vector<1x16xf32>,
        %get3A_759 = vector.shape_cast %get3A_758 : vector<1x16xf32> to vector<16xf32>
        %add3A_760 = arith.addf %scan3A_685, %get3A_759 : vector<16xf32>
        %get3A_761 = arith.constant 0 : i32
        %get3A_762 = arith.constant 0 : i32
        %get3A_763 = tpu.memref_slice %arg6[%scan3A_52, %get3A_761, %get3A_762] : memref<4x100x128xf32, #tpu.memory_space<vmem>> -> memref<1x100x128xf32, #tpu.memory_space<vmem>>
        %get3A_764 = tpu.memref_squeeze %get3A_763 : memref<1x100x128xf32, #tpu.memory_space<vmem>> -> memref<100x128xf32, #tpu.memory_space<vmem>>
        %get3A_765 = arith.index_cast %add3A_698 : i32 to index
        %get3A_766 = arith.constant 112 : index
        %get3A_767 = tpu.vector_load %get3A_764[%get3A_765, %get3A_766] {strides = array<i32>} : memref<100x128xf32, #tpu.memory_space<vmem>>, vector<1x16xf32>,
        %get3A_768 = vector.shape_cast %get3A_767 : vector<1x16xf32> to vector<16xf32>
        %add3A_769 = arith.addf %scan3A_686, %get3A_768 : vector<16xf32>
        %add3A_770 = arith.constant 50 : i32
        %add3A_771 = arith.addi %add3A_770, %add3A_698 : i32
        %get3A_772 = arith.constant 0 : i32
        %get3A_773 = arith.constant 0 : i32
        %get3A_774 = tpu.memref_slice %arg6[%scan3A_52, %get3A_772, %get3A_773] : memref<4x100x128xf32, #tpu.memory_space<vmem>> -> memref<1x100x128xf32, #tpu.memory_space<vmem>>
        %get3A_775 = tpu.memref_squeeze %get3A_774 : memref<1x100x128xf32, #tpu.memory_space<vmem>> -> memref<100x128xf32, #tpu.memory_space<vmem>>
        %get3A_776 = arith.index_cast %add3A_771 : i32 to index
        %get3A_777 = arith.constant 0 : index
        %get3A_778 = tpu.vector_load %get3A_775[%get3A_776, %get3A_777] {strides = array<i32>} : memref<100x128xf32, #tpu.memory_space<vmem>>, vector<1x16xf32>,
        %get3A_779 = vector.shape_cast %get3A_778 : vector<1x16xf32> to vector<16xf32>
        %add3A_780 = arith.addf %scan3A_687, %get3A_779 : vector<16xf32>
        %add3A_781 = arith.constant 50 : i32
        %add3A_782 = arith.addi %add3A_781, %add3A_698 : i32
        %get3A_783 = arith.constant 0 : i32
        %get3A_784 = arith.constant 0 : i32
        %get3A_785 = tpu.memref_slice %arg6[%scan3A_52, %get3A_783, %get3A_784] : memref<4x100x128xf32, #tpu.memory_space<vmem>> -> memref<1x100x128xf32, #tpu.memory_space<vmem>>
        %get3A_786 = tpu.memref_squeeze %get3A_785 : memref<1x100x128xf32, #tpu.memory_space<vmem>> -> memref<100x128xf32, #tpu.memory_space<vmem>>
        %get3A_787 = arith.index_cast %add3A_782 : i32 to index
        %get3A_788 = arith.constant 16 : index
        %get3A_789 = tpu.vector_load %get3A_786[%get3A_787, %get3A_788] {strides = array<i32>} : memref<100x128xf32, #tpu.memory_space<vmem>>, vector<1x16xf32>,
        %get3A_790 = vector.shape_cast %get3A_789 : vector<1x16xf32> to vector<16xf32>
        %add3A_791 = arith.addf %scan3A_688, %get3A_790 : vector<16xf32>
        %add3A_792 = arith.constant 50 : i32
        %add3A_793 = arith.addi %add3A_792, %add3A_698 : i32
        %get3A_794 = arith.constant 0 : i32
        %get3A_795 = arith.constant 0 : i32
        %get3A_796 = tpu.memref_slice %arg6[%scan3A_52, %get3A_794, %get3A_795] : memref<4x100x128xf32, #tpu.memory_space<vmem>> -> memref<1x100x128xf32, #tpu.memory_space<vmem>>
        %get3A_797 = tpu.memref_squeeze %get3A_796 : memref<1x100x128xf32, #tpu.memory_space<vmem>> -> memref<100x128xf32, #tpu.memory_space<vmem>>
        %get3A_798 = arith.index_cast %add3A_793 : i32 to index
        %get3A_799 = arith.constant 32 : index
        %get3A_800 = tpu.vector_load %get3A_797[%get3A_798, %get3A_799] {strides = array<i32>} : memref<100x128xf32, #tpu.memory_space<vmem>>, vector<1x16xf32>,
        %get3A_801 = vector.shape_cast %get3A_800 : vector<1x16xf32> to vector<16xf32>
        %add3A_802 = arith.addf %scan3A_689, %get3A_801 : vector<16xf32>
        %add3A_803 = arith.constant 50 : i32
        %add3A_804 = arith.addi %add3A_803, %add3A_698 : i32
        %get3A_805 = arith.constant 0 : i32
        %get3A_806 = arith.constant 0 : i32
        %get3A_807 = tpu.memref_slice %arg6[%scan3A_52, %get3A_805, %get3A_806] : memref<4x100x128xf32, #tpu.memory_space<vmem>> -> memref<1x100x128xf32, #tpu.memory_space<vmem>>
        %get3A_808 = tpu.memref_squeeze %get3A_807 : memref<1x100x128xf32, #tpu.memory_space<vmem>> -> memref<100x128xf32, #tpu.memory_space<vmem>>
        %get3A_809 = arith.index_cast %add3A_804 : i32 to index
        %get3A_810 = arith.constant 48 : index
        %get3A_811 = tpu.vector_load %get3A_808[%get3A_809, %get3A_810] {strides = array<i32>} : memref<100x128xf32, #tpu.memory_space<vmem>>, vector<1x16xf32>,
        %get3A_812 = vector.shape_cast %get3A_811 : vector<1x16xf32> to vector<16xf32>
        %add3A_813 = arith.addf %scan3A_690, %get3A_812 : vector<16xf32>
        %add3A_814 = arith.constant 50 : i32
        %add3A_815 = arith.addi %add3A_814, %add3A_698 : i32
        %get3A_816 = arith.constant 0 : i32
        %get3A_817 = arith.constant 0 : i32
        %get3A_818 = tpu.memref_slice %arg6[%scan3A_52, %get3A_816, %get3A_817] : memref<4x100x128xf32, #tpu.memory_space<vmem>> -> memref<1x100x128xf32, #tpu.memory_space<vmem>>
        %get3A_819 = tpu.memref_squeeze %get3A_818 : memref<1x100x128xf32, #tpu.memory_space<vmem>> -> memref<100x128xf32, #tpu.memory_space<vmem>>
        %get3A_820 = arith.index_cast %add3A_815 : i32 to index
        %get3A_821 = arith.constant 64 : index
        %get3A_822 = tpu.vector_load %get3A_819[%get3A_820, %get3A_821] {strides = array<i32>} : memref<100x128xf32, #tpu.memory_space<vmem>>, vector<1x16xf32>,
        %get3A_823 = vector.shape_cast %get3A_822 : vector<1x16xf32> to vector<16xf32>
        %add3A_824 = arith.addf %scan3A_691, %get3A_823 : vector<16xf32>
        %add3A_825 = arith.constant 50 : i32
        %add3A_826 = arith.addi %add3A_825, %add3A_698 : i32
        %get3A_827 = arith.constant 0 : i32
        %get3A_828 = arith.constant 0 : i32
        %get3A_829 = tpu.memref_slice %arg6[%scan3A_52, %get3A_827, %get3A_828] : memref<4x100x128xf32, #tpu.memory_space<vmem>> -> memref<1x100x128xf32, #tpu.memory_space<vmem>>
        %get3A_830 = tpu.memref_squeeze %get3A_829 : memref<1x100x128xf32, #tpu.memory_space<vmem>> -> memref<100x128xf32, #tpu.memory_space<vmem>>
        %get3A_831 = arith.index_cast %add3A_826 : i32 to index
        %get3A_832 = arith.constant 80 : index
        %get3A_833 = tpu.vector_load %get3A_830[%get3A_831, %get3A_832] {strides = array<i32>} : memref<100x128xf32, #tpu.memory_space<vmem>>, vector<1x16xf32>,
        %get3A_834 = vector.shape_cast %get3A_833 : vector<1x16xf32> to vector<16xf32>
        %add3A_835 = arith.addf %scan3A_692, %get3A_834 : vector<16xf32>
        %add3A_836 = arith.constant 50 : i32
        %add3A_837 = arith.addi %add3A_836, %add3A_698 : i32
        %get3A_838 = arith.constant 0 : i32
        %get3A_839 = arith.constant 0 : i32
        %get3A_840 = tpu.memref_slice %arg6[%scan3A_52, %get3A_838, %get3A_839] : memref<4x100x128xf32, #tpu.memory_space<vmem>> -> memref<1x100x128xf32, #tpu.memory_space<vmem>>
        %get3A_841 = tpu.memref_squeeze %get3A_840 : memref<1x100x128xf32, #tpu.memory_space<vmem>> -> memref<100x128xf32, #tpu.memory_space<vmem>>
        %get3A_842 = arith.index_cast %add3A_837 : i32 to index
        %get3A_843 = arith.constant 96 : index
        %get3A_844 = tpu.vector_load %get3A_841[%get3A_842, %get3A_843] {strides = array<i32>} : memref<100x128xf32, #tpu.memory_space<vmem>>, vector<1x16xf32>,
        %get3A_845 = vector.shape_cast %get3A_844 : vector<1x16xf32> to vector<16xf32>
        %add3A_846 = arith.addf %scan3A_693, %get3A_845 : vector<16xf32>
        %add3A_847 = arith.constant 50 : i32
        %add3A_848 = arith.addi %add3A_847, %add3A_698 : i32
        %get3A_849 = arith.constant 0 : i32
        %get3A_850 = arith.constant 0 : i32
        %get3A_851 = tpu.memref_slice %arg6[%scan3A_52, %get3A_849, %get3A_850] : memref<4x100x128xf32, #tpu.memory_space<vmem>> -> memref<1x100x128xf32, #tpu.memory_space<vmem>>
        %get3A_852 = tpu.memref_squeeze %get3A_851 : memref<1x100x128xf32, #tpu.memory_space<vmem>> -> memref<100x128xf32, #tpu.memory_space<vmem>>
        %get3A_853 = arith.index_cast %add3A_848 : i32 to index
        %get3A_854 = arith.constant 112 : index
        %get3A_855 = tpu.vector_load %get3A_852[%get3A_853, %get3A_854] {strides = array<i32>} : memref<100x128xf32, #tpu.memory_space<vmem>>, vector<1x16xf32>,
        %get3A_856 = vector.shape_cast %get3A_855 : vector<1x16xf32> to vector<16xf32>
        %add3A_857 = arith.addf %scan3A_694, %get3A_856 : vector<16xf32>
        %add3A_858 = arith.constant 1 : i32
        %add3A_859 = arith.addi %mul3A_696, %add3A_858 : i32
        %get3A_860 = arith.constant 0 : i32
        %get3A_861 = arith.constant 0 : i32
        %get3A_862 = tpu.memref_slice %arg6[%scan3A_52, %get3A_860, %get3A_861] : memref<4x100x128xf32, #tpu.memory_space<vmem>> -> memref<1x100x128xf32, #tpu.memory_space<vmem>>
        %get3A_863 = tpu.memref_squeeze %get3A_862 : memref<1x100x128xf32, #tpu.memory_space<vmem>> -> memref<100x128xf32, #tpu.memory_space<vmem>>
        %get3A_864 = arith.index_cast %add3A_859 : i32 to index
        %get3A_865 = arith.constant 0 : index
        %get3A_866 = tpu.vector_load %get3A_863[%get3A_864, %get3A_865] {strides = array<i32>} : memref<100x128xf32, #tpu.memory_space<vmem>>, vector<1x16xf32>,
        %get3A_867 = vector.shape_cast %get3A_866 : vector<1x16xf32> to vector<16xf32>
        %add3A_868 = arith.addf %add3A_706, %get3A_867 : vector<16xf32>
        %get3A_869 = arith.constant 0 : i32
        %get3A_870 = arith.constant 0 : i32
        %get3A_871 = tpu.memref_slice %arg6[%scan3A_52, %get3A_869, %get3A_870] : memref<4x100x128xf32, #tpu.memory_space<vmem>> -> memref<1x100x128xf32, #tpu.memory_space<vmem>>
        %get3A_872 = tpu.memref_squeeze %get3A_871 : memref<1x100x128xf32, #tpu.memory_space<vmem>> -> memref<100x128xf32, #tpu.memory_space<vmem>>
        %get3A_873 = arith.index_cast %add3A_859 : i32 to index
        %get3A_874 = arith.constant 16 : index
        %get3A_875 = tpu.vector_load %get3A_872[%get3A_873, %get3A_874] {strides = array<i32>} : memref<100x128xf32, #tpu.memory_space<vmem>>, vector<1x16xf32>,
        %get3A_876 = vector.shape_cast %get3A_875 : vector<1x16xf32> to vector<16xf32>
        %add3A_877 = arith.addf %add3A_715, %get3A_876 : vector<16xf32>
        %get3A_878 = arith.constant 0 : i32
        %get3A_879 = arith.constant 0 : i32
        %get3A_880 = tpu.memref_slice %arg6[%scan3A_52, %get3A_878, %get3A_879] : memref<4x100x128xf32, #tpu.memory_space<vmem>> -> memref<1x100x128xf32, #tpu.memory_space<vmem>>
        %get3A_881 = tpu.memref_squeeze %get3A_880 : memref<1x100x128xf32, #tpu.memory_space<vmem>> -> memref<100x128xf32, #tpu.memory_space<vmem>>
        %get3A_882 = arith.index_cast %add3A_859 : i32 to index
        %get3A_883 = arith.constant 32 : index
        %get3A_884 = tpu.vector_load %get3A_881[%get3A_882, %get3A_883] {strides = array<i32>} : memref<100x128xf32, #tpu.memory_space<vmem>>, vector<1x16xf32>,
        %get3A_885 = vector.shape_cast %get3A_884 : vector<1x16xf32> to vector<16xf32>
        %add3A_886 = arith.addf %add3A_724, %get3A_885 : vector<16xf32>
        %get3A_887 = arith.constant 0 : i32
        %get3A_888 = arith.constant 0 : i32
        %get3A_889 = tpu.memref_slice %arg6[%scan3A_52, %get3A_887, %get3A_888] : memref<4x100x128xf32, #tpu.memory_space<vmem>> -> memref<1x100x128xf32, #tpu.memory_space<vmem>>
        %get3A_890 = tpu.memref_squeeze %get3A_889 : memref<1x100x128xf32, #tpu.memory_space<vmem>> -> memref<100x128xf32, #tpu.memory_space<vmem>>
        %get3A_891 = arith.index_cast %add3A_859 : i32 to index
        %get3A_892 = arith.constant 48 : index
        %get3A_893 = tpu.vector_load %get3A_890[%get3A_891, %get3A_892] {strides = array<i32>} : memref<100x128xf32, #tpu.memory_space<vmem>>, vector<1x16xf32>,
        %get3A_894 = vector.shape_cast %get3A_893 : vector<1x16xf32> to vector<16xf32>
        %add3A_895 = arith.addf %add3A_733, %get3A_894 : vector<16xf32>
        %get3A_896 = arith.constant 0 : i32
        %get3A_897 = arith.constant 0 : i32
        %get3A_898 = tpu.memref_slice %arg6[%scan3A_52, %get3A_896, %get3A_897] : memref<4x100x128xf32, #tpu.memory_space<vmem>> -> memref<1x100x128xf32, #tpu.memory_space<vmem>>
        %get3A_899 = tpu.memref_squeeze %get3A_898 : memref<1x100x128xf32, #tpu.memory_space<vmem>> -> memref<100x128xf32, #tpu.memory_space<vmem>>
        %get3A_900 = arith.index_cast %add3A_859 : i32 to index
        %get3A_901 = arith.constant 64 : index
        %get3A_902 = tpu.vector_load %get3A_899[%get3A_900, %get3A_901] {strides = array<i32>} : memref<100x128xf32, #tpu.memory_space<vmem>>, vector<1x16xf32>,
        %get3A_903 = vector.shape_cast %get3A_902 : vector<1x16xf32> to vector<16xf32>
        %add3A_904 = arith.addf %add3A_742, %get3A_903 : vector<16xf32>
        %get3A_905 = arith.constant 0 : i32
        %get3A_906 = arith.constant 0 : i32
        %get3A_907 = tpu.memref_slice %arg6[%scan3A_52, %get3A_905, %get3A_906] : memref<4x100x128xf32, #tpu.memory_space<vmem>> -> memref<1x100x128xf32, #tpu.memory_space<vmem>>
        %get3A_908 = tpu.memref_squeeze %get3A_907 : memref<1x100x128xf32, #tpu.memory_space<vmem>> -> memref<100x128xf32, #tpu.memory_space<vmem>>
        %get3A_909 = arith.index_cast %add3A_859 : i32 to index
        %get3A_910 = arith.constant 80 : index
        %get3A_911 = tpu.vector_load %get3A_908[%get3A_909, %get3A_910] {strides = array<i32>} : memref<100x128xf32, #tpu.memory_space<vmem>>, vector<1x16xf32>,
        %get3A_912 = vector.shape_cast %get3A_911 : vector<1x16xf32> to vector<16xf32>
        %add3A_913 = arith.addf %add3A_751, %get3A_912 : vector<16xf32>
        %get3A_914 = arith.constant 0 : i32
        %get3A_915 = arith.constant 0 : i32
        %get3A_916 = tpu.memref_slice %arg6[%scan3A_52, %get3A_914, %get3A_915] : memref<4x100x128xf32, #tpu.memory_space<vmem>> -> memref<1x100x128xf32, #tpu.memory_space<vmem>>
        %get3A_917 = tpu.memref_squeeze %get3A_916 : memref<1x100x128xf32, #tpu.memory_space<vmem>> -> memref<100x128xf32, #tpu.memory_space<vmem>>
        %get3A_918 = arith.index_cast %add3A_859 : i32 to index
        %get3A_919 = arith.constant 96 : index
        %get3A_920 = tpu.vector_load %get3A_917[%get3A_918, %get3A_919] {strides = array<i32>} : memref<100x128xf32, #tpu.memory_space<vmem>>, vector<1x16xf32>,
        %get3A_921 = vector.shape_cast %get3A_920 : vector<1x16xf32> to vector<16xf32>
        %add3A_922 = arith.addf %add3A_760, %get3A_921 : vector<16xf32>
        %get3A_923 = arith.constant 0 : i32
        %get3A_924 = arith.constant 0 : i32
        %get3A_925 = tpu.memref_slice %arg6[%scan3A_52, %get3A_923, %get3A_924] : memref<4x100x128xf32, #tpu.memory_space<vmem>> -> memref<1x100x128xf32, #tpu.memory_space<vmem>>
        %get3A_926 = tpu.memref_squeeze %get3A_925 : memref<1x100x128xf32, #tpu.memory_space<vmem>> -> memref<100x128xf32, #tpu.memory_space<vmem>>
        %get3A_927 = arith.index_cast %add3A_859 : i32 to index
        %get3A_928 = arith.constant 112 : index
        %get3A_929 = tpu.vector_load %get3A_926[%get3A_927, %get3A_928] {strides = array<i32>} : memref<100x128xf32, #tpu.memory_space<vmem>>, vector<1x16xf32>,
        %get3A_930 = vector.shape_cast %get3A_929 : vector<1x16xf32> to vector<16xf32>
        %add3A_931 = arith.addf %add3A_769, %get3A_930 : vector<16xf32>
        %add3A_932 = arith.constant 50 : i32
        %add3A_933 = arith.addi %add3A_932, %add3A_859 : i32
        %get3A_934 = arith.constant 0 : i32
        %get3A_935 = arith.constant 0 : i32
        %get3A_936 = tpu.memref_slice %arg6[%scan3A_52, %get3A_934, %get3A_935] : memref<4x100x128xf32, #tpu.memory_space<vmem>> -> memref<1x100x128xf32, #tpu.memory_space<vmem>>
        %get3A_937 = tpu.memref_squeeze %get3A_936 : memref<1x100x128xf32, #tpu.memory_space<vmem>> -> memref<100x128xf32, #tpu.memory_space<vmem>>
        %get3A_938 = arith.index_cast %add3A_933 : i32 to index
        %get3A_939 = arith.constant 0 : index
        %get3A_940 = tpu.vector_load %get3A_937[%get3A_938, %get3A_939] {strides = array<i32>} : memref<100x128xf32, #tpu.memory_space<vmem>>, vector<1x16xf32>,
        %get3A_941 = vector.shape_cast %get3A_940 : vector<1x16xf32> to vector<16xf32>
        %add3A_942 = arith.addf %add3A_780, %get3A_941 : vector<16xf32>
        %add3A_943 = arith.constant 50 : i32
        %add3A_944 = arith.addi %add3A_943, %add3A_859 : i32
        %get3A_945 = arith.constant 0 : i32
        %get3A_946 = arith.constant 0 : i32
        %get3A_947 = tpu.memref_slice %arg6[%scan3A_52, %get3A_945, %get3A_946] : memref<4x100x128xf32, #tpu.memory_space<vmem>> -> memref<1x100x128xf32, #tpu.memory_space<vmem>>
        %get3A_948 = tpu.memref_squeeze %get3A_947 : memref<1x100x128xf32, #tpu.memory_space<vmem>> -> memref<100x128xf32, #tpu.memory_space<vmem>>
        %get3A_949 = arith.index_cast %add3A_944 : i32 to index
        %get3A_950 = arith.constant 16 : index
        %get3A_951 = tpu.vector_load %get3A_948[%get3A_949, %get3A_950] {strides = array<i32>} : memref<100x128xf32, #tpu.memory_space<vmem>>, vector<1x16xf32>,
        %get3A_952 = vector.shape_cast %get3A_951 : vector<1x16xf32> to vector<16xf32>
        %add3A_953 = arith.addf %add3A_791, %get3A_952 : vector<16xf32>
        %add3A_954 = arith.constant 50 : i32
        %add3A_955 = arith.addi %add3A_954, %add3A_859 : i32
        %get3A_956 = arith.constant 0 : i32
        %get3A_957 = arith.constant 0 : i32
        %get3A_958 = tpu.memref_slice %arg6[%scan3A_52, %get3A_956, %get3A_957] : memref<4x100x128xf32, #tpu.memory_space<vmem>> -> memref<1x100x128xf32, #tpu.memory_space<vmem>>
        %get3A_959 = tpu.memref_squeeze %get3A_958 : memref<1x100x128xf32, #tpu.memory_space<vmem>> -> memref<100x128xf32, #tpu.memory_space<vmem>>
        %get3A_960 = arith.index_cast %add3A_955 : i32 to index
        %get3A_961 = arith.constant 32 : index
        %get3A_962 = tpu.vector_load %get3A_959[%get3A_960, %get3A_961] {strides = array<i32>} : memref<100x128xf32, #tpu.memory_space<vmem>>, vector<1x16xf32>,
        %get3A_963 = vector.shape_cast %get3A_962 : vector<1x16xf32> to vector<16xf32>
        %add3A_964 = arith.addf %add3A_802, %get3A_963 : vector<16xf32>
        %add3A_965 = arith.constant 50 : i32
        %add3A_966 = arith.addi %add3A_965, %add3A_859 : i32
        %get3A_967 = arith.constant 0 : i32
        %get3A_968 = arith.constant 0 : i32
        %get3A_969 = tpu.memref_slice %arg6[%scan3A_52, %get3A_967, %get3A_968] : memref<4x100x128xf32, #tpu.memory_space<vmem>> -> memref<1x100x128xf32, #tpu.memory_space<vmem>>
        %get3A_970 = tpu.memref_squeeze %get3A_969 : memref<1x100x128xf32, #tpu.memory_space<vmem>> -> memref<100x128xf32, #tpu.memory_space<vmem>>
        %get3A_971 = arith.index_cast %add3A_966 : i32 to index
        %get3A_972 = arith.constant 48 : index
        %get3A_973 = tpu.vector_load %get3A_970[%get3A_971, %get3A_972] {strides = array<i32>} : memref<100x128xf32, #tpu.memory_space<vmem>>, vector<1x16xf32>,
        %get3A_974 = vector.shape_cast %get3A_973 : vector<1x16xf32> to vector<16xf32>
        %add3A_975 = arith.addf %add3A_813, %get3A_974 : vector<16xf32>
        %add3A_976 = arith.constant 50 : i32
        %add3A_977 = arith.addi %add3A_976, %add3A_859 : i32
        %get3A_978 = arith.constant 0 : i32
        %get3A_979 = arith.constant 0 : i32
        %get3A_980 = tpu.memref_slice %arg6[%scan3A_52, %get3A_978, %get3A_979] : memref<4x100x128xf32, #tpu.memory_space<vmem>> -> memref<1x100x128xf32, #tpu.memory_space<vmem>>
        %get3A_981 = tpu.memref_squeeze %get3A_980 : memref<1x100x128xf32, #tpu.memory_space<vmem>> -> memref<100x128xf32, #tpu.memory_space<vmem>>
        %get3A_982 = arith.index_cast %add3A_977 : i32 to index
        %get3A_983 = arith.constant 64 : index
        %get3A_984 = tpu.vector_load %get3A_981[%get3A_982, %get3A_983] {strides = array<i32>} : memref<100x128xf32, #tpu.memory_space<vmem>>, vector<1x16xf32>,
        %get3A_985 = vector.shape_cast %get3A_984 : vector<1x16xf32> to vector<16xf32>
        %add3A_986 = arith.addf %add3A_824, %get3A_985 : vector<16xf32>
        %add3A_987 = arith.constant 50 : i32
        %add3A_988 = arith.addi %add3A_987, %add3A_859 : i32
        %get3A_989 = arith.constant 0 : i32
        %get3A_990 = arith.constant 0 : i32
        %get3A_991 = tpu.memref_slice %arg6[%scan3A_52, %get3A_989, %get3A_990] : memref<4x100x128xf32, #tpu.memory_space<vmem>> -> memref<1x100x128xf32, #tpu.memory_space<vmem>>
        %get3A_992 = tpu.memref_squeeze %get3A_991 : memref<1x100x128xf32, #tpu.memory_space<vmem>> -> memref<100x128xf32, #tpu.memory_space<vmem>>
        %get3A_993 = arith.index_cast %add3A_988 : i32 to index
        %get3A_994 = arith.constant 80 : index
        %get3A_995 = tpu.vector_load %get3A_992[%get3A_993, %get3A_994] {strides = array<i32>} : memref<100x128xf32, #tpu.memory_space<vmem>>, vector<1x16xf32>,
        %get3A_996 = vector.shape_cast %get3A_995 : vector<1x16xf32> to vector<16xf32>
        %add3A_997 = arith.addf %add3A_835, %get3A_996 : vector<16xf32>
        %add3A_998 = arith.constant 50 : i32
        %add3A_999 = arith.addi %add3A_998, %add3A_859 : i32
        %get3A_1000 = arith.constant 0 : i32
        %get3A_1001 = arith.constant 0 : i32
        %get3A_1002 = tpu.memref_slice %arg6[%scan3A_52, %get3A_1000, %get3A_1001] : memref<4x100x128xf32, #tpu.memory_space<vmem>> -> memref<1x100x128xf32, #tpu.memory_space<vmem>>
        %get3A_1003 = tpu.memref_squeeze %get3A_1002 : memref<1x100x128xf32, #tpu.memory_space<vmem>> -> memref<100x128xf32, #tpu.memory_space<vmem>>
        %get3A_1004 = arith.index_cast %add3A_999 : i32 to index
        %get3A_1005 = arith.constant 96 : index
        %get3A_1006 = tpu.vector_load %get3A_1003[%get3A_1004, %get3A_1005] {strides = array<i32>} : memref<100x128xf32, #tpu.memory_space<vmem>>, vector<1x16xf32>,
        %get3A_1007 = vector.shape_cast %get3A_1006 : vector<1x16xf32> to vector<16xf32>
        %add3A_1008 = arith.addf %add3A_846, %get3A_1007 : vector<16xf32>
        %add3A_1009 = arith.constant 50 : i32
        %add3A_1010 = arith.addi %add3A_1009, %add3A_859 : i32
        %get3A_1011 = arith.constant 0 : i32
        %get3A_1012 = arith.constant 0 : i32
        %get3A_1013 = tpu.memref_slice %arg6[%scan3A_52, %get3A_1011, %get3A_1012] : memref<4x100x128xf32, #tpu.memory_space<vmem>> -> memref<1x100x128xf32, #tpu.memory_space<vmem>>
        %get3A_1014 = tpu.memref_squeeze %get3A_1013 : memref<1x100x128xf32, #tpu.memory_space<vmem>> -> memref<100x128xf32, #tpu.memory_space<vmem>>
        %get3A_1015 = arith.index_cast %add3A_1010 : i32 to index
        %get3A_1016 = arith.constant 112 : index
        %get3A_1017 = tpu.vector_load %get3A_1014[%get3A_1015, %get3A_1016] {strides = array<i32>} : memref<100x128xf32, #tpu.memory_space<vmem>>, vector<1x16xf32>,
        %get3A_1018 = vector.shape_cast %get3A_1017 : vector<1x16xf32> to vector<16xf32>
        %add3A_1019 = arith.addf %add3A_857, %get3A_1018 : vector<16xf32>
        scf.yield %add3A_868, %add3A_877, %add3A_886, %add3A_895, %add3A_904, %add3A_913, %add3A_922, %add3A_931, %add3A_942, %add3A_953, %add3A_964, %add3A_975, %add3A_986, %add3A_997, %add3A_1008, %add3A_1019 : vector<16xf32>, vector<16xf32>, vector<16xf32>, vector<16xf32>, vector<16xf32>, vector<16xf32>, vector<16xf32>, vector<16xf32>, vector<16xf32>, vector<16xf32>, vector<16xf32>, vector<16xf32>, vector<16xf32>, vector<16xf32>, vector<16xf32>, vector<16xf32>
      }
      %scan3A_421 = arith.constant 25 : i32
      %swap3A_422 = arith.index_cast %mul3A_383 : i32 to index
      %swap3A_423 = arith.constant 0 : index
      %swap3A_424 = tpu.vector_load %arg7[%swap3A_422, %swap3A_423] {strides = array<i32>} : memref<128x128xf32, #tpu.memory_space<vmem>>, vector<1x16xf32>,
      %swap3A_425 = vector.shape_cast %swap3A_424 : vector<1x16xf32> to vector<16xf32>
      %swap3A_426 = vector.shape_cast %scan3A_420#0 : vector<16xf32> to vector<1x16xf32>
      tpu.vector_store %arg7[%swap3A_422, %swap3A_423], %swap3A_426 {strides = array<i32>} : memref<128x128xf32, #tpu.memory_space<vmem>>, vector<1x16xf32>,
      %add3A_427 = arith.constant 1 : i32
      %add3A_428 = arith.addi %mul3A_383, %add3A_427 : i32
      %swap3A_429 = arith.index_cast %add3A_428 : i32 to index
      %swap3A_430 = arith.constant 0 : index
      %swap3A_431 = tpu.vector_load %arg7[%swap3A_429, %swap3A_430] {strides = array<i32>} : memref<128x128xf32, #tpu.memory_space<vmem>>, vector<1x16xf32>,
      %swap3A_432 = vector.shape_cast %swap3A_431 : vector<1x16xf32> to vector<16xf32>
      %swap3A_433 = vector.shape_cast %scan3A_420#8 : vector<16xf32> to vector<1x16xf32>
      tpu.vector_store %arg7[%swap3A_429, %swap3A_430], %swap3A_433 {strides = array<i32>} : memref<128x128xf32, #tpu.memory_space<vmem>>, vector<1x16xf32>,
      %swap3A_434 = arith.index_cast %mul3A_383 : i32 to index
      %swap3A_435 = arith.constant 16 : index
      %swap3A_436 = tpu.vector_load %arg7[%swap3A_434, %swap3A_435] {strides = array<i32>} : memref<128x128xf32, #tpu.memory_space<vmem>>, vector<1x16xf32>,
      %swap3A_437 = vector.shape_cast %swap3A_436 : vector<1x16xf32> to vector<16xf32>
      %swap3A_438 = vector.shape_cast %scan3A_420#1 : vector<16xf32> to vector<1x16xf32>
      tpu.vector_store %arg7[%swap3A_434, %swap3A_435], %swap3A_438 {strides = array<i32>} : memref<128x128xf32, #tpu.memory_space<vmem>>, vector<1x16xf32>,
      %add3A_439 = arith.constant 1 : i32
      %add3A_440 = arith.addi %mul3A_383, %add3A_439 : i32
      %swap3A_441 = arith.index_cast %add3A_440 : i32 to index
      %swap3A_442 = arith.constant 16 : index
      %swap3A_443 = tpu.vector_load %arg7[%swap3A_441, %swap3A_442] {strides = array<i32>} : memref<128x128xf32, #tpu.memory_space<vmem>>, vector<1x16xf32>,
      %swap3A_444 = vector.shape_cast %swap3A_443 : vector<1x16xf32> to vector<16xf32>
      %swap3A_445 = vector.shape_cast %scan3A_420#9 : vector<16xf32> to vector<1x16xf32>
      tpu.vector_store %arg7[%swap3A_441, %swap3A_442], %swap3A_445 {strides = array<i32>} : memref<128x128xf32, #tpu.memory_space<vmem>>, vector<1x16xf32>,
      %swap3A_446 = arith.index_cast %mul3A_383 : i32 to index
      %swap3A_447 = arith.constant 32 : index
      %swap3A_448 = tpu.vector_load %arg7[%swap3A_446, %swap3A_447] {strides = array<i32>} : memref<128x128xf32, #tpu.memory_space<vmem>>, vector<1x16xf32>,
      %swap3A_449 = vector.shape_cast %swap3A_448 : vector<1x16xf32> to vector<16xf32>
      %swap3A_450 = vector.shape_cast %scan3A_420#2 : vector<16xf32> to vector<1x16xf32>
      tpu.vector_store %arg7[%swap3A_446, %swap3A_447], %swap3A_450 {strides = array<i32>} : memref<128x128xf32, #tpu.memory_space<vmem>>, vector<1x16xf32>,
      %add3A_451 = arith.constant 1 : i32
      %add3A_452 = arith.addi %mul3A_383, %add3A_451 : i32
      %swap3A_453 = arith.index_cast %add3A_452 : i32 to index
      %swap3A_454 = arith.constant 32 : index
      %swap3A_455 = tpu.vector_load %arg7[%swap3A_453, %swap3A_454] {strides = array<i32>} : memref<128x128xf32, #tpu.memory_space<vmem>>, vector<1x16xf32>,
      %swap3A_456 = vector.shape_cast %swap3A_455 : vector<1x16xf32> to vector<16xf32>
      %swap3A_457 = vector.shape_cast %scan3A_420#10 : vector<16xf32> to vector<1x16xf32>
      tpu.vector_store %arg7[%swap3A_453, %swap3A_454], %swap3A_457 {strides = array<i32>} : memref<128x128xf32, #tpu.memory_space<vmem>>, vector<1x16xf32>,
      %swap3A_458 = arith.index_cast %mul3A_383 : i32 to index
      %swap3A_459 = arith.constant 48 : index
      %swap3A_460 = tpu.vector_load %arg7[%swap3A_458, %swap3A_459] {strides = array<i32>} : memref<128x128xf32, #tpu.memory_space<vmem>>, vector<1x16xf32>,
      %swap3A_461 = vector.shape_cast %swap3A_460 : vector<1x16xf32> to vector<16xf32>
      %swap3A_462 = vector.shape_cast %scan3A_420#3 : vector<16xf32> to vector<1x16xf32>
      tpu.vector_store %arg7[%swap3A_458, %swap3A_459], %swap3A_462 {strides = array<i32>} : memref<128x128xf32, #tpu.memory_space<vmem>>, vector<1x16xf32>,
      %add3A_463 = arith.constant 1 : i32
      %add3A_464 = arith.addi %mul3A_383, %add3A_463 : i32
      %swap3A_465 = arith.index_cast %add3A_464 : i32 to index
      %swap3A_466 = arith.constant 48 : index
      %swap3A_467 = tpu.vector_load %arg7[%swap3A_465, %swap3A_466] {strides = array<i32>} : memref<128x128xf32, #tpu.memory_space<vmem>>, vector<1x16xf32>,
      %swap3A_468 = vector.shape_cast %swap3A_467 : vector<1x16xf32> to vector<16xf32>
      %swap3A_469 = vector.shape_cast %scan3A_420#11 : vector<16xf32> to vector<1x16xf32>
      tpu.vector_store %arg7[%swap3A_465, %swap3A_466], %swap3A_469 {strides = array<i32>} : memref<128x128xf32, #tpu.memory_space<vmem>>, vector<1x16xf32>,
      %swap3A_470 = arith.index_cast %mul3A_383 : i32 to index
      %swap3A_471 = arith.constant 64 : index
      %swap3A_472 = tpu.vector_load %arg7[%swap3A_470, %swap3A_471] {strides = array<i32>} : memref<128x128xf32, #tpu.memory_space<vmem>>, vector<1x16xf32>,
      %swap3A_473 = vector.shape_cast %swap3A_472 : vector<1x16xf32> to vector<16xf32>
      %swap3A_474 = vector.shape_cast %scan3A_420#4 : vector<16xf32> to vector<1x16xf32>
      tpu.vector_store %arg7[%swap3A_470, %swap3A_471], %swap3A_474 {strides = array<i32>} : memref<128x128xf32, #tpu.memory_space<vmem>>, vector<1x16xf32>,
      %add3A_475 = arith.constant 1 : i32
      %add3A_476 = arith.addi %mul3A_383, %add3A_475 : i32
      %swap3A_477 = arith.index_cast %add3A_476 : i32 to index
      %swap3A_478 = arith.constant 64 : index
      %swap3A_479 = tpu.vector_load %arg7[%swap3A_477, %swap3A_478] {strides = array<i32>} : memref<128x128xf32, #tpu.memory_space<vmem>>, vector<1x16xf32>,
      %swap3A_480 = vector.shape_cast %swap3A_479 : vector<1x16xf32> to vector<16xf32>
      %swap3A_481 = vector.shape_cast %scan3A_420#12 : vector<16xf32> to vector<1x16xf32>
      tpu.vector_store %arg7[%swap3A_477, %swap3A_478], %swap3A_481 {strides = array<i32>} : memref<128x128xf32, #tpu.memory_space<vmem>>, vector<1x16xf32>,
      %swap3A_482 = arith.index_cast %mul3A_383 : i32 to index
      %swap3A_483 = arith.constant 80 : index
      %swap3A_484 = tpu.vector_load %arg7[%swap3A_482, %swap3A_483] {strides = array<i32>} : memref<128x128xf32, #tpu.memory_space<vmem>>, vector<1x16xf32>,
      %swap3A_485 = vector.shape_cast %swap3A_484 : vector<1x16xf32> to vector<16xf32>
      %swap3A_486 = vector.shape_cast %scan3A_420#5 : vector<16xf32> to vector<1x16xf32>
      tpu.vector_store %arg7[%swap3A_482, %swap3A_483], %swap3A_486 {strides = array<i32>} : memref<128x128xf32, #tpu.memory_space<vmem>>, vector<1x16xf32>,
      %add3A_487 = arith.constant 1 : i32
      %add3A_488 = arith.addi %mul3A_383, %add3A_487 : i32
      %swap3A_489 = arith.index_cast %add3A_488 : i32 to index
      %swap3A_490 = arith.constant 80 : index
      %swap3A_491 = tpu.vector_load %arg7[%swap3A_489, %swap3A_490] {strides = array<i32>} : memref<128x128xf32, #tpu.memory_space<vmem>>, vector<1x16xf32>,
      %swap3A_492 = vector.shape_cast %swap3A_491 : vector<1x16xf32> to vector<16xf32>
      %swap3A_493 = vector.shape_cast %scan3A_420#13 : vector<16xf32> to vector<1x16xf32>
      tpu.vector_store %arg7[%swap3A_489, %swap3A_490], %swap3A_493 {strides = array<i32>} : memref<128x128xf32, #tpu.memory_space<vmem>>, vector<1x16xf32>,
      %swap3A_494 = arith.index_cast %mul3A_383 : i32 to index
      %swap3A_495 = arith.constant 96 : index
      %swap3A_496 = tpu.vector_load %arg7[%swap3A_494, %swap3A_495] {strides = array<i32>} : memref<128x128xf32, #tpu.memory_space<vmem>>, vector<1x16xf32>,
      %swap3A_497 = vector.shape_cast %swap3A_496 : vector<1x16xf32> to vector<16xf32>
      %swap3A_498 = vector.shape_cast %scan3A_420#6 : vector<16xf32> to vector<1x16xf32>
      tpu.vector_store %arg7[%swap3A_494, %swap3A_495], %swap3A_498 {strides = array<i32>} : memref<128x128xf32, #tpu.memory_space<vmem>>, vector<1x16xf32>,
      %add3A_499 = arith.constant 1 : i32
      %add3A_500 = arith.addi %mul3A_383, %add3A_499 : i32
      %swap3A_501 = arith.index_cast %add3A_500 : i32 to index
      %swap3A_502 = arith.constant 96 : index
      %swap3A_503 = tpu.vector_load %arg7[%swap3A_501, %swap3A_502] {strides = array<i32>} : memref<128x128xf32, #tpu.memory_space<vmem>>, vector<1x16xf32>,
      %swap3A_504 = vector.shape_cast %swap3A_503 : vector<1x16xf32> to vector<16xf32>
      %swap3A_505 = vector.shape_cast %scan3A_420#14 : vector<16xf32> to vector<1x16xf32>
      tpu.vector_store %arg7[%swap3A_501, %swap3A_502], %swap3A_505 {strides = array<i32>} : memref<128x128xf32, #tpu.memory_space<vmem>>, vector<1x16xf32>,
      %swap3A_506 = arith.index_cast %mul3A_383 : i32 to index
      %swap3A_507 = arith.constant 112 : index
      %swap3A_508 = tpu.vector_load %arg7[%swap3A_506, %swap3A_507] {strides = array<i32>} : memref<128x128xf32, #tpu.memory_space<vmem>>, vector<1x16xf32>,
      %swap3A_509 = vector.shape_cast %swap3A_508 : vector<1x16xf32> to vector<16xf32>
      %swap3A_510 = vector.shape_cast %scan3A_420#7 : vector<16xf32> to vector<1x16xf32>
      tpu.vector_store %arg7[%swap3A_506, %swap3A_507], %swap3A_510 {strides = array<i32>} : memref<128x128xf32, #tpu.memory_space<vmem>>, vector<1x16xf32>,
      %add3A_511 = arith.constant 1 : i32
      %add3A_512 = arith.addi %mul3A_383, %add3A_511 : i32
      %swap3A_513 = arith.index_cast %add3A_512 : i32 to index
      %swap3A_514 = arith.constant 112 : index
      %swap3A_515 = tpu.vector_load %arg7[%swap3A_513, %swap3A_514] {strides = array<i32>} : memref<128x128xf32, #tpu.memory_space<vmem>>, vector<1x16xf32>,
      %swap3A_516 = vector.shape_cast %swap3A_515 : vector<1x16xf32> to vector<16xf32>
      %swap3A_517 = vector.shape_cast %scan3A_420#15 : vector<16xf32> to vector<1x16xf32>
      tpu.vector_store %arg7[%swap3A_513, %swap3A_514], %swap3A_517 {strides = array<i32>} : memref<128x128xf32, #tpu.memory_space<vmem>>, vector<1x16xf32>,
      %lt3A_518 = arith.constant 15 : i32
      %lt3A_519 = arith.cmpi slt, %scan3A_61, %lt3A_518 : i32
      %convert_element_type3A_520 = arith.extui %lt3A_519 : i1 to i32
      %cond3A_521 = arith.constant 0 : i32
      %cond3A_522 = arith.cmpi ne, %convert_element_type3A_520, %cond3A_521 : i32
      scf.if %cond3A_522 {
        %add3A_678 = arith.constant 2 : i32
        %add3A_679 = arith.addi %mul3A_63, %add3A_678 : i32
        %add3A_680 = arith.constant 4 : i32
        %add3A_681 = arith.addi %add3A_679, %add3A_680 : i32
        %dma_start3A_682 = arith.constant 0 : i32
        %dma_start3A_683 = arith.constant 0 : i32
        %dma_start3A_684 = tpu.memref_slice %arg6[%scan3A_52, %dma_start3A_682, %dma_start3A_683] : memref<4x100x128xf32, #tpu.memory_space<vmem>> -> memref<1x100x128xf32, #tpu.memory_space<vmem>>
        %dma_start3A_685 = tpu.memref_squeeze %dma_start3A_684 : memref<1x100x128xf32, #tpu.memory_space<vmem>> -> memref<100x128xf32, #tpu.memory_space<vmem>>
        %dma_start3A_686 = arith.constant 0 : i32
        %dma_start3A_687 = tpu.memref_slice %arg5[%add3A_681, %dma_start3A_686] : memref<64x100xi32, #tpu.memory_space<vmem>> -> memref<1x100xi32, #tpu.memory_space<vmem>>
        %dma_start3A_688 = tpu.memref_squeeze %dma_start3A_687 : memref<1x100xi32, #tpu.memory_space<vmem>> -> memref<100xi32, #tpu.memory_space<vmem>>
        %dma_start3A_689 = arith.constant 0 : i32
        %dma_start3A_690 = arith.constant 0 : i32
        %dma_start3A_691 = tpu.memref_slice %arg3[%dma_start3A_689, %dma_start3A_690] : memref<100000x128xf32, #tpu.memory_space<hbm>> -> memref<100000x128xf32, #tpu.memory_space<hbm>>
        tpu.enqueue_indirect_dma source(%dma_start3A_691 : memref<100000x128xf32, #tpu.memory_space<hbm>>) target(%dma_start3A_685 : memref<100x128xf32, #tpu.memory_space<vmem>>) offsets(%dma_start3A_688 : memref<100xi32, #tpu.memory_space<vmem>>) semaphore(%arg10 : memref<!tpu.dma_semaphore, #tpu.memory_space<semaphore_mem>>)
      } else {
      }
      %add3A_523 = arith.constant 3 : i32
      %add3A_524 = arith.addi %mul3A_63, %add3A_523 : i32
      %dma_wait3A_525 = arith.constant 0 : i32
      %dma_wait3A_526 = arith.constant 0 : i32
      %dma_wait3A_527 = tpu.memref_slice %arg6[%scan3A_53, %dma_wait3A_525, %dma_wait3A_526] : memref<4x100x128xf32, #tpu.memory_space<vmem>> -> memref<1x100x128xf32, #tpu.memory_space<vmem>>
      %dma_wait3A_528 = tpu.memref_squeeze %dma_wait3A_527 : memref<1x100x128xf32, #tpu.memory_space<vmem>> -> memref<100x128xf32, #tpu.memory_space<vmem>>
      %dma_wait3A_529 = arith.constant 0 : i32
      %dma_wait3A_530 = tpu.memref_slice %arg5[%add3A_524, %dma_wait3A_529] : memref<64x100xi32, #tpu.memory_space<vmem>> -> memref<1x100xi32, #tpu.memory_space<vmem>>
      %dma_wait3A_531 = tpu.memref_squeeze %dma_wait3A_530 : memref<1x100xi32, #tpu.memory_space<vmem>> -> memref<100xi32, #tpu.memory_space<vmem>>
      %dma_wait3A_532 = arith.constant 0 : i32
      %dma_wait3A_533 = arith.constant 0 : i32
      %dma_wait3A_534 = tpu.memref_slice %arg3[%dma_wait3A_532, %dma_wait3A_533] : memref<100000x128xf32, #tpu.memory_space<hbm>> -> memref<100000x128xf32, #tpu.memory_space<hbm>>
      tpu.wait_indirect_dma semaphore(%arg11 : memref<!tpu.dma_semaphore, #tpu.memory_space<semaphore_mem>>) src(%dma_wait3A_534 : memref<100000x128xf32, #tpu.memory_space<hbm>>) dst(%dma_wait3A_528 : memref<100x128xf32, #tpu.memory_space<vmem>>)
      %add3A_535 = arith.constant 3 : i32
      %add3A_536 = arith.addi %mul3A_63, %add3A_535 : i32
      %mul3A_537 = arith.constant 2 : i32
      %mul3A_538 = arith.muli %mul3A_537, %add3A_536 : i32
      %broadcast_in_dim3A_539 = arith.constant 0.000000e+00 : f32
      %broadcast_in_dim3A_540 = vector.broadcast %broadcast_in_dim3A_539 : f32 to vector<16xf32>
      %broadcast_in_dim3A_541 = arith.constant 0.000000e+00 : f32
      %broadcast_in_dim3A_542 = vector.broadcast %broadcast_in_dim3A_541 : f32 to vector<16xf32>
      %broadcast_in_dim3A_543 = arith.constant 0.000000e+00 : f32
      %broadcast_in_dim3A_544 = vector.broadcast %broadcast_in_dim3A_543 : f32 to vector<16xf32>
      %broadcast_in_dim3A_545 = arith.constant 0.000000e+00 : f32
      %broadcast_in_dim3A_546 = vector.broadcast %broadcast_in_dim3A_545 : f32 to vector<16xf32>
      %broadcast_in_dim3A_547 = arith.constant 0.000000e+00 : f32
      %broadcast_in_dim3A_548 = vector.broadcast %broadcast_in_dim3A_547 : f32 to vector<16xf32>
      %broadcast_in_dim3A_549 = arith.constant 0.000000e+00 : f32
      %broadcast_in_dim3A_550 = vector.broadcast %broadcast_in_dim3A_549 : f32 to vector<16xf32>
      %broadcast_in_dim3A_551 = arith.constant 0.000000e+00 : f32
      %broadcast_in_dim3A_552 = vector.broadcast %broadcast_in_dim3A_551 : f32 to vector<16xf32>
      %broadcast_in_dim3A_553 = arith.constant 0.000000e+00 : f32
      %broadcast_in_dim3A_554 = vector.broadcast %broadcast_in_dim3A_553 : f32 to vector<16xf32>
      %broadcast_in_dim3A_555 = arith.constant 0.000000e+00 : f32
      %broadcast_in_dim3A_556 = vector.broadcast %broadcast_in_dim3A_555 : f32 to vector<16xf32>
      %broadcast_in_dim3A_557 = arith.constant 0.000000e+00 : f32
      %broadcast_in_dim3A_558 = vector.broadcast %broadcast_in_dim3A_557 : f32 to vector<16xf32>
      %broadcast_in_dim3A_559 = arith.constant 0.000000e+00 : f32
      %broadcast_in_dim3A_560 = vector.broadcast %broadcast_in_dim3A_559 : f32 to vector<16xf32>
      %broadcast_in_dim3A_561 = arith.constant 0.000000e+00 : f32
      %broadcast_in_dim3A_562 = vector.broadcast %broadcast_in_dim3A_561 : f32 to vector<16xf32>
      %broadcast_in_dim3A_563 = arith.constant 0.000000e+00 : f32
      %broadcast_in_dim3A_564 = vector.broadcast %broadcast_in_dim3A_563 : f32 to vector<16xf32>
      %broadcast_in_dim3A_565 = arith.constant 0.000000e+00 : f32
      %broadcast_in_dim3A_566 = vector.broadcast %broadcast_in_dim3A_565 : f32 to vector<16xf32>
      %broadcast_in_dim3A_567 = arith.constant 0.000000e+00 : f32
      %broadcast_in_dim3A_568 = vector.broadcast %broadcast_in_dim3A_567 : f32 to vector<16xf32>
      %broadcast_in_dim3A_569 = arith.constant 0.000000e+00 : f32
      %broadcast_in_dim3A_570 = vector.broadcast %broadcast_in_dim3A_569 : f32 to vector<16xf32>
      %scan3A_571 = arith.constant 0 : i32
      %scan3A_572 = arith.constant 25 : i32
      %scan3A_573 = arith.addi %scan3A_571, %scan3A_572 : i32
      %scan3A_574 = arith.constant 1 : i32
      %scan3A_575:16 = scf.for %scan3A_678 = %scan3A_571 to %scan3A_573 step %scan3A_574 iter_args(%scan3A_679 = %broadcast_in_dim3A_540, %scan3A_680 = %broadcast_in_dim3A_542, %scan3A_681 = %broadcast_in_dim3A_544, %scan3A_682 = %broadcast_in_dim3A_546, %scan3A_683 = %broadcast_in_dim3A_548, %scan3A_684 = %broadcast_in_dim3A_550, %scan3A_685 = %broadcast_in_dim3A_552, %scan3A_686 = %broadcast_in_dim3A_554, %scan3A_687 = %broadcast_in_dim3A_556, %scan3A_688 = %broadcast_in_dim3A_558, %scan3A_689 = %broadcast_in_dim3A_560, %scan3A_690 = %broadcast_in_dim3A_562, %scan3A_691 = %broadcast_in_dim3A_564, %scan3A_692 = %broadcast_in_dim3A_566, %scan3A_693 = %broadcast_in_dim3A_568, %scan3A_694 = %broadcast_in_dim3A_570) -> (vector<16xf32>, vector<16xf32>, vector<16xf32>, vector<16xf32>, vector<16xf32>, vector<16xf32>, vector<16xf32>, vector<16xf32>, vector<16xf32>, vector<16xf32>, vector<16xf32>, vector<16xf32>, vector<16xf32>, vector<16xf32>, vector<16xf32>, vector<16xf32>)  : i32 {
        %mul3A_695 = arith.constant 2 : i32
        %mul3A_696 = arith.muli %mul3A_695, %scan3A_678 : i32
        %add3A_697 = arith.constant 0 : i32
        %add3A_698 = arith.addi %mul3A_696, %add3A_697 : i32
        %get3A = arith.constant 0 : i32
        %get3A_699 = arith.constant 0 : i32
        %get3A_700 = tpu.memref_slice %arg6[%scan3A_53, %get3A, %get3A_699] : memref<4x100x128xf32, #tpu.memory_space<vmem>> -> memref<1x100x128xf32, #tpu.memory_space<vmem>>
        %get3A_701 = tpu.memref_squeeze %get3A_700 : memref<1x100x128xf32, #tpu.memory_space<vmem>> -> memref<100x128xf32, #tpu.memory_space<vmem>>
        %get3A_702 = arith.index_cast %add3A_698 : i32 to index
        %get3A_703 = arith.constant 0 : index
        %get3A_704 = tpu.vector_load %get3A_701[%get3A_702, %get3A_703] {strides = array<i32>} : memref<100x128xf32, #tpu.memory_space<vmem>>, vector<1x16xf32>,
        %get3A_705 = vector.shape_cast %get3A_704 : vector<1x16xf32> to vector<16xf32>
        %add3A_706 = arith.addf %scan3A_679, %get3A_705 : vector<16xf32>
        %get3A_707 = arith.constant 0 : i32
        %get3A_708 = arith.constant 0 : i32
        %get3A_709 = tpu.memref_slice %arg6[%scan3A_53, %get3A_707, %get3A_708] : memref<4x100x128xf32, #tpu.memory_space<vmem>> -> memref<1x100x128xf32, #tpu.memory_space<vmem>>
        %get3A_710 = tpu.memref_squeeze %get3A_709 : memref<1x100x128xf32, #tpu.memory_space<vmem>> -> memref<100x128xf32, #tpu.memory_space<vmem>>
        %get3A_711 = arith.index_cast %add3A_698 : i32 to index
        %get3A_712 = arith.constant 16 : index
        %get3A_713 = tpu.vector_load %get3A_710[%get3A_711, %get3A_712] {strides = array<i32>} : memref<100x128xf32, #tpu.memory_space<vmem>>, vector<1x16xf32>,
        %get3A_714 = vector.shape_cast %get3A_713 : vector<1x16xf32> to vector<16xf32>
        %add3A_715 = arith.addf %scan3A_680, %get3A_714 : vector<16xf32>
        %get3A_716 = arith.constant 0 : i32
        %get3A_717 = arith.constant 0 : i32
        %get3A_718 = tpu.memref_slice %arg6[%scan3A_53, %get3A_716, %get3A_717] : memref<4x100x128xf32, #tpu.memory_space<vmem>> -> memref<1x100x128xf32, #tpu.memory_space<vmem>>
        %get3A_719 = tpu.memref_squeeze %get3A_718 : memref<1x100x128xf32, #tpu.memory_space<vmem>> -> memref<100x128xf32, #tpu.memory_space<vmem>>
        %get3A_720 = arith.index_cast %add3A_698 : i32 to index
        %get3A_721 = arith.constant 32 : index
        %get3A_722 = tpu.vector_load %get3A_719[%get3A_720, %get3A_721] {strides = array<i32>} : memref<100x128xf32, #tpu.memory_space<vmem>>, vector<1x16xf32>,
        %get3A_723 = vector.shape_cast %get3A_722 : vector<1x16xf32> to vector<16xf32>
        %add3A_724 = arith.addf %scan3A_681, %get3A_723 : vector<16xf32>
        %get3A_725 = arith.constant 0 : i32
        %get3A_726 = arith.constant 0 : i32
        %get3A_727 = tpu.memref_slice %arg6[%scan3A_53, %get3A_725, %get3A_726] : memref<4x100x128xf32, #tpu.memory_space<vmem>> -> memref<1x100x128xf32, #tpu.memory_space<vmem>>
        %get3A_728 = tpu.memref_squeeze %get3A_727 : memref<1x100x128xf32, #tpu.memory_space<vmem>> -> memref<100x128xf32, #tpu.memory_space<vmem>>
        %get3A_729 = arith.index_cast %add3A_698 : i32 to index
        %get3A_730 = arith.constant 48 : index
        %get3A_731 = tpu.vector_load %get3A_728[%get3A_729, %get3A_730] {strides = array<i32>} : memref<100x128xf32, #tpu.memory_space<vmem>>, vector<1x16xf32>,
        %get3A_732 = vector.shape_cast %get3A_731 : vector<1x16xf32> to vector<16xf32>
        %add3A_733 = arith.addf %scan3A_682, %get3A_732 : vector<16xf32>
        %get3A_734 = arith.constant 0 : i32
        %get3A_735 = arith.constant 0 : i32
        %get3A_736 = tpu.memref_slice %arg6[%scan3A_53, %get3A_734, %get3A_735] : memref<4x100x128xf32, #tpu.memory_space<vmem>> -> memref<1x100x128xf32, #tpu.memory_space<vmem>>
        %get3A_737 = tpu.memref_squeeze %get3A_736 : memref<1x100x128xf32, #tpu.memory_space<vmem>> -> memref<100x128xf32, #tpu.memory_space<vmem>>
        %get3A_738 = arith.index_cast %add3A_698 : i32 to index
        %get3A_739 = arith.constant 64 : index
        %get3A_740 = tpu.vector_load %get3A_737[%get3A_738, %get3A_739] {strides = array<i32>} : memref<100x128xf32, #tpu.memory_space<vmem>>, vector<1x16xf32>,
        %get3A_741 = vector.shape_cast %get3A_740 : vector<1x16xf32> to vector<16xf32>
        %add3A_742 = arith.addf %scan3A_683, %get3A_741 : vector<16xf32>
        %get3A_743 = arith.constant 0 : i32
        %get3A_744 = arith.constant 0 : i32
        %get3A_745 = tpu.memref_slice %arg6[%scan3A_53, %get3A_743, %get3A_744] : memref<4x100x128xf32, #tpu.memory_space<vmem>> -> memref<1x100x128xf32, #tpu.memory_space<vmem>>
        %get3A_746 = tpu.memref_squeeze %get3A_745 : memref<1x100x128xf32, #tpu.memory_space<vmem>> -> memref<100x128xf32, #tpu.memory_space<vmem>>
        %get3A_747 = arith.index_cast %add3A_698 : i32 to index
        %get3A_748 = arith.constant 80 : index
        %get3A_749 = tpu.vector_load %get3A_746[%get3A_747, %get3A_748] {strides = array<i32>} : memref<100x128xf32, #tpu.memory_space<vmem>>, vector<1x16xf32>,
        %get3A_750 = vector.shape_cast %get3A_749 : vector<1x16xf32> to vector<16xf32>
        %add3A_751 = arith.addf %scan3A_684, %get3A_750 : vector<16xf32>
        %get3A_752 = arith.constant 0 : i32
        %get3A_753 = arith.constant 0 : i32
        %get3A_754 = tpu.memref_slice %arg6[%scan3A_53, %get3A_752, %get3A_753] : memref<4x100x128xf32, #tpu.memory_space<vmem>> -> memref<1x100x128xf32, #tpu.memory_space<vmem>>
        %get3A_755 = tpu.memref_squeeze %get3A_754 : memref<1x100x128xf32, #tpu.memory_space<vmem>> -> memref<100x128xf32, #tpu.memory_space<vmem>>
        %get3A_756 = arith.index_cast %add3A_698 : i32 to index
        %get3A_757 = arith.constant 96 : index
        %get3A_758 = tpu.vector_load %get3A_755[%get3A_756, %get3A_757] {strides = array<i32>} : memref<100x128xf32, #tpu.memory_space<vmem>>, vector<1x16xf32>,
        %get3A_759 = vector.shape_cast %get3A_758 : vector<1x16xf32> to vector<16xf32>
        %add3A_760 = arith.addf %scan3A_685, %get3A_759 : vector<16xf32>
        %get3A_761 = arith.constant 0 : i32
        %get3A_762 = arith.constant 0 : i32
        %get3A_763 = tpu.memref_slice %arg6[%scan3A_53, %get3A_761, %get3A_762] : memref<4x100x128xf32, #tpu.memory_space<vmem>> -> memref<1x100x128xf32, #tpu.memory_space<vmem>>
        %get3A_764 = tpu.memref_squeeze %get3A_763 : memref<1x100x128xf32, #tpu.memory_space<vmem>> -> memref<100x128xf32, #tpu.memory_space<vmem>>
        %get3A_765 = arith.index_cast %add3A_698 : i32 to index
        %get3A_766 = arith.constant 112 : index
        %get3A_767 = tpu.vector_load %get3A_764[%get3A_765, %get3A_766] {strides = array<i32>} : memref<100x128xf32, #tpu.memory_space<vmem>>, vector<1x16xf32>,
        %get3A_768 = vector.shape_cast %get3A_767 : vector<1x16xf32> to vector<16xf32>
        %add3A_769 = arith.addf %scan3A_686, %get3A_768 : vector<16xf32>
        %add3A_770 = arith.constant 50 : i32
        %add3A_771 = arith.addi %add3A_770, %add3A_698 : i32
        %get3A_772 = arith.constant 0 : i32
        %get3A_773 = arith.constant 0 : i32
        %get3A_774 = tpu.memref_slice %arg6[%scan3A_53, %get3A_772, %get3A_773] : memref<4x100x128xf32, #tpu.memory_space<vmem>> -> memref<1x100x128xf32, #tpu.memory_space<vmem>>
        %get3A_775 = tpu.memref_squeeze %get3A_774 : memref<1x100x128xf32, #tpu.memory_space<vmem>> -> memref<100x128xf32, #tpu.memory_space<vmem>>
        %get3A_776 = arith.index_cast %add3A_771 : i32 to index
        %get3A_777 = arith.constant 0 : index
        %get3A_778 = tpu.vector_load %get3A_775[%get3A_776, %get3A_777] {strides = array<i32>} : memref<100x128xf32, #tpu.memory_space<vmem>>, vector<1x16xf32>,
        %get3A_779 = vector.shape_cast %get3A_778 : vector<1x16xf32> to vector<16xf32>
        %add3A_780 = arith.addf %scan3A_687, %get3A_779 : vector<16xf32>
        %add3A_781 = arith.constant 50 : i32
        %add3A_782 = arith.addi %add3A_781, %add3A_698 : i32
        %get3A_783 = arith.constant 0 : i32
        %get3A_784 = arith.constant 0 : i32
        %get3A_785 = tpu.memref_slice %arg6[%scan3A_53, %get3A_783, %get3A_784] : memref<4x100x128xf32, #tpu.memory_space<vmem>> -> memref<1x100x128xf32, #tpu.memory_space<vmem>>
        %get3A_786 = tpu.memref_squeeze %get3A_785 : memref<1x100x128xf32, #tpu.memory_space<vmem>> -> memref<100x128xf32, #tpu.memory_space<vmem>>
        %get3A_787 = arith.index_cast %add3A_782 : i32 to index
        %get3A_788 = arith.constant 16 : index
        %get3A_789 = tpu.vector_load %get3A_786[%get3A_787, %get3A_788] {strides = array<i32>} : memref<100x128xf32, #tpu.memory_space<vmem>>, vector<1x16xf32>,
        %get3A_790 = vector.shape_cast %get3A_789 : vector<1x16xf32> to vector<16xf32>
        %add3A_791 = arith.addf %scan3A_688, %get3A_790 : vector<16xf32>
        %add3A_792 = arith.constant 50 : i32
        %add3A_793 = arith.addi %add3A_792, %add3A_698 : i32
        %get3A_794 = arith.constant 0 : i32
        %get3A_795 = arith.constant 0 : i32
        %get3A_796 = tpu.memref_slice %arg6[%scan3A_53, %get3A_794, %get3A_795] : memref<4x100x128xf32, #tpu.memory_space<vmem>> -> memref<1x100x128xf32, #tpu.memory_space<vmem>>
        %get3A_797 = tpu.memref_squeeze %get3A_796 : memref<1x100x128xf32, #tpu.memory_space<vmem>> -> memref<100x128xf32, #tpu.memory_space<vmem>>
        %get3A_798 = arith.index_cast %add3A_793 : i32 to index
        %get3A_799 = arith.constant 32 : index
        %get3A_800 = tpu.vector_load %get3A_797[%get3A_798, %get3A_799] {strides = array<i32>} : memref<100x128xf32, #tpu.memory_space<vmem>>, vector<1x16xf32>,
        %get3A_801 = vector.shape_cast %get3A_800 : vector<1x16xf32> to vector<16xf32>
        %add3A_802 = arith.addf %scan3A_689, %get3A_801 : vector<16xf32>
        %add3A_803 = arith.constant 50 : i32
        %add3A_804 = arith.addi %add3A_803, %add3A_698 : i32
        %get3A_805 = arith.constant 0 : i32
        %get3A_806 = arith.constant 0 : i32
        %get3A_807 = tpu.memref_slice %arg6[%scan3A_53, %get3A_805, %get3A_806] : memref<4x100x128xf32, #tpu.memory_space<vmem>> -> memref<1x100x128xf32, #tpu.memory_space<vmem>>
        %get3A_808 = tpu.memref_squeeze %get3A_807 : memref<1x100x128xf32, #tpu.memory_space<vmem>> -> memref<100x128xf32, #tpu.memory_space<vmem>>
        %get3A_809 = arith.index_cast %add3A_804 : i32 to index
        %get3A_810 = arith.constant 48 : index
        %get3A_811 = tpu.vector_load %get3A_808[%get3A_809, %get3A_810] {strides = array<i32>} : memref<100x128xf32, #tpu.memory_space<vmem>>, vector<1x16xf32>,
        %get3A_812 = vector.shape_cast %get3A_811 : vector<1x16xf32> to vector<16xf32>
        %add3A_813 = arith.addf %scan3A_690, %get3A_812 : vector<16xf32>
        %add3A_814 = arith.constant 50 : i32
        %add3A_815 = arith.addi %add3A_814, %add3A_698 : i32
        %get3A_816 = arith.constant 0 : i32
        %get3A_817 = arith.constant 0 : i32
        %get3A_818 = tpu.memref_slice %arg6[%scan3A_53, %get3A_816, %get3A_817] : memref<4x100x128xf32, #tpu.memory_space<vmem>> -> memref<1x100x128xf32, #tpu.memory_space<vmem>>
        %get3A_819 = tpu.memref_squeeze %get3A_818 : memref<1x100x128xf32, #tpu.memory_space<vmem>> -> memref<100x128xf32, #tpu.memory_space<vmem>>
        %get3A_820 = arith.index_cast %add3A_815 : i32 to index
        %get3A_821 = arith.constant 64 : index
        %get3A_822 = tpu.vector_load %get3A_819[%get3A_820, %get3A_821] {strides = array<i32>} : memref<100x128xf32, #tpu.memory_space<vmem>>, vector<1x16xf32>,
        %get3A_823 = vector.shape_cast %get3A_822 : vector<1x16xf32> to vector<16xf32>
        %add3A_824 = arith.addf %scan3A_691, %get3A_823 : vector<16xf32>
        %add3A_825 = arith.constant 50 : i32
        %add3A_826 = arith.addi %add3A_825, %add3A_698 : i32
        %get3A_827 = arith.constant 0 : i32
        %get3A_828 = arith.constant 0 : i32
        %get3A_829 = tpu.memref_slice %arg6[%scan3A_53, %get3A_827, %get3A_828] : memref<4x100x128xf32, #tpu.memory_space<vmem>> -> memref<1x100x128xf32, #tpu.memory_space<vmem>>
        %get3A_830 = tpu.memref_squeeze %get3A_829 : memref<1x100x128xf32, #tpu.memory_space<vmem>> -> memref<100x128xf32, #tpu.memory_space<vmem>>
        %get3A_831 = arith.index_cast %add3A_826 : i32 to index
        %get3A_832 = arith.constant 80 : index
        %get3A_833 = tpu.vector_load %get3A_830[%get3A_831, %get3A_832] {strides = array<i32>} : memref<100x128xf32, #tpu.memory_space<vmem>>, vector<1x16xf32>,
        %get3A_834 = vector.shape_cast %get3A_833 : vector<1x16xf32> to vector<16xf32>
        %add3A_835 = arith.addf %scan3A_692, %get3A_834 : vector<16xf32>
        %add3A_836 = arith.constant 50 : i32
        %add3A_837 = arith.addi %add3A_836, %add3A_698 : i32
        %get3A_838 = arith.constant 0 : i32
        %get3A_839 = arith.constant 0 : i32
        %get3A_840 = tpu.memref_slice %arg6[%scan3A_53, %get3A_838, %get3A_839] : memref<4x100x128xf32, #tpu.memory_space<vmem>> -> memref<1x100x128xf32, #tpu.memory_space<vmem>>
        %get3A_841 = tpu.memref_squeeze %get3A_840 : memref<1x100x128xf32, #tpu.memory_space<vmem>> -> memref<100x128xf32, #tpu.memory_space<vmem>>
        %get3A_842 = arith.index_cast %add3A_837 : i32 to index
        %get3A_843 = arith.constant 96 : index
        %get3A_844 = tpu.vector_load %get3A_841[%get3A_842, %get3A_843] {strides = array<i32>} : memref<100x128xf32, #tpu.memory_space<vmem>>, vector<1x16xf32>,
        %get3A_845 = vector.shape_cast %get3A_844 : vector<1x16xf32> to vector<16xf32>
        %add3A_846 = arith.addf %scan3A_693, %get3A_845 : vector<16xf32>
        %add3A_847 = arith.constant 50 : i32
        %add3A_848 = arith.addi %add3A_847, %add3A_698 : i32
        %get3A_849 = arith.constant 0 : i32
        %get3A_850 = arith.constant 0 : i32
        %get3A_851 = tpu.memref_slice %arg6[%scan3A_53, %get3A_849, %get3A_850] : memref<4x100x128xf32, #tpu.memory_space<vmem>> -> memref<1x100x128xf32, #tpu.memory_space<vmem>>
        %get3A_852 = tpu.memref_squeeze %get3A_851 : memref<1x100x128xf32, #tpu.memory_space<vmem>> -> memref<100x128xf32, #tpu.memory_space<vmem>>
        %get3A_853 = arith.index_cast %add3A_848 : i32 to index
        %get3A_854 = arith.constant 112 : index
        %get3A_855 = tpu.vector_load %get3A_852[%get3A_853, %get3A_854] {strides = array<i32>} : memref<100x128xf32, #tpu.memory_space<vmem>>, vector<1x16xf32>,
        %get3A_856 = vector.shape_cast %get3A_855 : vector<1x16xf32> to vector<16xf32>
        %add3A_857 = arith.addf %scan3A_694, %get3A_856 : vector<16xf32>
        %add3A_858 = arith.constant 1 : i32
        %add3A_859 = arith.addi %mul3A_696, %add3A_858 : i32
        %get3A_860 = arith.constant 0 : i32
        %get3A_861 = arith.constant 0 : i32
        %get3A_862 = tpu.memref_slice %arg6[%scan3A_53, %get3A_860, %get3A_861] : memref<4x100x128xf32, #tpu.memory_space<vmem>> -> memref<1x100x128xf32, #tpu.memory_space<vmem>>
        %get3A_863 = tpu.memref_squeeze %get3A_862 : memref<1x100x128xf32, #tpu.memory_space<vmem>> -> memref<100x128xf32, #tpu.memory_space<vmem>>
        %get3A_864 = arith.index_cast %add3A_859 : i32 to index
        %get3A_865 = arith.constant 0 : index
        %get3A_866 = tpu.vector_load %get3A_863[%get3A_864, %get3A_865] {strides = array<i32>} : memref<100x128xf32, #tpu.memory_space<vmem>>, vector<1x16xf32>,
        %get3A_867 = vector.shape_cast %get3A_866 : vector<1x16xf32> to vector<16xf32>
        %add3A_868 = arith.addf %add3A_706, %get3A_867 : vector<16xf32>
        %get3A_869 = arith.constant 0 : i32
        %get3A_870 = arith.constant 0 : i32
        %get3A_871 = tpu.memref_slice %arg6[%scan3A_53, %get3A_869, %get3A_870] : memref<4x100x128xf32, #tpu.memory_space<vmem>> -> memref<1x100x128xf32, #tpu.memory_space<vmem>>
        %get3A_872 = tpu.memref_squeeze %get3A_871 : memref<1x100x128xf32, #tpu.memory_space<vmem>> -> memref<100x128xf32, #tpu.memory_space<vmem>>
        %get3A_873 = arith.index_cast %add3A_859 : i32 to index
        %get3A_874 = arith.constant 16 : index
        %get3A_875 = tpu.vector_load %get3A_872[%get3A_873, %get3A_874] {strides = array<i32>} : memref<100x128xf32, #tpu.memory_space<vmem>>, vector<1x16xf32>,
        %get3A_876 = vector.shape_cast %get3A_875 : vector<1x16xf32> to vector<16xf32>
        %add3A_877 = arith.addf %add3A_715, %get3A_876 : vector<16xf32>
        %get3A_878 = arith.constant 0 : i32
        %get3A_879 = arith.constant 0 : i32
        %get3A_880 = tpu.memref_slice %arg6[%scan3A_53, %get3A_878, %get3A_879] : memref<4x100x128xf32, #tpu.memory_space<vmem>> -> memref<1x100x128xf32, #tpu.memory_space<vmem>>
        %get3A_881 = tpu.memref_squeeze %get3A_880 : memref<1x100x128xf32, #tpu.memory_space<vmem>> -> memref<100x128xf32, #tpu.memory_space<vmem>>
        %get3A_882 = arith.index_cast %add3A_859 : i32 to index
        %get3A_883 = arith.constant 32 : index
        %get3A_884 = tpu.vector_load %get3A_881[%get3A_882, %get3A_883] {strides = array<i32>} : memref<100x128xf32, #tpu.memory_space<vmem>>, vector<1x16xf32>,
        %get3A_885 = vector.shape_cast %get3A_884 : vector<1x16xf32> to vector<16xf32>
        %add3A_886 = arith.addf %add3A_724, %get3A_885 : vector<16xf32>
        %get3A_887 = arith.constant 0 : i32
        %get3A_888 = arith.constant 0 : i32
        %get3A_889 = tpu.memref_slice %arg6[%scan3A_53, %get3A_887, %get3A_888] : memref<4x100x128xf32, #tpu.memory_space<vmem>> -> memref<1x100x128xf32, #tpu.memory_space<vmem>>
        %get3A_890 = tpu.memref_squeeze %get3A_889 : memref<1x100x128xf32, #tpu.memory_space<vmem>> -> memref<100x128xf32, #tpu.memory_space<vmem>>
        %get3A_891 = arith.index_cast %add3A_859 : i32 to index
        %get3A_892 = arith.constant 48 : index
        %get3A_893 = tpu.vector_load %get3A_890[%get3A_891, %get3A_892] {strides = array<i32>} : memref<100x128xf32, #tpu.memory_space<vmem>>, vector<1x16xf32>,
        %get3A_894 = vector.shape_cast %get3A_893 : vector<1x16xf32> to vector<16xf32>
        %add3A_895 = arith.addf %add3A_733, %get3A_894 : vector<16xf32>
        %get3A_896 = arith.constant 0 : i32
        %get3A_897 = arith.constant 0 : i32
        %get3A_898 = tpu.memref_slice %arg6[%scan3A_53, %get3A_896, %get3A_897] : memref<4x100x128xf32, #tpu.memory_space<vmem>> -> memref<1x100x128xf32, #tpu.memory_space<vmem>>
        %get3A_899 = tpu.memref_squeeze %get3A_898 : memref<1x100x128xf32, #tpu.memory_space<vmem>> -> memref<100x128xf32, #tpu.memory_space<vmem>>
        %get3A_900 = arith.index_cast %add3A_859 : i32 to index
        %get3A_901 = arith.constant 64 : index
        %get3A_902 = tpu.vector_load %get3A_899[%get3A_900, %get3A_901] {strides = array<i32>} : memref<100x128xf32, #tpu.memory_space<vmem>>, vector<1x16xf32>,
        %get3A_903 = vector.shape_cast %get3A_902 : vector<1x16xf32> to vector<16xf32>
        %add3A_904 = arith.addf %add3A_742, %get3A_903 : vector<16xf32>
        %get3A_905 = arith.constant 0 : i32
        %get3A_906 = arith.constant 0 : i32
        %get3A_907 = tpu.memref_slice %arg6[%scan3A_53, %get3A_905, %get3A_906] : memref<4x100x128xf32, #tpu.memory_space<vmem>> -> memref<1x100x128xf32, #tpu.memory_space<vmem>>
        %get3A_908 = tpu.memref_squeeze %get3A_907 : memref<1x100x128xf32, #tpu.memory_space<vmem>> -> memref<100x128xf32, #tpu.memory_space<vmem>>
        %get3A_909 = arith.index_cast %add3A_859 : i32 to index
        %get3A_910 = arith.constant 80 : index
        %get3A_911 = tpu.vector_load %get3A_908[%get3A_909, %get3A_910] {strides = array<i32>} : memref<100x128xf32, #tpu.memory_space<vmem>>, vector<1x16xf32>,
        %get3A_912 = vector.shape_cast %get3A_911 : vector<1x16xf32> to vector<16xf32>
        %add3A_913 = arith.addf %add3A_751, %get3A_912 : vector<16xf32>
        %get3A_914 = arith.constant 0 : i32
        %get3A_915 = arith.constant 0 : i32
        %get3A_916 = tpu.memref_slice %arg6[%scan3A_53, %get3A_914, %get3A_915] : memref<4x100x128xf32, #tpu.memory_space<vmem>> -> memref<1x100x128xf32, #tpu.memory_space<vmem>>
        %get3A_917 = tpu.memref_squeeze %get3A_916 : memref<1x100x128xf32, #tpu.memory_space<vmem>> -> memref<100x128xf32, #tpu.memory_space<vmem>>
        %get3A_918 = arith.index_cast %add3A_859 : i32 to index
        %get3A_919 = arith.constant 96 : index
        %get3A_920 = tpu.vector_load %get3A_917[%get3A_918, %get3A_919] {strides = array<i32>} : memref<100x128xf32, #tpu.memory_space<vmem>>, vector<1x16xf32>,
        %get3A_921 = vector.shape_cast %get3A_920 : vector<1x16xf32> to vector<16xf32>
        %add3A_922 = arith.addf %add3A_760, %get3A_921 : vector<16xf32>
        %get3A_923 = arith.constant 0 : i32
        %get3A_924 = arith.constant 0 : i32
        %get3A_925 = tpu.memref_slice %arg6[%scan3A_53, %get3A_923, %get3A_924] : memref<4x100x128xf32, #tpu.memory_space<vmem>> -> memref<1x100x128xf32, #tpu.memory_space<vmem>>
        %get3A_926 = tpu.memref_squeeze %get3A_925 : memref<1x100x128xf32, #tpu.memory_space<vmem>> -> memref<100x128xf32, #tpu.memory_space<vmem>>
        %get3A_927 = arith.index_cast %add3A_859 : i32 to index
        %get3A_928 = arith.constant 112 : index
        %get3A_929 = tpu.vector_load %get3A_926[%get3A_927, %get3A_928] {strides = array<i32>} : memref<100x128xf32, #tpu.memory_space<vmem>>, vector<1x16xf32>,
        %get3A_930 = vector.shape_cast %get3A_929 : vector<1x16xf32> to vector<16xf32>
        %add3A_931 = arith.addf %add3A_769, %get3A_930 : vector<16xf32>
        %add3A_932 = arith.constant 50 : i32
        %add3A_933 = arith.addi %add3A_932, %add3A_859 : i32
        %get3A_934 = arith.constant 0 : i32
        %get3A_935 = arith.constant 0 : i32
        %get3A_936 = tpu.memref_slice %arg6[%scan3A_53, %get3A_934, %get3A_935] : memref<4x100x128xf32, #tpu.memory_space<vmem>> -> memref<1x100x128xf32, #tpu.memory_space<vmem>>
        %get3A_937 = tpu.memref_squeeze %get3A_936 : memref<1x100x128xf32, #tpu.memory_space<vmem>> -> memref<100x128xf32, #tpu.memory_space<vmem>>
        %get3A_938 = arith.index_cast %add3A_933 : i32 to index
        %get3A_939 = arith.constant 0 : index
        %get3A_940 = tpu.vector_load %get3A_937[%get3A_938, %get3A_939] {strides = array<i32>} : memref<100x128xf32, #tpu.memory_space<vmem>>, vector<1x16xf32>,
        %get3A_941 = vector.shape_cast %get3A_940 : vector<1x16xf32> to vector<16xf32>
        %add3A_942 = arith.addf %add3A_780, %get3A_941 : vector<16xf32>
        %add3A_943 = arith.constant 50 : i32
        %add3A_944 = arith.addi %add3A_943, %add3A_859 : i32
        %get3A_945 = arith.constant 0 : i32
        %get3A_946 = arith.constant 0 : i32
        %get3A_947 = tpu.memref_slice %arg6[%scan3A_53, %get3A_945, %get3A_946] : memref<4x100x128xf32, #tpu.memory_space<vmem>> -> memref<1x100x128xf32, #tpu.memory_space<vmem>>
        %get3A_948 = tpu.memref_squeeze %get3A_947 : memref<1x100x128xf32, #tpu.memory_space<vmem>> -> memref<100x128xf32, #tpu.memory_space<vmem>>
        %get3A_949 = arith.index_cast %add3A_944 : i32 to index
        %get3A_950 = arith.constant 16 : index
        %get3A_951 = tpu.vector_load %get3A_948[%get3A_949, %get3A_950] {strides = array<i32>} : memref<100x128xf32, #tpu.memory_space<vmem>>, vector<1x16xf32>,
        %get3A_952 = vector.shape_cast %get3A_951 : vector<1x16xf32> to vector<16xf32>
        %add3A_953 = arith.addf %add3A_791, %get3A_952 : vector<16xf32>
        %add3A_954 = arith.constant 50 : i32
        %add3A_955 = arith.addi %add3A_954, %add3A_859 : i32
        %get3A_956 = arith.constant 0 : i32
        %get3A_957 = arith.constant 0 : i32
        %get3A_958 = tpu.memref_slice %arg6[%scan3A_53, %get3A_956, %get3A_957] : memref<4x100x128xf32, #tpu.memory_space<vmem>> -> memref<1x100x128xf32, #tpu.memory_space<vmem>>
        %get3A_959 = tpu.memref_squeeze %get3A_958 : memref<1x100x128xf32, #tpu.memory_space<vmem>> -> memref<100x128xf32, #tpu.memory_space<vmem>>
        %get3A_960 = arith.index_cast %add3A_955 : i32 to index
        %get3A_961 = arith.constant 32 : index
        %get3A_962 = tpu.vector_load %get3A_959[%get3A_960, %get3A_961] {strides = array<i32>} : memref<100x128xf32, #tpu.memory_space<vmem>>, vector<1x16xf32>,
        %get3A_963 = vector.shape_cast %get3A_962 : vector<1x16xf32> to vector<16xf32>
        %add3A_964 = arith.addf %add3A_802, %get3A_963 : vector<16xf32>
        %add3A_965 = arith.constant 50 : i32
        %add3A_966 = arith.addi %add3A_965, %add3A_859 : i32
        %get3A_967 = arith.constant 0 : i32
        %get3A_968 = arith.constant 0 : i32
        %get3A_969 = tpu.memref_slice %arg6[%scan3A_53, %get3A_967, %get3A_968] : memref<4x100x128xf32, #tpu.memory_space<vmem>> -> memref<1x100x128xf32, #tpu.memory_space<vmem>>
        %get3A_970 = tpu.memref_squeeze %get3A_969 : memref<1x100x128xf32, #tpu.memory_space<vmem>> -> memref<100x128xf32, #tpu.memory_space<vmem>>
        %get3A_971 = arith.index_cast %add3A_966 : i32 to index
        %get3A_972 = arith.constant 48 : index
        %get3A_973 = tpu.vector_load %get3A_970[%get3A_971, %get3A_972] {strides = array<i32>} : memref<100x128xf32, #tpu.memory_space<vmem>>, vector<1x16xf32>,
        %get3A_974 = vector.shape_cast %get3A_973 : vector<1x16xf32> to vector<16xf32>
        %add3A_975 = arith.addf %add3A_813, %get3A_974 : vector<16xf32>
        %add3A_976 = arith.constant 50 : i32
        %add3A_977 = arith.addi %add3A_976, %add3A_859 : i32
        %get3A_978 = arith.constant 0 : i32
        %get3A_979 = arith.constant 0 : i32
        %get3A_980 = tpu.memref_slice %arg6[%scan3A_53, %get3A_978, %get3A_979] : memref<4x100x128xf32, #tpu.memory_space<vmem>> -> memref<1x100x128xf32, #tpu.memory_space<vmem>>
        %get3A_981 = tpu.memref_squeeze %get3A_980 : memref<1x100x128xf32, #tpu.memory_space<vmem>> -> memref<100x128xf32, #tpu.memory_space<vmem>>
        %get3A_982 = arith.index_cast %add3A_977 : i32 to index
        %get3A_983 = arith.constant 64 : index
        %get3A_984 = tpu.vector_load %get3A_981[%get3A_982, %get3A_983] {strides = array<i32>} : memref<100x128xf32, #tpu.memory_space<vmem>>, vector<1x16xf32>,
        %get3A_985 = vector.shape_cast %get3A_984 : vector<1x16xf32> to vector<16xf32>
        %add3A_986 = arith.addf %add3A_824, %get3A_985 : vector<16xf32>
        %add3A_987 = arith.constant 50 : i32
        %add3A_988 = arith.addi %add3A_987, %add3A_859 : i32
        %get3A_989 = arith.constant 0 : i32
        %get3A_990 = arith.constant 0 : i32
        %get3A_991 = tpu.memref_slice %arg6[%scan3A_53, %get3A_989, %get3A_990] : memref<4x100x128xf32, #tpu.memory_space<vmem>> -> memref<1x100x128xf32, #tpu.memory_space<vmem>>
        %get3A_992 = tpu.memref_squeeze %get3A_991 : memref<1x100x128xf32, #tpu.memory_space<vmem>> -> memref<100x128xf32, #tpu.memory_space<vmem>>
        %get3A_993 = arith.index_cast %add3A_988 : i32 to index
        %get3A_994 = arith.constant 80 : index
        %get3A_995 = tpu.vector_load %get3A_992[%get3A_993, %get3A_994] {strides = array<i32>} : memref<100x128xf32, #tpu.memory_space<vmem>>, vector<1x16xf32>,
        %get3A_996 = vector.shape_cast %get3A_995 : vector<1x16xf32> to vector<16xf32>
        %add3A_997 = arith.addf %add3A_835, %get3A_996 : vector<16xf32>
        %add3A_998 = arith.constant 50 : i32
        %add3A_999 = arith.addi %add3A_998, %add3A_859 : i32
        %get3A_1000 = arith.constant 0 : i32
        %get3A_1001 = arith.constant 0 : i32
        %get3A_1002 = tpu.memref_slice %arg6[%scan3A_53, %get3A_1000, %get3A_1001] : memref<4x100x128xf32, #tpu.memory_space<vmem>> -> memref<1x100x128xf32, #tpu.memory_space<vmem>>
        %get3A_1003 = tpu.memref_squeeze %get3A_1002 : memref<1x100x128xf32, #tpu.memory_space<vmem>> -> memref<100x128xf32, #tpu.memory_space<vmem>>
        %get3A_1004 = arith.index_cast %add3A_999 : i32 to index
        %get3A_1005 = arith.constant 96 : index
        %get3A_1006 = tpu.vector_load %get3A_1003[%get3A_1004, %get3A_1005] {strides = array<i32>} : memref<100x128xf32, #tpu.memory_space<vmem>>, vector<1x16xf32>,
        %get3A_1007 = vector.shape_cast %get3A_1006 : vector<1x16xf32> to vector<16xf32>
        %add3A_1008 = arith.addf %add3A_846, %get3A_1007 : vector<16xf32>
        %add3A_1009 = arith.constant 50 : i32
        %add3A_1010 = arith.addi %add3A_1009, %add3A_859 : i32
        %get3A_1011 = arith.constant 0 : i32
        %get3A_1012 = arith.constant 0 : i32
        %get3A_1013 = tpu.memref_slice %arg6[%scan3A_53, %get3A_1011, %get3A_1012] : memref<4x100x128xf32, #tpu.memory_space<vmem>> -> memref<1x100x128xf32, #tpu.memory_space<vmem>>
        %get3A_1014 = tpu.memref_squeeze %get3A_1013 : memref<1x100x128xf32, #tpu.memory_space<vmem>> -> memref<100x128xf32, #tpu.memory_space<vmem>>
        %get3A_1015 = arith.index_cast %add3A_1010 : i32 to index
        %get3A_1016 = arith.constant 112 : index
        %get3A_1017 = tpu.vector_load %get3A_1014[%get3A_1015, %get3A_1016] {strides = array<i32>} : memref<100x128xf32, #tpu.memory_space<vmem>>, vector<1x16xf32>,
        %get3A_1018 = vector.shape_cast %get3A_1017 : vector<1x16xf32> to vector<16xf32>
        %add3A_1019 = arith.addf %add3A_857, %get3A_1018 : vector<16xf32>
        scf.yield %add3A_868, %add3A_877, %add3A_886, %add3A_895, %add3A_904, %add3A_913, %add3A_922, %add3A_931, %add3A_942, %add3A_953, %add3A_964, %add3A_975, %add3A_986, %add3A_997, %add3A_1008, %add3A_1019 : vector<16xf32>, vector<16xf32>, vector<16xf32>, vector<16xf32>, vector<16xf32>, vector<16xf32>, vector<16xf32>, vector<16xf32>, vector<16xf32>, vector<16xf32>, vector<16xf32>, vector<16xf32>, vector<16xf32>, vector<16xf32>, vector<16xf32>, vector<16xf32>
      }
      %scan3A_576 = arith.constant 25 : i32
      %swap3A_577 = arith.index_cast %mul3A_538 : i32 to index
      %swap3A_578 = arith.constant 0 : index
      %swap3A_579 = tpu.vector_load %arg7[%swap3A_577, %swap3A_578] {strides = array<i32>} : memref<128x128xf32, #tpu.memory_space<vmem>>, vector<1x16xf32>,
      %swap3A_580 = vector.shape_cast %swap3A_579 : vector<1x16xf32> to vector<16xf32>
      %swap3A_581 = vector.shape_cast %scan3A_575#0 : vector<16xf32> to vector<1x16xf32>
      tpu.vector_store %arg7[%swap3A_577, %swap3A_578], %swap3A_581 {strides = array<i32>} : memref<128x128xf32, #tpu.memory_space<vmem>>, vector<1x16xf32>,
      %add3A_582 = arith.constant 1 : i32
      %add3A_583 = arith.addi %mul3A_538, %add3A_582 : i32
      %swap3A_584 = arith.index_cast %add3A_583 : i32 to index
      %swap3A_585 = arith.constant 0 : index
      %swap3A_586 = tpu.vector_load %arg7[%swap3A_584, %swap3A_585] {strides = array<i32>} : memref<128x128xf32, #tpu.memory_space<vmem>>, vector<1x16xf32>,
      %swap3A_587 = vector.shape_cast %swap3A_586 : vector<1x16xf32> to vector<16xf32>
      %swap3A_588 = vector.shape_cast %scan3A_575#8 : vector<16xf32> to vector<1x16xf32>
      tpu.vector_store %arg7[%swap3A_584, %swap3A_585], %swap3A_588 {strides = array<i32>} : memref<128x128xf32, #tpu.memory_space<vmem>>, vector<1x16xf32>,
      %swap3A_589 = arith.index_cast %mul3A_538 : i32 to index
      %swap3A_590 = arith.constant 16 : index
      %swap3A_591 = tpu.vector_load %arg7[%swap3A_589, %swap3A_590] {strides = array<i32>} : memref<128x128xf32, #tpu.memory_space<vmem>>, vector<1x16xf32>,
      %swap3A_592 = vector.shape_cast %swap3A_591 : vector<1x16xf32> to vector<16xf32>
      %swap3A_593 = vector.shape_cast %scan3A_575#1 : vector<16xf32> to vector<1x16xf32>
      tpu.vector_store %arg7[%swap3A_589, %swap3A_590], %swap3A_593 {strides = array<i32>} : memref<128x128xf32, #tpu.memory_space<vmem>>, vector<1x16xf32>,
      %add3A_594 = arith.constant 1 : i32
      %add3A_595 = arith.addi %mul3A_538, %add3A_594 : i32
      %swap3A_596 = arith.index_cast %add3A_595 : i32 to index
      %swap3A_597 = arith.constant 16 : index
      %swap3A_598 = tpu.vector_load %arg7[%swap3A_596, %swap3A_597] {strides = array<i32>} : memref<128x128xf32, #tpu.memory_space<vmem>>, vector<1x16xf32>,
      %swap3A_599 = vector.shape_cast %swap3A_598 : vector<1x16xf32> to vector<16xf32>
      %swap3A_600 = vector.shape_cast %scan3A_575#9 : vector<16xf32> to vector<1x16xf32>
      tpu.vector_store %arg7[%swap3A_596, %swap3A_597], %swap3A_600 {strides = array<i32>} : memref<128x128xf32, #tpu.memory_space<vmem>>, vector<1x16xf32>,
      %swap3A_601 = arith.index_cast %mul3A_538 : i32 to index
      %swap3A_602 = arith.constant 32 : index
      %swap3A_603 = tpu.vector_load %arg7[%swap3A_601, %swap3A_602] {strides = array<i32>} : memref<128x128xf32, #tpu.memory_space<vmem>>, vector<1x16xf32>,
      %swap3A_604 = vector.shape_cast %swap3A_603 : vector<1x16xf32> to vector<16xf32>
      %swap3A_605 = vector.shape_cast %scan3A_575#2 : vector<16xf32> to vector<1x16xf32>
      tpu.vector_store %arg7[%swap3A_601, %swap3A_602], %swap3A_605 {strides = array<i32>} : memref<128x128xf32, #tpu.memory_space<vmem>>, vector<1x16xf32>,
      %add3A_606 = arith.constant 1 : i32
      %add3A_607 = arith.addi %mul3A_538, %add3A_606 : i32
      %swap3A_608 = arith.index_cast %add3A_607 : i32 to index
      %swap3A_609 = arith.constant 32 : index
      %swap3A_610 = tpu.vector_load %arg7[%swap3A_608, %swap3A_609] {strides = array<i32>} : memref<128x128xf32, #tpu.memory_space<vmem>>, vector<1x16xf32>,
      %swap3A_611 = vector.shape_cast %swap3A_610 : vector<1x16xf32> to vector<16xf32>
      %swap3A_612 = vector.shape_cast %scan3A_575#10 : vector<16xf32> to vector<1x16xf32>
      tpu.vector_store %arg7[%swap3A_608, %swap3A_609], %swap3A_612 {strides = array<i32>} : memref<128x128xf32, #tpu.memory_space<vmem>>, vector<1x16xf32>,
      %swap3A_613 = arith.index_cast %mul3A_538 : i32 to index
      %swap3A_614 = arith.constant 48 : index
      %swap3A_615 = tpu.vector_load %arg7[%swap3A_613, %swap3A_614] {strides = array<i32>} : memref<128x128xf32, #tpu.memory_space<vmem>>, vector<1x16xf32>,
      %swap3A_616 = vector.shape_cast %swap3A_615 : vector<1x16xf32> to vector<16xf32>
      %swap3A_617 = vector.shape_cast %scan3A_575#3 : vector<16xf32> to vector<1x16xf32>
      tpu.vector_store %arg7[%swap3A_613, %swap3A_614], %swap3A_617 {strides = array<i32>} : memref<128x128xf32, #tpu.memory_space<vmem>>, vector<1x16xf32>,
      %add3A_618 = arith.constant 1 : i32
      %add3A_619 = arith.addi %mul3A_538, %add3A_618 : i32
      %swap3A_620 = arith.index_cast %add3A_619 : i32 to index
      %swap3A_621 = arith.constant 48 : index
      %swap3A_622 = tpu.vector_load %arg7[%swap3A_620, %swap3A_621] {strides = array<i32>} : memref<128x128xf32, #tpu.memory_space<vmem>>, vector<1x16xf32>,
      %swap3A_623 = vector.shape_cast %swap3A_622 : vector<1x16xf32> to vector<16xf32>
      %swap3A_624 = vector.shape_cast %scan3A_575#11 : vector<16xf32> to vector<1x16xf32>
      tpu.vector_store %arg7[%swap3A_620, %swap3A_621], %swap3A_624 {strides = array<i32>} : memref<128x128xf32, #tpu.memory_space<vmem>>, vector<1x16xf32>,
      %swap3A_625 = arith.index_cast %mul3A_538 : i32 to index
      %swap3A_626 = arith.constant 64 : index
      %swap3A_627 = tpu.vector_load %arg7[%swap3A_625, %swap3A_626] {strides = array<i32>} : memref<128x128xf32, #tpu.memory_space<vmem>>, vector<1x16xf32>,
      %swap3A_628 = vector.shape_cast %swap3A_627 : vector<1x16xf32> to vector<16xf32>
      %swap3A_629 = vector.shape_cast %scan3A_575#4 : vector<16xf32> to vector<1x16xf32>
      tpu.vector_store %arg7[%swap3A_625, %swap3A_626], %swap3A_629 {strides = array<i32>} : memref<128x128xf32, #tpu.memory_space<vmem>>, vector<1x16xf32>,
      %add3A_630 = arith.constant 1 : i32
      %add3A_631 = arith.addi %mul3A_538, %add3A_630 : i32
      %swap3A_632 = arith.index_cast %add3A_631 : i32 to index
      %swap3A_633 = arith.constant 64 : index
      %swap3A_634 = tpu.vector_load %arg7[%swap3A_632, %swap3A_633] {strides = array<i32>} : memref<128x128xf32, #tpu.memory_space<vmem>>, vector<1x16xf32>,
      %swap3A_635 = vector.shape_cast %swap3A_634 : vector<1x16xf32> to vector<16xf32>
      %swap3A_636 = vector.shape_cast %scan3A_575#12 : vector<16xf32> to vector<1x16xf32>
      tpu.vector_store %arg7[%swap3A_632, %swap3A_633], %swap3A_636 {strides = array<i32>} : memref<128x128xf32, #tpu.memory_space<vmem>>, vector<1x16xf32>,
      %swap3A_637 = arith.index_cast %mul3A_538 : i32 to index
      %swap3A_638 = arith.constant 80 : index
      %swap3A_639 = tpu.vector_load %arg7[%swap3A_637, %swap3A_638] {strides = array<i32>} : memref<128x128xf32, #tpu.memory_space<vmem>>, vector<1x16xf32>,
      %swap3A_640 = vector.shape_cast %swap3A_639 : vector<1x16xf32> to vector<16xf32>
      %swap3A_641 = vector.shape_cast %scan3A_575#5 : vector<16xf32> to vector<1x16xf32>
      tpu.vector_store %arg7[%swap3A_637, %swap3A_638], %swap3A_641 {strides = array<i32>} : memref<128x128xf32, #tpu.memory_space<vmem>>, vector<1x16xf32>,
      %add3A_642 = arith.constant 1 : i32
      %add3A_643 = arith.addi %mul3A_538, %add3A_642 : i32
      %swap3A_644 = arith.index_cast %add3A_643 : i32 to index
      %swap3A_645 = arith.constant 80 : index
      %swap3A_646 = tpu.vector_load %arg7[%swap3A_644, %swap3A_645] {strides = array<i32>} : memref<128x128xf32, #tpu.memory_space<vmem>>, vector<1x16xf32>,
      %swap3A_647 = vector.shape_cast %swap3A_646 : vector<1x16xf32> to vector<16xf32>
      %swap3A_648 = vector.shape_cast %scan3A_575#13 : vector<16xf32> to vector<1x16xf32>
      tpu.vector_store %arg7[%swap3A_644, %swap3A_645], %swap3A_648 {strides = array<i32>} : memref<128x128xf32, #tpu.memory_space<vmem>>, vector<1x16xf32>,
      %swap3A_649 = arith.index_cast %mul3A_538 : i32 to index
      %swap3A_650 = arith.constant 96 : index
      %swap3A_651 = tpu.vector_load %arg7[%swap3A_649, %swap3A_650] {strides = array<i32>} : memref<128x128xf32, #tpu.memory_space<vmem>>, vector<1x16xf32>,
      %swap3A_652 = vector.shape_cast %swap3A_651 : vector<1x16xf32> to vector<16xf32>
      %swap3A_653 = vector.shape_cast %scan3A_575#6 : vector<16xf32> to vector<1x16xf32>
      tpu.vector_store %arg7[%swap3A_649, %swap3A_650], %swap3A_653 {strides = array<i32>} : memref<128x128xf32, #tpu.memory_space<vmem>>, vector<1x16xf32>,
      %add3A_654 = arith.constant 1 : i32
      %add3A_655 = arith.addi %mul3A_538, %add3A_654 : i32
      %swap3A_656 = arith.index_cast %add3A_655 : i32 to index
      %swap3A_657 = arith.constant 96 : index
      %swap3A_658 = tpu.vector_load %arg7[%swap3A_656, %swap3A_657] {strides = array<i32>} : memref<128x128xf32, #tpu.memory_space<vmem>>, vector<1x16xf32>,
      %swap3A_659 = vector.shape_cast %swap3A_658 : vector<1x16xf32> to vector<16xf32>
      %swap3A_660 = vector.shape_cast %scan3A_575#14 : vector<16xf32> to vector<1x16xf32>
      tpu.vector_store %arg7[%swap3A_656, %swap3A_657], %swap3A_660 {strides = array<i32>} : memref<128x128xf32, #tpu.memory_space<vmem>>, vector<1x16xf32>,
      %swap3A_661 = arith.index_cast %mul3A_538 : i32 to index
      %swap3A_662 = arith.constant 112 : index
      %swap3A_663 = tpu.vector_load %arg7[%swap3A_661, %swap3A_662] {strides = array<i32>} : memref<128x128xf32, #tpu.memory_space<vmem>>, vector<1x16xf32>,
      %swap3A_664 = vector.shape_cast %swap3A_663 : vector<1x16xf32> to vector<16xf32>
      %swap3A_665 = vector.shape_cast %scan3A_575#7 : vector<16xf32> to vector<1x16xf32>
      tpu.vector_store %arg7[%swap3A_661, %swap3A_662], %swap3A_665 {strides = array<i32>} : memref<128x128xf32, #tpu.memory_space<vmem>>, vector<1x16xf32>,
      %add3A_666 = arith.constant 1 : i32
      %add3A_667 = arith.addi %mul3A_538, %add3A_666 : i32
      %swap3A_668 = arith.index_cast %add3A_667 : i32 to index
      %swap3A_669 = arith.constant 112 : index
      %swap3A_670 = tpu.vector_load %arg7[%swap3A_668, %swap3A_669] {strides = array<i32>} : memref<128x128xf32, #tpu.memory_space<vmem>>, vector<1x16xf32>,
      %swap3A_671 = vector.shape_cast %swap3A_670 : vector<1x16xf32> to vector<16xf32>
      %swap3A_672 = vector.shape_cast %scan3A_575#15 : vector<16xf32> to vector<1x16xf32>
      tpu.vector_store %arg7[%swap3A_668, %swap3A_669], %swap3A_672 {strides = array<i32>} : memref<128x128xf32, #tpu.memory_space<vmem>>, vector<1x16xf32>,
      %lt3A_673 = arith.constant 15 : i32
      %lt3A_674 = arith.cmpi slt, %scan3A_61, %lt3A_673 : i32
      %convert_element_type3A_675 = arith.extui %lt3A_674 : i1 to i32
      %cond3A_676 = arith.constant 0 : i32
      %cond3A_677 = arith.cmpi ne, %convert_element_type3A_675, %cond3A_676 : i32
      scf.if %cond3A_677 {
        %add3A_678 = arith.constant 3 : i32
        %add3A_679 = arith.addi %mul3A_63, %add3A_678 : i32
        %add3A_680 = arith.constant 4 : i32
        %add3A_681 = arith.addi %add3A_679, %add3A_680 : i32
        %dma_start3A_682 = arith.constant 0 : i32
        %dma_start3A_683 = arith.constant 0 : i32
        %dma_start3A_684 = tpu.memref_slice %arg6[%scan3A_53, %dma_start3A_682, %dma_start3A_683] : memref<4x100x128xf32, #tpu.memory_space<vmem>> -> memref<1x100x128xf32, #tpu.memory_space<vmem>>
        %dma_start3A_685 = tpu.memref_squeeze %dma_start3A_684 : memref<1x100x128xf32, #tpu.memory_space<vmem>> -> memref<100x128xf32, #tpu.memory_space<vmem>>
        %dma_start3A_686 = arith.constant 0 : i32
        %dma_start3A_687 = tpu.memref_slice %arg5[%add3A_681, %dma_start3A_686] : memref<64x100xi32, #tpu.memory_space<vmem>> -> memref<1x100xi32, #tpu.memory_space<vmem>>
        %dma_start3A_688 = tpu.memref_squeeze %dma_start3A_687 : memref<1x100xi32, #tpu.memory_space<vmem>> -> memref<100xi32, #tpu.memory_space<vmem>>
        %dma_start3A_689 = arith.constant 0 : i32
        %dma_start3A_690 = arith.constant 0 : i32
        %dma_start3A_691 = tpu.memref_slice %arg3[%dma_start3A_689, %dma_start3A_690] : memref<100000x128xf32, #tpu.memory_space<hbm>> -> memref<100000x128xf32, #tpu.memory_space<hbm>>
        tpu.enqueue_indirect_dma source(%dma_start3A_691 : memref<100000x128xf32, #tpu.memory_space<hbm>>) target(%dma_start3A_685 : memref<100x128xf32, #tpu.memory_space<vmem>>) offsets(%dma_start3A_688 : memref<100xi32, #tpu.memory_space<vmem>>) semaphore(%arg11 : memref<!tpu.dma_semaphore, #tpu.memory_space<semaphore_mem>>)
      } else {
      }
    }
    %scan3A_58 = arith.constant 16 : i32
    %mul3A_59 = arith.constant 128 : i32
    %mul3A_60 = arith.muli %add3A, %mul3A_59 : i32
    "tpu.region"() ({
      %run_scoped3A = tpu.sem_alloc : memref<!tpu.dma_semaphore, #tpu.memory_space<semaphore_mem>>
      %dma_start3A_61 = arith.constant 0 : i32
      %dma_start3A_62 = tpu.memref_slice %arg4[%mul3A_60, %dma_start3A_61] : memref<4096x128xf32, #tpu.memory_space<hbm>> -> memref<128x128xf32, #tpu.memory_space<hbm>>
      %dma_start3A_63 = arith.constant 0 : i32
      %dma_start3A_64 = tpu.memref_slice %arg4[%mul3A_60, %dma_start3A_63] : memref<4096x128xf32, #tpu.memory_space<hbm>> -> memref<128x128xf32, #tpu.memory_space<hbm>>
      tpu.enqueue_dma source(%arg7 : memref<128x128xf32, #tpu.memory_space<vmem>>) target(%dma_start3A_64 : memref<128x128xf32, #tpu.memory_space<hbm>>) target_semaphore(%run_scoped3A : memref<!tpu.dma_semaphore, #tpu.memory_space<semaphore_mem>>)
      %dma_wait3A = arith.constant 0 : i32
      %dma_wait3A_65 = tpu.memref_slice %arg4[%mul3A_60, %dma_wait3A] : memref<4096x128xf32, #tpu.memory_space<hbm>> -> memref<128x128xf32, #tpu.memory_space<hbm>>
      %dma_wait3A_66 = arith.constant 0 : i32
      %dma_wait3A_67 = tpu.memref_slice %arg4[%mul3A_60, %dma_wait3A_66] : memref<4096x128xf32, #tpu.memory_space<hbm>> -> memref<128x128xf32, #tpu.memory_space<hbm>>
      tpu.wait_dma2 semaphore(%run_scoped3A : memref<!tpu.dma_semaphore, #tpu.memory_space<semaphore_mem>>) src(%arg7 : memref<128x128xf32, #tpu.memory_space<vmem>>) dst(%dma_wait3A_67 : memref<128x128xf32, #tpu.memory_space<hbm>>)
      tpu.yield
    }) : () -> ()
    return
  }
}

module attributes {stable_mosaic.version = 14 : i64} {
  func.func @_tc_dense_body(%arg0: i32, %arg1: memref<2048x128xf32, #tpu.memory_space<vmem>>, %arg2: memref<128x128xf32, #tpu.memory_space<vmem>>, %arg3: memref<1x128xf32, #tpu.memory_space<vmem>>, %arg4: memref<1x128xf32, #tpu.memory_space<vmem>>, %arg5: memref<1x128xf32, #tpu.memory_space<vmem>>, %arg6: memref<1x128xf32, #tpu.memory_space<vmem>>, %arg7: memref<1x128xf32, #tpu.memory_space<vmem>>, %arg8: memref<1x128xf32, #tpu.memory_space<vmem>>, %arg9: memref<1x128xf32, #tpu.memory_space<vmem>>, %arg10: memref<2048x128xf32, #tpu.memory_space<vmem>>) attributes {dimension_semantics = [#tpu.dimension_semantics<arbitrary>], iteration_bounds = array<i64: 2>, scalar_prefetch = 0 : i64, scratch_operands = 0 : i64, tpu.core_type = #tpu.core_type<tc>, window_params = [{transform_indices = @transform_0, window_bounds = array<i64: 2048, 128>}, {pipeline_mode = #tpu.pipeline_mode<synchronous>, transform_indices = @transform_1, window_bounds = array<i64: 128, 128>}, {pipeline_mode = #tpu.pipeline_mode<synchronous>, transform_indices = @transform_2, window_bounds = array<i64: 1, 128>}, {pipeline_mode = #tpu.pipeline_mode<synchronous>, transform_indices = @transform_3, window_bounds = array<i64: 1, 128>}, {pipeline_mode = #tpu.pipeline_mode<synchronous>, transform_indices = @transform_4, window_bounds = array<i64: 1, 128>}, {pipeline_mode = #tpu.pipeline_mode<synchronous>, transform_indices = @transform_5, window_bounds = array<i64: 1, 128>}, {pipeline_mode = #tpu.pipeline_mode<synchronous>, transform_indices = @transform_6, window_bounds = array<i64: 1, 128>}, {pipeline_mode = #tpu.pipeline_mode<synchronous>, transform_indices = @transform_7, window_bounds = array<i64: 1, 128>}, {pipeline_mode = #tpu.pipeline_mode<synchronous>, transform_indices = @transform_8, window_bounds = array<i64: 1, 128>}, {transform_indices = @transform_9, window_bounds = array<i64: 2048, 128>}]} {
    %get3A = arith.constant 0 : index
    %get3A_0 = arith.constant 0 : index
    %get3A_1 = vector.load %arg1[%get3A, %get3A_0] : memref<2048x128xf32, #tpu.memory_space<vmem>>, vector<2048x128xf32>
    %mul3A = arith.constant 2.000000e-02 : f32
    %mul3A_2 = vector.broadcast %mul3A : f32 to vector<2048x128xf32>
    %mul3A_3 = arith.mulf %get3A_1, %mul3A_2 : vector<2048x128xf32>
    %get3A_4 = arith.constant 0 : index
    %get3A_5 = arith.constant 0 : index
    %get3A_6 = vector.load %arg2[%get3A_4, %get3A_5] : memref<128x128xf32, #tpu.memory_space<vmem>>, vector<128x128xf32>
    %dot_general3A = arith.constant dense<0.000000e+00> : vector<2048x128xf32>
    %dot_general3A_7 = tpu.matmul %mul3A_3, %get3A_6, %dot_general3A {dimension_numbers = #tpu.dot_dimension_numbers<[1], [0], [0], [1], [0, 0, 1, 1], [], []>, transpose_lhs_hint = false} : vector<2048x128xf32>, vector<128x128xf32>, vector<2048x128xf32> -> vector<2048x128xf32>
    %get3A_8 = arith.constant 0 : index
    %get3A_9 = arith.constant 0 : index
    %get3A_10 = vector.load %arg3[%get3A_8, %get3A_9] : memref<1x128xf32, #tpu.memory_space<vmem>>, vector<1x128xf32>
    %add3A = vector.broadcast %get3A_10 : vector<1x128xf32> to vector<2048x128xf32>
    %add3A_11 = arith.addf %dot_general3A_7, %add3A : vector<2048x128xf32>
    %get3A_12 = arith.constant 0 : index
    %get3A_13 = arith.constant 0 : index
    %get3A_14 = vector.load %arg4[%get3A_12, %get3A_13] : memref<1x128xf32, #tpu.memory_space<vmem>>, vector<1x128xf32>
    %get3A_15 = arith.constant 0 : index
    %get3A_16 = arith.constant 0 : index
    %get3A_17 = vector.load %arg7[%get3A_15, %get3A_16] : memref<1x128xf32, #tpu.memory_space<vmem>>, vector<1x128xf32>
    %add3A_18 = arith.constant 1.000000e-03 : f32
    %add3A_19 = vector.broadcast %add3A_18 : f32 to vector<1x128xf32>
    %add3A_20 = arith.addf %get3A_17, %add3A_19 : vector<1x128xf32>
    %rsqrt3A = math.rsqrt %add3A_20 : vector<1x128xf32>
    %mul3A_21 = arith.mulf %get3A_14, %rsqrt3A : vector<1x128xf32>
    %get3A_22 = arith.constant 0 : index
    %get3A_23 = arith.constant 0 : index
    %get3A_24 = vector.load %arg6[%get3A_22, %get3A_23] : memref<1x128xf32, #tpu.memory_space<vmem>>, vector<1x128xf32>
    %sub3A = vector.broadcast %get3A_24 : vector<1x128xf32> to vector<2048x128xf32>
    %sub3A_25 = arith.subf %add3A_11, %sub3A : vector<2048x128xf32>
    %mul3A_26 = vector.broadcast %mul3A_21 : vector<1x128xf32> to vector<2048x128xf32>
    %mul3A_27 = arith.mulf %sub3A_25, %mul3A_26 : vector<2048x128xf32>
    %get3A_28 = arith.constant 0 : index
    %get3A_29 = arith.constant 0 : index
    %get3A_30 = vector.load %arg5[%get3A_28, %get3A_29] : memref<1x128xf32, #tpu.memory_space<vmem>>, vector<1x128xf32>
    %add3A_31 = vector.broadcast %get3A_30 : vector<1x128xf32> to vector<2048x128xf32>
    %add3A_32 = arith.addf %mul3A_27, %add3A_31 : vector<2048x128xf32>
    %reduce_sum3A = arith.constant dense<0.000000e+00> : vector<2048xf32>
    %reduce_sum3A_33 = vector.multi_reduction <add>, %add3A_32, %reduce_sum3A [1] : vector<2048x128xf32> to vector<2048xf32>
    %broadcast_in_dim3A = vector.shape_cast %reduce_sum3A_33 : vector<2048xf32> to vector<2048x1xf32>
    %div3A = arith.constant 1.280000e+02 : f32
    %div3A_34 = vector.broadcast %div3A : f32 to vector<2048x1xf32>
    %div3A_35 = arith.divf %broadcast_in_dim3A, %div3A_34 : vector<2048x1xf32>
    %sub3A_36 = vector.broadcast %div3A_35 : vector<2048x1xf32> to vector<2048x128xf32>
    %sub3A_37 = arith.subf %add3A_32, %sub3A_36 : vector<2048x128xf32>
    %mul3A_38 = arith.mulf %sub3A_37, %sub3A_37 : vector<2048x128xf32>
    %reduce_sum3A_39 = arith.constant dense<0.000000e+00> : vector<2048xf32>
    %reduce_sum3A_40 = vector.multi_reduction <add>, %mul3A_38, %reduce_sum3A_39 [1] : vector<2048x128xf32> to vector<2048xf32>
    %broadcast_in_dim3A_41 = vector.shape_cast %reduce_sum3A_40 : vector<2048xf32> to vector<2048x1xf32>
    %div3A_42 = arith.constant 1.280000e+02 : f32
    %div3A_43 = vector.broadcast %div3A_42 : f32 to vector<2048x1xf32>
    %div3A_44 = arith.divf %broadcast_in_dim3A_41, %div3A_43 : vector<2048x1xf32>
    %add3A_45 = arith.constant 1.000000e-03 : f32
    %add3A_46 = vector.broadcast %add3A_45 : f32 to vector<2048x1xf32>
    %add3A_47 = arith.addf %div3A_44, %add3A_46 : vector<2048x1xf32>
    %rsqrt3A_48 = math.rsqrt %add3A_47 : vector<2048x1xf32>
    %mul3A_49 = vector.broadcast %rsqrt3A_48 : vector<2048x1xf32> to vector<2048x128xf32>
    %mul3A_50 = arith.mulf %sub3A_37, %mul3A_49 : vector<2048x128xf32>
    %get3A_51 = arith.constant 0 : index
    %get3A_52 = arith.constant 0 : index
    %get3A_53 = vector.load %arg8[%get3A_51, %get3A_52] : memref<1x128xf32, #tpu.memory_space<vmem>>, vector<1x128xf32>
    %mul3A_54 = vector.broadcast %get3A_53 : vector<1x128xf32> to vector<2048x128xf32>
    %mul3A_55 = arith.mulf %mul3A_50, %mul3A_54 : vector<2048x128xf32>
    %get3A_56 = arith.constant 0 : index
    %get3A_57 = arith.constant 0 : index
    %get3A_58 = vector.load %arg9[%get3A_56, %get3A_57] : memref<1x128xf32, #tpu.memory_space<vmem>>, vector<1x128xf32>
    %add3A_59 = vector.broadcast %get3A_58 : vector<1x128xf32> to vector<2048x128xf32>
    %add3A_60 = arith.addf %mul3A_55, %add3A_59 : vector<2048x128xf32>
    %swap3A = arith.constant 0 : index
    %swap3A_61 = arith.constant 0 : index
    %swap3A_62 = vector.load %arg10[%swap3A, %swap3A_61] : memref<2048x128xf32, #tpu.memory_space<vmem>>, vector<2048x128xf32>
    tpu.vector_store %arg10[%swap3A, %swap3A_61], %add3A_60 {strides = array<i32>} : memref<2048x128xf32, #tpu.memory_space<vmem>>, vector<2048x128xf32>,
    return
  }
  func.func @transform_0(%arg0: i32) -> (i32, i32) {
    %c0_i32 = arith.constant 0 : i32
    %c0_i32_0 = arith.constant 0 : i32
    return %arg0, %c0_i32 : i32, i32
  }
  func.func @transform_1(%arg0: i32) -> (i32, i32) {
    %c0_i32 = arith.constant 0 : i32
    %c0_i32_0 = arith.constant 0 : i32
    %c0_i32_1 = arith.constant 0 : i32
    return %c0_i32, %c0_i32_0 : i32, i32
  }
  func.func @transform_2(%arg0: i32) -> (i32, i32) {
    %c0_i32 = arith.constant 0 : i32
    %c0_i32_0 = arith.constant 0 : i32
    %c0_i32_1 = arith.constant 0 : i32
    return %c0_i32, %c0_i32_0 : i32, i32
  }
  func.func @transform_3(%arg0: i32) -> (i32, i32) {
    %c0_i32 = arith.constant 0 : i32
    %c0_i32_0 = arith.constant 0 : i32
    %c0_i32_1 = arith.constant 0 : i32
    return %c0_i32, %c0_i32_0 : i32, i32
  }
  func.func @transform_4(%arg0: i32) -> (i32, i32) {
    %c0_i32 = arith.constant 0 : i32
    %c0_i32_0 = arith.constant 0 : i32
    %c0_i32_1 = arith.constant 0 : i32
    return %c0_i32, %c0_i32_0 : i32, i32
  }
  func.func @transform_5(%arg0: i32) -> (i32, i32) {
    %c0_i32 = arith.constant 0 : i32
    %c0_i32_0 = arith.constant 0 : i32
    %c0_i32_1 = arith.constant 0 : i32
    return %c0_i32, %c0_i32_0 : i32, i32
  }
  func.func @transform_6(%arg0: i32) -> (i32, i32) {
    %c0_i32 = arith.constant 0 : i32
    %c0_i32_0 = arith.constant 0 : i32
    %c0_i32_1 = arith.constant 0 : i32
    return %c0_i32, %c0_i32_0 : i32, i32
  }
  func.func @transform_7(%arg0: i32) -> (i32, i32) {
    %c0_i32 = arith.constant 0 : i32
    %c0_i32_0 = arith.constant 0 : i32
    %c0_i32_1 = arith.constant 0 : i32
    return %c0_i32, %c0_i32_0 : i32, i32
  }
  func.func @transform_8(%arg0: i32) -> (i32, i32) {
    %c0_i32 = arith.constant 0 : i32
    %c0_i32_0 = arith.constant 0 : i32
    %c0_i32_1 = arith.constant 0 : i32
    return %c0_i32, %c0_i32_0 : i32, i32
  }
  func.func @transform_9(%arg0: i32) -> (i32, i32) {
    %c0_i32 = arith.constant 0 : i32
    %c0_i32_0 = arith.constant 0 : i32
    return %arg0, %c0_i32 : i32, i32
  }
}

</mosaic_0001>

<sc_bundles>
// kernel: kernel.4.cloned.1.call-start
scs
__scs_entry_jumppad:
0x0: {  	(pc) =	sbr.rel $0x88, $3  }
0x1: {  	(tag) =	ssettag $0x0;
	lr =	simm.s32 $0x1  }
0x2: {  	[smem:$0x3F97] =	sst lr;
	_ =	strace $0xD0000000  }
0x3: {  	_ = 	snop  }
0x4: {  	_ = 	snop  }
0x5: {  	_ = 	snop  }
0x6: {  	_ = 	snop  }
0x7: {  	_ = 	snop  }
__scs_overlays_trampoline_lowered:
0x8: {  	[smem:$0x3FA6] =	sst s0  }
0x9: {  	[smem:$0x3FA7] =	sst s1  }
0xa: {  	[smem:$0x3FA8] =	sst s2  }
0xb: {  	[smem:$0x3FA9] =	sst s3  }
0xc: {  	[smem:$0x3FAA] =	sst s4  }
0xd: {  	[smem:$0x3FAB] =	sst s5  }
0xe: {  	[smem:$0x3FAC] =	sst s6  }
0xf: {  	[smem:$0x3FAD] =	sst s7  }
0x10: {  	[smem:$0x3FAE] =	sst s8  }
0x11: {  	[smem:$0x3FAF] =	sst s9;
	s0 =	simm.s32 @!p0 $0x0  }
0x12: {  	s1 =	sld [smem:$0x3F95];
	s0 =	simm.s32 @p0 $0x1  }
0x13: {  	[smem:$0x3FB0] =	sst s0;
	s0 =	simm.s32 @!p1 $0x0  }
0x14: {  	s2 =	sld [smem:$0x3F94];
	s0 =	simm.s32 @p1 $0x1  }
0x15: {  	[smem:$0x3FB1] =	sst s0;
	s0 =	simm.s32 @!p2 $0x0  }
0x16: {  	s3 =	sld [smem:$0x3FDB];
	s0 =	simm.s32 @p2 $0x1  }
0x17: {  	s4 =	simm.s32 $0x1BF5;
	[smem:$0x3FB3] =	sst s0  }
0x18: {  	s0 =	sld [smem:$0x3F96];
	_ =	swait.ge [sflag:s4], $0x0  }
0x19: {  	s7 =	sld [smem:$0x3F97]  }
0x1a: {  	s8 =	sadd.s32 $0xFFFFE003, lr  }
0x1b: {  	s9 =	sadd.s32 $0xFFFFFEF7, lr;
	s5 =	simm.s32 $0xFFFFFFFF;
	p2 =	slt.u32 s8, $0xFFFFF086  }
0x1c: {  	p1 =	slt.u32 s9, $0xF7A;
	s5 =	simm.s32 @!p2 $0x0  }
0x1d: {  	s5 =	simm.s32 @p1 $0x1;
	p0 =	seq.s32 s7, s2  }
0x1e: {  	s7 =	smul.u32 @!p0 $0xF7A, s2;
	p2 =	seq.s32 @!p0 s5, $0x0  }
0x1f: {  	s9 =	smul.u32 $0xF7A, s1;
	s8 =	simm.s32 @!p0 $0x1BF5;
	p2 =	por !p2, p0  }
0x20: {  	[sflag:s8] =	ssyncset.s32 @!p0 $0xFFFFF086;
	s6 =	sadd.s32 @!p0 s3, s7;
	s7 =	simm.s32 @!p0 $0x108  }
0x21: {  	s3 =	sadd.s32 s3, s9;
	s6 =	sadd.s32 @!p0 $0x88, s6;
	s7 =	simm.s32 @p2 $0x1082  }
0x22: {  	[simem:s7], [sflag:s8] =	dma.local @!p0 [hbm:s6], $0xF7A  }
0x23: {  	s9 =	sor.u32 $0xD0000000, s2;
	s6 =	simm.s32 $0x108;
	_ =	swait.ge @!p0 [sflag:s8], $0x0  }
0x24: {  	s3 =	sadd.s32 $0x88, s3;
	s6 =	simm.s32 @!p1 $0x1082;
	[sflag:s4] =	ssyncset.s32 $0xFFFFF086  }
0x25: {  	[simem:s6], [sflag:s4] =	dma.local [hbm:s3], $0xF7A  }
0x26: {  	[smem:$0x3F97] =	sst s1;
	(tag) =	ssettag s2;
	_ =	strace s9  }
0x27: {  	s1 =	sld [smem:$0x3FA7]  }
0x28: {  	s2 =	sld [smem:$0x3FA8]  }
0x29: {  	s4 =	sld [smem:$0x3FAA]  }
0x2a: {  	p0 =	seq.s32 s5, $0x0;
	s5 =	sld [smem:$0x3FAB]  }
0x2b: {  	s6 =	sld [smem:$0x3FAC]  }
0x2c: {  	s7 =	sld [smem:$0x3FAD]  }
0x2d: {  	s3 =	simm.s32 $0x108;
	s8 =	sld [smem:$0x3FAE]  }
0x2e: {  	s3 =	simm.s32 @!p0 $0x1082;
	s9 =	sld [smem:$0x3FAF]  }
0x2f: {  	lr =	sadd.s32 s0, s3;
	s0 =	sld [smem:$0x3FA6]  }
0x30: {  	s3 =	sld [smem:$0x3FA9]  }
0x31: {  	[smem:$0x3FB2] =	sst s10  }
0x32: {  	s10 =	sld [smem:$0x3FB0];
	_ =	sdelay $0x3  }
0x33: {  	p0 =	seq.s32 s10, $0x1;
	s10 =	sld [smem:$0x3FB2];
	_ =	sdelay $0x3  }
0x34: {  	[smem:$0x3FB2] =	sst s10  }
0x35: {  	s10 =	sld [smem:$0x3FB1];
	_ =	sdelay $0x3  }
0x36: {  	p1 =	seq.s32 s10, $0x1;
	s10 =	sld [smem:$0x3FB2];
	_ =	sdelay $0x3  }
0x37: {  	[smem:$0x3FB2] =	sst s10  }
0x38: {  	s10 =	sld [smem:$0x3FB3]  }
0x39: {  	_ = 	snop;
	(pc) =	sbr.ind lr, $3  }
0x3a: {  	_ = 	snop  }
0x3b: {  	_ = 	snop  }
0x3c: {  	p2 =	seq.s32 s10, $0x1;
	s10 =	sld [smem:$0x3FB2]  }
0x3d: {  	_ =	shalt  }
0x3e: {  	_ =	shalt  }
0x3f: {  	_ =	shalt  }
0x40: {  	_ =	shalt  }
0x41: {  	_ =	shalt  }
0x42: {  	_ =	shalt  }
0x43: {  	_ =	shalt  }
0x44: {  	_ =	shalt  }
0x45: {  	_ =	shalt  }
0x46: {  	_ =	shalt  }
0x47: {  	_ =	shalt  }
0x48: {  	_ =	shalt  }
0x49: {  	_ =	shalt  }
0x4a: {  	_ =	shalt  }
0x4b: {  	_ =	shalt  }
0x4c: {  	_ =	shalt  }
0x4d: {  	_ =	shalt  }
0x4e: {  	_ =	shalt  }
0x4f: {  	_ =	shalt  }
0x50: {  	_ =	shalt  }
0x51: {  	_ =	shalt  }
0x52: {  	_ =	shalt  }
0x53: {  	_ =	shalt  }
0x54: {  	_ =	shalt  }
0x55: {  	_ =	shalt  }
0x56: {  	_ =	shalt  }
0x57: {  	_ =	shalt  }
0x58: {  	_ =	shalt  }
0x59: {  	_ =	shalt  }
0x5a: {  	_ =	shalt  }
0x5b: {  	_ =	shalt  }
0x5c: {  	_ =	shalt  }
0x5d: {  	_ =	shalt  }
0x5e: {  	_ =	shalt  }
0x5f: {  	_ =	shalt  }
0x60: {  	_ =	shalt  }
0x61: {  	_ =	shalt  }
0x62: {  	_ =	shalt  }
0x63: {  	_ =	shalt  }
0x64: {  	_ =	shalt  }
0x65: {  	_ =	shalt  }
0x66: {  	_ =	shalt  }
0x67: {  	_ =	shalt  }
0x68: {  	_ =	shalt  }
0x69: {  	_ =	shalt  }
0x6a: {  	_ =	shalt  }
0x6b: {  	_ =	shalt  }
0x6c: {  	_ =	shalt  }
0x6d: {  	_ =	shalt  }
0x6e: {  	_ =	shalt  }
0x6f: {  	_ =	shalt  }
0x70: {  	_ =	shalt  }
0x71: {  	_ =	shalt  }
0x72: {  	_ =	shalt  }
0x73: {  	_ =	shalt  }
0x74: {  	_ =	shalt  }
0x75: {  	_ =	shalt  }
0x76: {  	_ =	shalt  }
0x77: {  	_ =	shalt  }
0x78: {  	_ =	shalt  }
0x79: {  	_ =	shalt  }
0x7a: {  	_ =	shalt  }
0x7b: {  	_ =	shalt  }
0x7c: {  	_ =	shalt  }
0x7d: {  	_ =	shalt  }
0x7e: {  	_ =	shalt  }
0x7f: {  	_ =	shalt  }
0x80: {  	_ =	shalt  }
0x81: {  	_ =	shalt  }
0x82: {  	_ =	shalt  }
0x83: {  	_ =	shalt  }
0x84: {  	_ =	shalt  }
0x85: {  	_ =	shalt  }
0x86: {  	_ =	shalt  }
0x87: {  	_ =	shalt  }
.Lfunc_end0:
.L_simem_size_0:
called_computation_lowered:
.L_overlay_start_0:
0x88: {  	s2 =	sld [smem:$0x3FD9]  }
0x89: {  	s3 =	sld [smem:$0x3FFE];
	_ =	sdelay $0x1  }
0x8a: {  	s1 =	srdreg.scid  }
0x8b: {  	s0 =	sand.u32 $0x1, s1  }
0x8c: {  	s17 =	sshll.u32 s0, $0xA;
	s2 =	sadd.s32 s3, s2  }
0x8d: {  	s2 =	sadd.s32 s2, s17  }
0x8e: {  	[smem:$0x3FBE] =	sst s2  }
0x8f: {  	_ = 	snop  }
0x90: {  	s2 =	sld [smem:$0x3FC8]  }
0x91: {  	s18 =	sld [smem:$0x3FD0];
	(tm) =	ssettm $0x1  }
0x92: {  	s4 =	sld [smem:$0x3FFB];
	_ =	sdelay $0x3  }
0x93: {  	_ =	strace s4  }
0x94: {  	s4 =	sld [smem:$0x3FFC];
	_ =	sdelay $0x3  }
0x95: {  	_ =	strace s4  }
0x96: {  	s4 =	sld [smem:$0x3FFD];
	_ =	sdelay $0x3  }
0x97: {  	_ =	strace s4  }
0x98: {  	_ =	strace $0x8FFFFFFF  }
0x99: {  	s19 =	sld [smem:$0x3FDB];
	_ =	sdelay $0x1  }
0x9a: {  	s5 =	simm.s32 $_scs_section_size  }
0x9b: {  	s6 =	simm.s32 $_size__tile_overlayer_lowered;
	s7 =	simm.s32 $_tile_overlayer_lowered  }
0x9c: {  	s22 =	simm.s32 $0x1BFF;
	s21 =	sshll.u32 s7, $0x1;
	s4 =	sadd.s32 s5, s19  }
0x9d: {  	s8 =	simm.s32 $0x0;
	s20 =	sshll.u32 s6, $0x1;
	s6 =	sadd.s32 s21, s4  }
0x9e: {  	[timem:s8], [sflag:s22] =	dma.local [hbm:s6], s20  }
0x9f: {  	_ =	swait.ge [sflag:s22], s20  }
0xa0: {  	s5 =	ssub.s32 $0x0, s20;
	[sflag:s22] =	ssyncset.done $0x0  }
0xa1: {  	[sflag:s22] =	ssyncadd.s32 s5;
	_ =	sdelay $0x1  }
0xa2: {  	s23 =	simm.s32 $0x1B8B  }
0xa3: {  	_ =	swait.ge [sflag:s23], $0x1  }
0xa4: {  	[sflag:s23] =	ssyncset.done $0x0  }
0xa5: {  	s25 =	simm.s32 $0x1B8E;
	s24 =	sld [smem:$0x3FFE];
	[sflag:s23] =	ssyncadd.s32 $0xFFFFFFFF  }
0xa6: {  	s26 =	simm.s32 $execute0_lowered;
	[smem:$0x3FD2] =	sst s25  }
0xa7: {  	s6 =	sshll.u32 s26, $0x1;
	_ =	strace $0x80000046;
	[dreg:$0x1] =	wrdreg $0xFFFFFFFF  }
0xa8: {  	s28 =	simm.s32 $_size_execute0_lowered;
	s4 =	sadd.s32 s4, s6;
	[dreg:$0x0] =	wrdreg $0x0  }
0xa9: {  	s6 =	sshll.u32 s28, $0x1;
	[dreg:$0x2] =	wrdreg s4  }
0xaa: {  	[dreg:$0x3] =	wrdreg s6  }
0xab: {  	[dreg:$0x4] =	wrdreg $0xC0  }
0xac: {  	_ =	task [dreg:s8], $0x5FFFF  }
0xad: {  	[dreg:$0x1] =	wrdreg $0xFFFFFFFF  }
0xae: {  	[dreg:$0x0] =	wrdreg $0x60  }
0xaf: {  	[dreg:$0x2] =	wrdreg s24  }
0xb0: {  	[dreg:$0x3] =	wrdreg s2  }
0xb1: {  	[dreg:$0x4] =	wrdreg s18  }
0xb2: {  	[dreg:$0x5] =	wrdreg $0x9  }
0xb3: {  	_ =	task.clear_ibuf [dreg:s8], $0x6FFFF;
	_ =	strace $0x90000046  }
0xb4: {  	s29 =	simm.s32 $0x9;
	_ =	strace $0x80000048  }
0xb5: {  	_ =	swait.ge [sflag:s29], $0x1  }
0xb6: {  	[sflag:s29] =	ssyncadd.s32 $0xFFFFFFFF  }
0xb7: {  	_ =	strace $0x90000048  }
0xb8: {  	_ =	sfence  }
0xb9: {  	s30 =	sld [smem:$0x0];
	_ =	sdelay $0x2  }
0xba: {  	s31 =	sshll.u32 s1, $0xD;
	s1 =	sshrl.u32 s1, $0x2  }
0xbb: {  	s3 =	sand.u32 $0x4000, s31;
	s1 =	sadd.s32 s1, s30  }
0xbc: {  	s0 =	sor.u32 s3, s0;
	s1 =	sshll.u32 s1, $0x11  }
0xbd: {  	s0 =	sor.u32 s1, s0  }
0xbe: {  	s0 =	sadd.s32 $0x8F2B, s0  }
0xbf: {  	[sflag:s0] =	ssyncadd.remote.s32 $0x1  }
0xc0: {  	_ =	sfence.sel $0xFFFF  }
0xc1: {  	[dreg:$0x0] =	wrdreg $0xFFFFFFFF;
	(pc) =	sbr.abs _section_cstart, $3  }
0xc2: {  	[dreg:$0x1] =	wrdreg $0xFFFFFFFF  }
0xc3: {  	_ =	task.clear_ibuf [dreg:s8], $0x2FFFF;
	_ =	strace $0x9FFFFFFF  }
0xc4: {  	(tm) =	ssettm $0x7FFFFFFF  }
0xc5: {  	_ =	shalt  }
tec
execute0_lowered:
.L_overlay_start_1:
0x0: {  	(tag) =	ssettag $0x1  }
0x1: {  	s4 =	rddreg [dreg:$0x0]  }
0x2: {  	s2 =	rddreg [dreg:$0x1]  }
0x3: {  	s5 =	rddreg [dreg:$0x2]  }
0x4: {  	s0 =	rddreg [dreg:$0x3]  }
0x5: {  	s6 =	srdreg.scid;
	s1 =	stileid.u32;
	s3 =	simm.s32 $0x0  }
0x6: {  	s10 =	simm.s32 $0x80;
	s11 =	simm.s32 $0x5400;
	s12 =	simm.s32 $0x100  }
0x7: {  	s13 =	simm.s32 $0x8800;
	s14 =	simm.s32 $0x180;
	s15 =	simm.s32 $0xBC00  }
0x8: {  	s16 =	simm.s32 $0x1;
	s17 =	simm.s32 $0x2;
	s18 =	simm.s32 $0x3  }
0x9: {  	s19 =	simm.s32 $0x4;
	s20 =	simm.s32 $0xF000;
	s21 =	simm.s32 $0x0  }
0xa: {  	s6 =	sand.u32 $0x1, s6;
	s7 =	sshll.u32 s1, $0x1;
	[smem:$0x7FF] =	sst s3  }
.Ltmp0:
0xb: {  	s7 =	sor.u32 s6, s7;
	s6 =	ssub.s32 $0x2, s6;
	(pc) =	sbr.rel .LBB2_1-.Ltmp0, $4  }
0xc: {  	_ =	strace $0x80000047;
	s8 =	sshll.u32 s7, $0xA;
	s9 =	sshrl.u32 s6, $0x1  }
0xd: {  	s7 =	sshll.u32 s7, $0xB;
	s4 =	sadd.s32 s8, s4;
	s6 =	ssub.s32 s6, s9  }
0xe: {  	s5 =	sadd.s32 s5, s7;
	s7 =	simm.s32 $0x5;
	s8 =	simm.s32 $0x64  }
0xf: {  	s9 =	simm.s32 $0x2000;
	s4 =	sadd.s32 $0x1600, s4;
	s6 =	smax.u32 s6, $0x1  }
.LBB2_12:
0x10: {  	s21 =	sadd.s32 $0x1, s21  }
0x11: {  	p0 =	sne.s32 s21, s6  }
.Ltmp1:
0x12: {  	_ = 	snop;
	(pc) =	sbr.rel @!p0 .LBB2_13-.Ltmp1, $4  }
0x13: {  	[hbm4b:s5+s3] =	stream.linear.scatter [tilespmem:s20], [sflag:$0x5], $0x4000, $0x38;
	[tilespmem:$0x13000] =	vst v63  }
0x14: {  	_ =	swait.ge [sflag:s7], $0x4000  }
0x15: {  	[sflag:s7] =	ssyncset.done $0x0  }
0x16: {  	[sflag:s7] =	ssyncadd.s32 $0xFFFFC000  }
.LBB2_1:
0x17: {  	[tilespmem:s3], [sflag:$0x5] =	stream.linear.gather [hbm4b:s4+s3], $0x2000, $0x38;
	[tilespmem:$0x13000] =	vst v63  }
0x18: {  	_ =	swait.ge [sflag:s7], $0x2000  }
0x19: {  	[sflag:s7] =	ssyncset.done $0x0  }
0x1a: {  	[sflag:s7] =	ssyncadd.s32 $0xFFFFE000  }
0x1b: {  	[tilespmem:s9], [sflag:$0x1] =	stream.indirect.gather [hbm4b:s2+s8], $0x80, s3, s8, $0xb8;
	[tilespmem:$0x13000] =	vst v63  }
0x1c: {  	_ = 	snop  }
0x1d: {  	[tilespmem:s11], [sflag:$0x2] =	stream.indirect.gather [hbm4b:s2+s8], $0x80, s10, s8, $0xb8;
	[tilespmem:$0x13000] =	vst v63  }
0x1e: {  	_ = 	snop  }
0x1f: {  	[tilespmem:s13], [sflag:$0x3] =	stream.indirect.gather [hbm4b:s2+s8], $0x80, s12, s8, $0xb8;
	[tilespmem:$0x13000] =	vst v63  }
0x20: {  	s22 =	simm.s32 $0x0  }
0x21: {  	[tilespmem:s15], [sflag:$0x4] =	stream.indirect.gather [hbm4b:s2+s8], $0x80, s14, s8, $0xb8;
	[tilespmem:$0x13000] =	vst v63  }
.LBB2_2:
0x22: {  	_ =	swait.ge [sflag:s16], $0x3200  }
0x23: {  	[sflag:s16] =	ssyncset.done $0x0  }
0x24: {  	s23 =	simm.s32 $0x80;
	[sflag:s16] =	ssyncadd.s32 $0xFFFFCE00  }
0x25: {  	v0 =	vld [tilespmem:s23+$0x2000]  }
0x26: {  	v1 =	vld [tilespmem:s23+$0x2010]  }
0x27: {  	v2 =	vld [tilespmem:s23+$0x2020]  }
0x28: {  	v3 =	vld [tilespmem:s23+$0x2030]  }
0x29: {  	v8 =	vld [tilespmem:s23+$0x2040]  }
0x2a: {  	v14 =	vld [tilespmem:s23+$0x2050]  }
0x2b: {  	v16 =	vld [tilespmem:s23+$0x2060]  }
0x2c: {  	v17 =	vld [tilespmem:s23+$0x2070]  }
0x2d: {  	v15 =	vld [tilespmem:s23+$0x3900]  }
0x2e: {  	v13 =	vld [tilespmem:s23+$0x3910]  }
0x2f: {  	v9 =	vld [tilespmem:s23+$0x3920]  }
0x30: {  	v7 =	vld [tilespmem:s23+$0x3930]  }
0x31: {  	v4 =	vld [tilespmem:s23+$0x1F80]  }
0x32: {  	v5 =	vld [tilespmem:s23+$0x1F90]  }
0x33: {  	v6 =	vld [tilespmem:s23+$0x1FA0]  }
0x34: {  	v10 =	vld [tilespmem:s23+$0x1FB0]  }
0x35: {  	v18 =	vld [tilespmem:s23+$0x1FC0]  }
0x36: {  	v19 =	vld [tilespmem:s23+$0x1FD0]  }
0x37: {  	v11 =	vimm.f32 $0.0e+00;
	v20 =	vld [tilespmem:s23+$0x1FE0]  }
0x38: {  	v22 =	vld [tilespmem:s23+$0x1FF0];
	v12 =	vadd.f32 v4, v11  }
0x39: {  	v26 =	vld [tilespmem:s23+$0x3880];
	v21 =	vadd.f32 v5, v11;
	v6 =	vadd.f32 v6, v11  }
0x3a: {  	v27 =	vld [tilespmem:s23+$0x3890];
	v23 =	vadd.f32 v10, v11;
	v12 =	vadd.f32 v0, v12  }
0x3b: {  	v25 =	vld [tilespmem:s23+$0x38A0];
	v10 =	vadd.f32 v1, v21;
	v6 =	vadd.f32 v2, v6  }
0x3c: {  	v28 =	vld [tilespmem:s23+$0x38B0];
	v2 =	vadd.f32 v3, v23;
	v0 =	vadd.f32 v18, v11  }
0x3d: {  	v24 =	vld [tilespmem:s23+$0x38E0];
	v1 =	vadd.f32 v19, v11;
	v18 =	vadd.f32 v20, v11  }
0x3e: {  	v4 =	vld [tilespmem:s23+$0x3940];
	v19 =	vadd.f32 v22, v11;
	v21 =	vimm.f32 $0.0e+00;
	v8 =	vadd.f32 v8, v0  }
0x3f: {  	v5 =	vld [tilespmem:s23+$0x3950];
	v20 =	vimm.f32 $0.0e+00;
	v3 =	vadd.f32 v14, v1;
	v1 =	vadd.f32 v16, v18  }
0x40: {  	v22 =	vld [tilespmem:s23+$0x38C0];
	v0 =	vadd.f32 v17, v19;
	v19 =	vimm.f32 $0.0e+00;
	v17 =	vimm.f32 $0.0e+00  }
0x41: {  	s24 =	simm.s32 $0x600;
	v23 =	vld [tilespmem:s23+$0x38D0];
	v18 =	vimm.f32 $0.0e+00;
	v16 =	vimm.f32 $0.0e+00;
	v14 =	vimm.f32 $0.0e+00  }
.LBB2_3:
0x42: {  	p0 =	sne.s32 s24, $0x6200;
	v11 =	vadd.f32 v26, v11;
	v21 =	vadd.f32 v27, v21;
	v26 =	vld [tilespmem:s23+$0x38F0]  }
0x43: {  	v20 =	vadd.f32 v25, v20;
	v19 =	vadd.f32 v28, v19;
	v25 =	vld [tilespmem:s23+$0x3960]  }
0x44: {  	v11 =	vadd.f32 v15, v11;
	v21 =	vadd.f32 v13, v21;
	v13 =	vld [tilespmem:s23+$0x3970];
	s23 =	sshra.s32 s24, $0x2  }
0x45: {  	v20 =	vadd.f32 v9, v20;
	v28 =	vld [tilespmem:s23+$0x2000];
	v19 =	vadd.f32 v7, v19  }
0x46: {  	v7 =	vadd.f32 v22, v17;
	v9 =	vadd.f32 v23, v18;
	v29 =	vld [tilespmem:s23+$0x2010]  }
0x47: {  	v15 =	vadd.f32 v24, v16;
	v22 =	vld [tilespmem:s23+$0x2020];
	v14 =	vadd.f32 v26, v14  }
0x48: {  	v17 =	vadd.f32 v4, v7;
	v18 =	vadd.f32 v5, v9;
	v23 =	vld [tilespmem:s23+$0x2030]  }
0x49: {  	v16 =	vadd.f32 v25, v15;
	v24 =	vld [tilespmem:s23+$0x2040];
	v14 =	vadd.f32 v13, v14  }
0x4a: {  	v30 =	vld [tilespmem:s23+$0x2050]  }
0x4b: {  	v31 =	vld [tilespmem:s23+$0x2060]  }
0x4c: {  	v32 =	vld [tilespmem:s23+$0x2070]  }
0x4d: {  	v15 =	vld [tilespmem:s23+$0x3900]  }
0x4e: {  	v13 =	vld [tilespmem:s23+$0x3910]  }
0x4f: {  	v9 =	vld [tilespmem:s23+$0x3920]  }
0x50: {  	v7 =	vld [tilespmem:s23+$0x3930]  }
0x51: {  	v4 =	vld [tilespmem:s23+$0x3940]  }
0x52: {  	v5 =	vld [tilespmem:s23+$0x3950]  }
0x53: {  	v25 =	vld [tilespmem:s23+$0x1F80]  }
0x54: {  	v26 =	vld [tilespmem:s23+$0x1F90]  }
0x55: {  	v27 =	vld [tilespmem:s23+$0x1FA0]  }
0x56: {  	v33 =	vld [tilespmem:s23+$0x1FB0]  }
0x57: {  	v34 =	vld [tilespmem:s23+$0x1FC0]  }
0x58: {  	v35 =	vld [tilespmem:s23+$0x1FD0]  }
0x59: {  	v36 =	vld [tilespmem:s23+$0x1FE0]  }
0x5a: {  	v12 =	vadd.f32 v25, v12;
	v10 =	vadd.f32 v26, v10;
	v37 =	vld [tilespmem:s23+$0x1FF0]  }
0x5b: {  	v6 =	vadd.f32 v27, v6;
	v2 =	vadd.f32 v33, v2;
	v26 =	vld [tilespmem:s23+$0x3880]  }
0x5c: {  	v12 =	vadd.f32 v28, v12;
	v10 =	vadd.f32 v29, v10;
	v27 =	vld [tilespmem:s23+$0x3890]  }
.Ltmp2:
0x5d: {  	v6 =	vadd.f32 v22, v6;
	v25 =	vld [tilespmem:s23+$0x38A0];
	v2 =	vadd.f32 v23, v2;
	(pc) =	sbr.rel @p0 .LBB2_3-.Ltmp2, $4  }
0x5e: {  	v8 =	vadd.f32 v34, v8;
	v3 =	vadd.f32 v35, v3;
	v28 =	vld [tilespmem:s23+$0x38B0]  }
0x5f: {  	v1 =	vadd.f32 v36, v1;
	v0 =	vadd.f32 v37, v0;
	v22 =	vld [tilespmem:s23+$0x38C0]  }
0x60: {  	v8 =	vadd.f32 v24, v8;
	v3 =	vadd.f32 v30, v3;
	v23 =	vld [tilespmem:s23+$0x38D0]  }
0x61: {  	s24 =	sadd.s32 $0x400, s24;
	v1 =	vadd.f32 v31, v1;
	v24 =	vld [tilespmem:s23+$0x38E0];
	v0 =	vadd.f32 v32, v0  }
0x62: {  	v11 =	vadd.f32 v26, v11;
	v26 =	vld [tilespmem:s23+$0x38F0]  }
0x63: {  	v29 =	vld [tilespmem:s23+$0x3960];
	s24 =	sshll.u32 s22, $0xA  }
0x64: {  	v11 =	vadd.f32 v15, v11;
	v15 =	vld [tilespmem:s23+$0x3970];
	s23 =	sand.u32 $0x3FFFFC00, s24  }
0x65: {  	[tilespmem:s23+$0xF000] =	vst v12  }
0x66: {  	[tilespmem:s23+$0xF010] =	vst v10  }
0x67: {  	[tilespmem:s23+$0xF020] =	vst v6  }
0x68: {  	[tilespmem:s23+$0xF030] =	vst v2  }
0x69: {  	[tilespmem:s23+$0xF040] =	vst v8  }
0x6a: {  	v21 =	vadd.f32 v27, v21;
	[tilespmem:s23+$0xF050] =	vst v3  }
0x6b: {  	v12 =	vadd.f32 v25, v20;
	[tilespmem:s23+$0xF060] =	vst v1  }
0x6c: {  	v13 =	vadd.f32 v13, v21;
	v10 =	vadd.f32 v28, v19;
	[tilespmem:s23+$0xF070] =	vst v0  }
0x6d: {  	v2 =	vadd.f32 v23, v18;
	[tilespmem:s23+$0xF080] =	vst v11;
	v9 =	vadd.f32 v9, v12  }
0x6e: {  	[tilespmem:s23+$0xF090] =	vst v13;
	v6 =	vadd.f32 v7, v10;
	v7 =	vadd.f32 v22, v17  }
0x6f: {  	v2 =	vadd.f32 v5, v2;
	v3 =	vadd.f32 v26, v14;
	[tilespmem:s23+$0xF0A0] =	vst v9  }
0x70: {  	v4 =	vadd.f32 v4, v7;
	[tilespmem:s23+$0xF0B0] =	vst v6;
	v6 =	vadd.f32 v24, v16  }
0x71: {  	p0 =	seq.s32 s22, $0xF;
	[tilespmem:s23+$0xF0D0] =	vst v2;
	v1 =	vadd.f32 v15, v3  }
0x72: {  	s24 =	sshll.u32 @!p0 s22, $0x9;
	[tilespmem:s23+$0xF0C0] =	vst v4;
	v4 =	vadd.f32 v29, v6  }
0x73: {  	s24 =	sand.u32 @!p0 $0x3FFFFE00, s24;
	[tilespmem:s23+$0xF0F0] =	vst v1  }
0x74: {  	s26 =	simm.s32 @!p0 $0x64;
	s28 =	simm.s32 @!p0 $0x2000;
	s25 =	sadd.s32 @!p0 $0x200, s24;
	[tilespmem:s23+$0xF0E0] =	vst v4  }
0x75: {  	[tilespmem:s28], [sflag:$0x1] =	stream.indirect.gather @!p0 [hbm4b:s2+s26], $0x80, s25, s26, $0xb8;
	[tilespmem:$0x13000] =	vst v63  }
0x76: {  	_ =	swait.ge [sflag:s17], $0x3200  }
0x77: {  	[sflag:s17] =	ssyncset.done $0x0  }
0x78: {  	s25 =	simm.s32 $0x0;
	[sflag:s17] =	ssyncadd.s32 $0xFFFFCE00  }
0x79: {  	v0 =	vld [tilespmem:s25+$0x5480]  }
0x7a: {  	v1 =	vld [tilespmem:s25+$0x5490]  }
0x7b: {  	v2 =	vld [tilespmem:s25+$0x54A0]  }
0x7c: {  	v3 =	vld [tilespmem:s25+$0x54B0]  }
0x7d: {  	v9 =	vld [tilespmem:s25+$0x54C0]  }
0x7e: {  	v14 =	vld [tilespmem:s25+$0x54D0]  }
0x7f: {  	v16 =	vld [tilespmem:s25+$0x54E0]  }
0x80: {  	v17 =	vld [tilespmem:s25+$0x54F0]  }
0x81: {  	v15 =	vld [tilespmem:s25+$0x6D80]  }
0x82: {  	v13 =	vld [tilespmem:s25+$0x6D90]  }
0x83: {  	v10 =	vld [tilespmem:s25+$0x6DA0]  }
0x84: {  	v8 =	vld [tilespmem:s25+$0x6DB0]  }
0x85: {  	v4 =	vld [tilespmem:s25+$0x5400]  }
0x86: {  	v5 =	vld [tilespmem:s25+$0x5410]  }
0x87: {  	v6 =	vld [tilespmem:s25+$0x5420]  }
0x88: {  	v11 =	vld [tilespmem:s25+$0x5430]  }
0x89: {  	v18 =	vld [tilespmem:s25+$0x5440]  }
0x8a: {  	v19 =	vld [tilespmem:s25+$0x5450]  }
0x8b: {  	v7 =	vimm.f32 $0.0e+00;
	v20 =	vld [tilespmem:s25+$0x5460]  }
0x8c: {  	v22 =	vld [tilespmem:s25+$0x5470];
	v12 =	vadd.f32 v4, v7  }
0x8d: {  	v25 =	vld [tilespmem:s25+$0x6D00];
	v21 =	vadd.f32 v5, v7;
	v6 =	vadd.f32 v6, v7  }
0x8e: {  	v26 =	vld [tilespmem:s25+$0x6D10];
	v23 =	vadd.f32 v11, v7;
	v12 =	vadd.f32 v0, v12  }
0x8f: {  	v27 =	vld [tilespmem:s25+$0x6D20];
	v11 =	vadd.f32 v1, v21;
	v6 =	vadd.f32 v2, v6  }
0x90: {  	v28 =	vld [tilespmem:s25+$0x6D30];
	v2 =	vadd.f32 v3, v23;
	v0 =	vadd.f32 v18, v7  }
0x91: {  	v24 =	vld [tilespmem:s25+$0x6D60];
	v1 =	vadd.f32 v19, v7;
	v18 =	vadd.f32 v20, v7  }
0x92: {  	v4 =	vld [tilespmem:s25+$0x6DC0];
	v19 =	vadd.f32 v22, v7;
	v20 =	vimm.f32 $0.0e+00;
	v9 =	vadd.f32 v9, v0  }
0x93: {  	v5 =	vld [tilespmem:s25+$0x6DD0];
	v21 =	vimm.f32 $0.0e+00;
	v3 =	vadd.f32 v14, v1;
	v1 =	vadd.f32 v16, v18  }
0x94: {  	v22 =	vld [tilespmem:s25+$0x6D40];
	v0 =	vadd.f32 v17, v19;
	v19 =	vimm.f32 $0.0e+00;
	v17 =	vimm.f32 $0.0e+00  }
0x95: {  	s26 =	simm.s32 $0x400;
	v23 =	vld [tilespmem:s25+$0x6D50];
	v18 =	vimm.f32 $0.0e+00;
	v16 =	vimm.f32 $0.0e+00;
	v14 =	vimm.f32 $0.0e+00  }
.LBB2_5:
0x96: {  	p1 =	sne.s32 s26, $0x6000;
	v7 =	vadd.f32 v25, v7;
	v20 =	vadd.f32 v26, v20;
	v25 =	vld [tilespmem:s25+$0x6D70]  }
0x97: {  	v21 =	vadd.f32 v27, v21;
	v19 =	vadd.f32 v28, v19;
	v26 =	vld [tilespmem:s25+$0x6DE0]  }
0x98: {  	v7 =	vadd.f32 v15, v7;
	v20 =	vadd.f32 v13, v20;
	v13 =	vld [tilespmem:s25+$0x6DF0];
	s25 =	sshra.s32 s26, $0x2  }
0x99: {  	v21 =	vadd.f32 v10, v21;
	v27 =	vld [tilespmem:s25+$0x5480];
	v19 =	vadd.f32 v8, v19  }
0x9a: {  	v8 =	vadd.f32 v22, v17;
	v10 =	vadd.f32 v23, v18;
	v28 =	vld [tilespmem:s25+$0x5490]  }
0x9b: {  	v15 =	vadd.f32 v24, v16;
	v22 =	vld [tilespmem:s25+$0x54A0];
	v14 =	vadd.f32 v25, v14  }
0x9c: {  	v17 =	vadd.f32 v4, v8;
	v18 =	vadd.f32 v5, v10;
	v23 =	vld [tilespmem:s25+$0x54B0]  }
0x9d: {  	v16 =	vadd.f32 v26, v15;
	v24 =	vld [tilespmem:s25+$0x54C0];
	v14 =	vadd.f32 v13, v14  }
0x9e: {  	v29 =	vld [tilespmem:s25+$0x54D0]  }
0x9f: {  	v30 =	vld [tilespmem:s25+$0x54E0]  }
0xa0: {  	v31 =	vld [tilespmem:s25+$0x54F0]  }
0xa1: {  	v15 =	vld [tilespmem:s25+$0x6D80]  }
0xa2: {  	v13 =	vld [tilespmem:s25+$0x6D90]  }
0xa3: {  	v10 =	vld [tilespmem:s25+$0x6DA0]  }
0xa4: {  	v8 =	vld [tilespmem:s25+$0x6DB0]  }
0xa5: {  	v4 =	vld [tilespmem:s25+$0x6DC0]  }
0xa6: {  	v5 =	vld [tilespmem:s25+$0x6DD0]  }
0xa7: {  	v25 =	vld [tilespmem:s25+$0x5400]  }
0xa8: {  	v26 =	vld [tilespmem:s25+$0x5410]  }
0xa9: {  	v32 =	vld [tilespmem:s25+$0x5420]  }
0xaa: {  	v33 =	vld [tilespmem:s25+$0x5430]  }
0xab: {  	v34 =	vld [tilespmem:s25+$0x5440]  }
0xac: {  	v35 =	vld [tilespmem:s25+$0x5450]  }
0xad: {  	v36 =	vld [tilespmem:s25+$0x5460]  }
0xae: {  	v12 =	vadd.f32 v25, v12;
	v11 =	vadd.f32 v26, v11;
	v37 =	vld [tilespmem:s25+$0x5470]  }
0xaf: {  	v6 =	vadd.f32 v32, v6;
	v2 =	vadd.f32 v33, v2;
	v25 =	vld [tilespmem:s25+$0x6D00]  }
0xb0: {  	v12 =	vadd.f32 v27, v12;
	v11 =	vadd.f32 v28, v11;
	v26 =	vld [tilespmem:s25+$0x6D10]  }
.Ltmp3:
0xb1: {  	v6 =	vadd.f32 v22, v6;
	v27 =	vld [tilespmem:s25+$0x6D20];
	v2 =	vadd.f32 v23, v2;
	(pc) =	sbr.rel @p1 .LBB2_5-.Ltmp3, $4  }
0xb2: {  	v9 =	vadd.f32 v34, v9;
	v3 =	vadd.f32 v35, v3;
	v28 =	vld [tilespmem:s25+$0x6D30]  }
0xb3: {  	v1 =	vadd.f32 v36, v1;
	v0 =	vadd.f32 v37, v0;
	v22 =	vld [tilespmem:s25+$0x6D40]  }
0xb4: {  	v9 =	vadd.f32 v24, v9;
	v3 =	vadd.f32 v29, v3;
	v23 =	vld [tilespmem:s25+$0x6D50]  }
0xb5: {  	s26 =	sadd.s32 $0x400, s26;
	v1 =	vadd.f32 v30, v1;
	v24 =	vld [tilespmem:s25+$0x6D60];
	v0 =	vadd.f32 v31, v0  }
0xb6: {  	v7 =	vadd.f32 v25, v7;
	v25 =	vld [tilespmem:s25+$0x6D70]  }
0xb7: {  	v29 =	vld [tilespmem:s25+$0x6DE0]  }
0xb8: {  	v7 =	vadd.f32 v15, v7;
	v15 =	vld [tilespmem:s25+$0x6DF0];
	[tilespmem:s23+$0xF100] =	vst v12  }
0xb9: {  	[tilespmem:s23+$0xF110] =	vst v11  }
0xba: {  	[tilespmem:s23+$0xF120] =	vst v6  }
0xbb: {  	[tilespmem:s23+$0xF130] =	vst v2  }
0xbc: {  	[tilespmem:s23+$0xF140] =	vst v9  }
0xbd: {  	v20 =	vadd.f32 v26, v20;
	[tilespmem:s23+$0xF150] =	vst v3  }
0xbe: {  	v12 =	vadd.f32 v27, v21;
	[tilespmem:s23+$0xF160] =	vst v1  }
0xbf: {  	v13 =	vadd.f32 v13, v20;
	[tilespmem:s23+$0xF180] =	vst v7;
	v7 =	vadd.f32 v28, v19  }
0xc0: {  	[tilespmem:s23+$0xF170] =	vst v0;
	v2 =	vadd.f32 v23, v18;
	v10 =	vadd.f32 v10, v12  }
0xc1: {  	[tilespmem:s23+$0xF190] =	vst v13;
	v6 =	vadd.f32 v8, v7;
	v7 =	vadd.f32 v22, v17  }
0xc2: {  	v2 =	vadd.f32 v5, v2;
	v3 =	vadd.f32 v25, v14;
	[tilespmem:s23+$0xF1A0] =	vst v10  }
0xc3: {  	v4 =	vadd.f32 v4, v7;
	[tilespmem:s23+$0xF1B0] =	vst v6;
	v6 =	vadd.f32 v24, v16  }
0xc4: {  	[tilespmem:s23+$0xF1D0] =	vst v2;
	v1 =	vadd.f32 v15, v3  }
0xc5: {  	[tilespmem:s23+$0xF1C0] =	vst v4;
	v4 =	vadd.f32 v29, v6  }
0xc6: {  	[tilespmem:s23+$0xF1F0] =	vst v1  }
0xc7: {  	s26 =	simm.s32 @!p0 $0x64;
	s28 =	simm.s32 @!p0 $0x5400;
	s25 =	sadd.s32 @!p0 $0x280, s24;
	[tilespmem:s23+$0xF1E0] =	vst v4  }
0xc8: {  	[tilespmem:s28], [sflag:$0x2] =	stream.indirect.gather @!p0 [hbm4b:s2+s26], $0x80, s25, s26, $0xb8;
	[tilespmem:$0x13000] =	vst v63  }
0xc9: {  	_ =	swait.ge [sflag:s18], $0x3200  }
0xca: {  	[sflag:s18] =	ssyncset.done $0x0  }
0xcb: {  	s25 =	simm.s32 $0x0;
	[sflag:s18] =	ssyncadd.s32 $0xFFFFCE00  }
0xcc: {  	v0 =	vld [tilespmem:s25+$0x8880]  }
0xcd: {  	v1 =	vld [tilespmem:s25+$0x8890]  }
0xce: {  	v2 =	vld [tilespmem:s25+$0x88A0]  }
0xcf: {  	v3 =	vld [tilespmem:s25+$0x88B0]  }
0xd0: {  	v9 =	vld [tilespmem:s25+$0x88C0]  }
0xd1: {  	v14 =	vld [tilespmem:s25+$0x88D0]  }
0xd2: {  	v16 =	vld [tilespmem:s25+$0x88E0]  }
0xd3: {  	v17 =	vld [tilespmem:s25+$0x88F0]  }
0xd4: {  	v15 =	vld [tilespmem:s25+$0xA180]  }
0xd5: {  	v13 =	vld [tilespmem:s25+$0xA190]  }
0xd6: {  	v10 =	vld [tilespmem:s25+$0xA1A0]  }
0xd7: {  	v8 =	vld [tilespmem:s25+$0xA1B0]  }
0xd8: {  	v4 =	vld [tilespmem:s25+$0x8800]  }
0xd9: {  	v5 =	vld [tilespmem:s25+$0x8810]  }
0xda: {  	v6 =	vld [tilespmem:s25+$0x8820]  }
0xdb: {  	v11 =	vld [tilespmem:s25+$0x8830]  }
0xdc: {  	v18 =	vld [tilespmem:s25+$0x8840]  }
0xdd: {  	v19 =	vld [tilespmem:s25+$0x8850]  }
0xde: {  	v7 =	vimm.f32 $0.0e+00;
	v20 =	vld [tilespmem:s25+$0x8860]  }
0xdf: {  	v22 =	vld [tilespmem:s25+$0x8870];
	v12 =	vadd.f32 v4, v7  }
0xe0: {  	v25 =	vld [tilespmem:s25+$0xA100];
	v21 =	vadd.f32 v5, v7;
	v6 =	vadd.f32 v6, v7  }
0xe1: {  	v26 =	vld [tilespmem:s25+$0xA110];
	v23 =	vadd.f32 v11, v7;
	v12 =	vadd.f32 v0, v12  }
0xe2: {  	v27 =	vld [tilespmem:s25+$0xA120];
	v11 =	vadd.f32 v1, v21;
	v6 =	vadd.f32 v2, v6  }
0xe3: {  	v28 =	vld [tilespmem:s25+$0xA130];
	v2 =	vadd.f32 v3, v23;
	v0 =	vadd.f32 v18, v7  }
0xe4: {  	v24 =	vld [tilespmem:s25+$0xA160];
	v1 =	vadd.f32 v19, v7;
	v18 =	vadd.f32 v20, v7  }
0xe5: {  	v4 =	vld [tilespmem:s25+$0xA1C0];
	v19 =	vadd.f32 v22, v7;
	v20 =	vimm.f32 $0.0e+00;
	v9 =	vadd.f32 v9, v0  }
0xe6: {  	v5 =	vld [tilespmem:s25+$0xA1D0];
	v21 =	vimm.f32 $0.0e+00;
	v3 =	vadd.f32 v14, v1;
	v1 =	vadd.f32 v16, v18  }
0xe7: {  	v22 =	vld [tilespmem:s25+$0xA140];
	v0 =	vadd.f32 v17, v19;
	v19 =	vimm.f32 $0.0e+00;
	v17 =	vimm.f32 $0.0e+00  }
0xe8: {  	s26 =	simm.s32 $0x400;
	v23 =	vld [tilespmem:s25+$0xA150];
	v18 =	vimm.f32 $0.0e+00;
	v16 =	vimm.f32 $0.0e+00;
	v14 =	vimm.f32 $0.0e+00  }
.LBB2_7:
0xe9: {  	p1 =	sne.s32 s26, $0x6000;
	v7 =	vadd.f32 v25, v7;
	v20 =	vadd.f32 v26, v20;
	v25 =	vld [tilespmem:s25+$0xA170]  }
0xea: {  	v21 =	vadd.f32 v27, v21;
	v19 =	vadd.f32 v28, v19;
	v26 =	vld [tilespmem:s25+$0xA1E0]  }
0xeb: {  	v7 =	vadd.f32 v15, v7;
	v20 =	vadd.f32 v13, v20;
	v13 =	vld [tilespmem:s25+$0xA1F0];
	s25 =	sshra.s32 s26, $0x2  }
0xec: {  	v21 =	vadd.f32 v10, v21;
	v27 =	vld [tilespmem:s25+$0x8880];
	v19 =	vadd.f32 v8, v19  }
0xed: {  	v8 =	vadd.f32 v22, v17;
	v10 =	vadd.f32 v23, v18;
	v28 =	vld [tilespmem:s25+$0x8890]  }
0xee: {  	v15 =	vadd.f32 v24, v16;
	v22 =	vld [tilespmem:s25+$0x88A0];
	v14 =	vadd.f32 v25, v14  }
0xef: {  	v17 =	vadd.f32 v4, v8;
	v18 =	vadd.f32 v5, v10;
	v23 =	vld [tilespmem:s25+$0x88B0]  }
0xf0: {  	v16 =	vadd.f32 v26, v15;
	v24 =	vld [tilespmem:s25+$0x88C0];
	v14 =	vadd.f32 v13, v14  }
0xf1: {  	v29 =	vld [tilespmem:s25+$0x88D0]  }
0xf2: {  	v30 =	vld [tilespmem:s25+$0x88E0]  }
0xf3: {  	v31 =	vld [tilespmem:s25+$0x88F0]  }
0xf4: {  	v15 =	vld [tilespmem:s25+$0xA180]  }
0xf5: {  	v13 =	vld [tilespmem:s25+$0xA190]  }
0xf6: {  	v10 =	vld [tilespmem:s25+$0xA1A0]  }
0xf7: {  	v8 =	vld [tilespmem:s25+$0xA1B0]  }
0xf8: {  	v4 =	vld [tilespmem:s25+$0xA1C0]  }
0xf9: {  	v5 =	vld [tilespmem:s25+$0xA1D0]  }
0xfa: {  	v25 =	vld [tilespmem:s25+$0x8800]  }
0xfb: {  	v26 =	vld [tilespmem:s25+$0x8810]  }
0xfc: {  	v32 =	vld [tilespmem:s25+$0x8820]  }
0xfd: {  	v33 =	vld [tilespmem:s25+$0x8830]  }
0xfe: {  	v34 =	vld [tilespmem:s25+$0x8840]  }
0xff: {  	v35 =	vld [tilespmem:s25+$0x8850]  }
0x100: {  	v36 =	vld [tilespmem:s25+$0x8860]  }
0x101: {  	v12 =	vadd.f32 v25, v12;
	v11 =	vadd.f32 v26, v11;
	v37 =	vld [tilespmem:s25+$0x8870]  }
0x102: {  	v6 =	vadd.f32 v32, v6;
	v2 =	vadd.f32 v33, v2;
	v25 =	vld [tilespmem:s25+$0xA100]  }
0x103: {  	v12 =	vadd.f32 v27, v12;
	v11 =	vadd.f32 v28, v11;
	v26 =	vld [tilespmem:s25+$0xA110]  }
.Ltmp4:
0x104: {  	v6 =	vadd.f32 v22, v6;
	v27 =	vld [tilespmem:s25+$0xA120];
	v2 =	vadd.f32 v23, v2;
	(pc) =	sbr.rel @p1 .LBB2_7-.Ltmp4, $4  }
0x105: {  	v9 =	vadd.f32 v34, v9;
	v3 =	vadd.f32 v35, v3;
	v28 =	vld [tilespmem:s25+$0xA130]  }
0x106: {  	v1 =	vadd.f32 v36, v1;
	v0 =	vadd.f32 v37, v0;
	v22 =	vld [tilespmem:s25+$0xA140]  }
0x107: {  	v9 =	vadd.f32 v24, v9;
	v3 =	vadd.f32 v29, v3;
	v23 =	vld [tilespmem:s25+$0xA150]  }
0x108: {  	s26 =	sadd.s32 $0x400, s26;
	v1 =	vadd.f32 v30, v1;
	v24 =	vld [tilespmem:s25+$0xA160];
	v0 =	vadd.f32 v31, v0  }
0x109: {  	v7 =	vadd.f32 v25, v7;
	v25 =	vld [tilespmem:s25+$0xA170]  }
0x10a: {  	v29 =	vld [tilespmem:s25+$0xA1E0]  }
0x10b: {  	v7 =	vadd.f32 v15, v7;
	v15 =	vld [tilespmem:s25+$0xA1F0];
	[tilespmem:s23+$0xF200] =	vst v12  }
0x10c: {  	[tilespmem:s23+$0xF210] =	vst v11  }
0x10d: {  	[tilespmem:s23+$0xF220] =	vst v6  }
0x10e: {  	[tilespmem:s23+$0xF230] =	vst v2  }
0x10f: {  	[tilespmem:s23+$0xF240] =	vst v9  }
0x110: {  	v20 =	vadd.f32 v26, v20;
	[tilespmem:s23+$0xF250] =	vst v3  }
0x111: {  	v12 =	vadd.f32 v27, v21;
	[tilespmem:s23+$0xF260] =	vst v1  }
0x112: {  	v13 =	vadd.f32 v13, v20;
	[tilespmem:s23+$0xF280] =	vst v7;
	v7 =	vadd.f32 v28, v19  }
0x113: {  	[tilespmem:s23+$0xF270] =	vst v0;
	v2 =	vadd.f32 v23, v18;
	v10 =	vadd.f32 v10, v12  }
0x114: {  	[tilespmem:s23+$0xF290] =	vst v13;
	v6 =	vadd.f32 v8, v7;
	v7 =	vadd.f32 v22, v17  }
0x115: {  	v2 =	vadd.f32 v5, v2;
	v3 =	vadd.f32 v25, v14;
	[tilespmem:s23+$0xF2A0] =	vst v10  }
0x116: {  	v4 =	vadd.f32 v4, v7;
	[tilespmem:s23+$0xF2B0] =	vst v6;
	v6 =	vadd.f32 v24, v16  }
0x117: {  	[tilespmem:s23+$0xF2D0] =	vst v2;
	v1 =	vadd.f32 v15, v3  }
0x118: {  	[tilespmem:s23+$0xF2C0] =	vst v4;
	v4 =	vadd.f32 v29, v6  }
0x119: {  	[tilespmem:s23+$0xF2F0] =	vst v1  }
0x11a: {  	s24 =	sadd.s32 @!p0 $0x300, s24;
	s26 =	simm.s32 @!p0 $0x8800;
	s25 =	simm.s32 @!p0 $0x64;
	[tilespmem:s23+$0xF2E0] =	vst v4  }
0x11b: {  	[tilespmem:s26], [sflag:$0x3] =	stream.indirect.gather @!p0 [hbm4b:s2+s25], $0x80, s24, s25, $0xb8;
	[tilespmem:$0x13000] =	vst v63  }
0x11c: {  	_ =	swait.ge [sflag:s19], $0x3200  }
0x11d: {  	[sflag:s19] =	ssyncset.done $0x0  }
0x11e: {  	s24 =	simm.s32 $0x0;
	[sflag:s19] =	ssyncadd.s32 $0xFFFFCE00  }
0x11f: {  	v0 =	vld [tilespmem:s24+$0xBC80]  }
0x120: {  	v1 =	vld [tilespmem:s24+$0xBC90]  }
0x121: {  	v2 =	vld [tilespmem:s24+$0xBCA0]  }
0x122: {  	v3 =	vld [tilespmem:s24+$0xBCB0]  }
0x123: {  	v9 =	vld [tilespmem:s24+$0xBCC0]  }
0x124: {  	v14 =	vld [tilespmem:s24+$0xBCD0]  }
0x125: {  	v16 =	vld [tilespmem:s24+$0xBCE0]  }
0x126: {  	v17 =	vld [tilespmem:s24+$0xBCF0]  }
0x127: {  	v15 =	vld [tilespmem:s24+$0xD580]  }
0x128: {  	v13 =	vld [tilespmem:s24+$0xD590]  }
0x129: {  	v10 =	vld [tilespmem:s24+$0xD5A0]  }
0x12a: {  	v8 =	vld [tilespmem:s24+$0xD5B0]  }
0x12b: {  	v4 =	vld [tilespmem:s24+$0xBC00]  }
0x12c: {  	v5 =	vld [tilespmem:s24+$0xBC10]  }
0x12d: {  	v6 =	vld [tilespmem:s24+$0xBC20]  }
0x12e: {  	v11 =	vld [tilespmem:s24+$0xBC30]  }
0x12f: {  	v18 =	vld [tilespmem:s24+$0xBC40]  }
0x130: {  	v19 =	vld [tilespmem:s24+$0xBC50]  }
0x131: {  	v7 =	vimm.f32 $0.0e+00;
	v20 =	vld [tilespmem:s24+$0xBC60]  }
0x132: {  	v22 =	vld [tilespmem:s24+$0xBC70];
	v12 =	vadd.f32 v4, v7  }
0x133: {  	v25 =	vld [tilespmem:s24+$0xD500];
	v21 =	vadd.f32 v5, v7;
	v6 =	vadd.f32 v6, v7  }
0x134: {  	v26 =	vld [tilespmem:s24+$0xD510];
	v23 =	vadd.f32 v11, v7;
	v12 =	vadd.f32 v0, v12  }
0x135: {  	v27 =	vld [tilespmem:s24+$0xD520];
	v11 =	vadd.f32 v1, v21;
	v6 =	vadd.f32 v2, v6  }
0x136: {  	v28 =	vld [tilespmem:s24+$0xD530];
	v2 =	vadd.f32 v3, v23;
	v0 =	vadd.f32 v18, v7  }
0x137: {  	v24 =	vld [tilespmem:s24+$0xD560];
	v1 =	vadd.f32 v19, v7;
	v18 =	vadd.f32 v20, v7  }
0x138: {  	v4 =	vld [tilespmem:s24+$0xD5C0];
	v19 =	vadd.f32 v22, v7;
	v20 =	vimm.f32 $0.0e+00;
	v9 =	vadd.f32 v9, v0  }
0x139: {  	v5 =	vld [tilespmem:s24+$0xD5D0];
	v21 =	vimm.f32 $0.0e+00;
	v3 =	vadd.f32 v14, v1;
	v1 =	vadd.f32 v16, v18  }
0x13a: {  	v22 =	vld [tilespmem:s24+$0xD540];
	v0 =	vadd.f32 v17, v19;
	v19 =	vimm.f32 $0.0e+00;
	v17 =	vimm.f32 $0.0e+00  }
0x13b: {  	s25 =	simm.s32 $0x400;
	v23 =	vld [tilespmem:s24+$0xD550];
	v18 =	vimm.f32 $0.0e+00;
	v16 =	vimm.f32 $0.0e+00;
	v14 =	vimm.f32 $0.0e+00  }
.LBB2_9:
0x13c: {  	p1 =	sne.s32 s25, $0x6000;
	v7 =	vadd.f32 v25, v7;
	v20 =	vadd.f32 v26, v20;
	v25 =	vld [tilespmem:s24+$0xD570]  }
0x13d: {  	v21 =	vadd.f32 v27, v21;
	v19 =	vadd.f32 v28, v19;
	v26 =	vld [tilespmem:s24+$0xD5E0]  }
0x13e: {  	v7 =	vadd.f32 v15, v7;
	v20 =	vadd.f32 v13, v20;
	v13 =	vld [tilespmem:s24+$0xD5F0];
	s24 =	sshra.s32 s25, $0x2  }
0x13f: {  	v21 =	vadd.f32 v10, v21;
	v27 =	vld [tilespmem:s24+$0xBC80];
	v19 =	vadd.f32 v8, v19  }
0x140: {  	v8 =	vadd.f32 v22, v17;
	v10 =	vadd.f32 v23, v18;
	v28 =	vld [tilespmem:s24+$0xBC90]  }
0x141: {  	v15 =	vadd.f32 v24, v16;
	v22 =	vld [tilespmem:s24+$0xBCA0];
	v14 =	vadd.f32 v25, v14  }
0x142: {  	v17 =	vadd.f32 v4, v8;
	v18 =	vadd.f32 v5, v10;
	v23 =	vld [tilespmem:s24+$0xBCB0]  }
0x143: {  	v16 =	vadd.f32 v26, v15;
	v24 =	vld [tilespmem:s24+$0xBCC0];
	v14 =	vadd.f32 v13, v14  }
0x144: {  	v29 =	vld [tilespmem:s24+$0xBCD0]  }
0x145: {  	v30 =	vld [tilespmem:s24+$0xBCE0]  }
0x146: {  	v31 =	vld [tilespmem:s24+$0xBCF0]  }
0x147: {  	v15 =	vld [tilespmem:s24+$0xD580]  }
0x148: {  	v13 =	vld [tilespmem:s24+$0xD590]  }
0x149: {  	v10 =	vld [tilespmem:s24+$0xD5A0]  }
0x14a: {  	v8 =	vld [tilespmem:s24+$0xD5B0]  }
0x14b: {  	v4 =	vld [tilespmem:s24+$0xD5C0]  }
0x14c: {  	v5 =	vld [tilespmem:s24+$0xD5D0]  }
0x14d: {  	v25 =	vld [tilespmem:s24+$0xBC00]  }
0x14e: {  	v26 =	vld [tilespmem:s24+$0xBC10]  }
0x14f: {  	v32 =	vld [tilespmem:s24+$0xBC20]  }
0x150: {  	v33 =	vld [tilespmem:s24+$0xBC30]  }
0x151: {  	v34 =	vld [tilespmem:s24+$0xBC40]  }
0x152: {  	v35 =	vld [tilespmem:s24+$0xBC50]  }
0x153: {  	v36 =	vld [tilespmem:s24+$0xBC60]  }
0x154: {  	v12 =	vadd.f32 v25, v12;
	v11 =	vadd.f32 v26, v11;
	v37 =	vld [tilespmem:s24+$0xBC70]  }
0x155: {  	v6 =	vadd.f32 v32, v6;
	v2 =	vadd.f32 v33, v2;
	v25 =	vld [tilespmem:s24+$0xD500]  }
0x156: {  	v12 =	vadd.f32 v27, v12;
	v11 =	vadd.f32 v28, v11;
	v26 =	vld [tilespmem:s24+$0xD510]  }
.Ltmp5:
0x157: {  	v6 =	vadd.f32 v22, v6;
	v27 =	vld [tilespmem:s24+$0xD520];
	v2 =	vadd.f32 v23, v2;
	(pc) =	sbr.rel @p1 .LBB2_9-.Ltmp5, $4  }
0x158: {  	v9 =	vadd.f32 v34, v9;
	v3 =	vadd.f32 v35, v3;
	v28 =	vld [tilespmem:s24+$0xD530]  }
0x159: {  	v1 =	vadd.f32 v36, v1;
	v0 =	vadd.f32 v37, v0;
	v22 =	vld [tilespmem:s24+$0xD540]  }
0x15a: {  	v9 =	vadd.f32 v24, v9;
	v3 =	vadd.f32 v29, v3;
	v23 =	vld [tilespmem:s24+$0xD550]  }
0x15b: {  	s25 =	sadd.s32 $0x400, s25;
	v1 =	vadd.f32 v30, v1;
	v24 =	vld [tilespmem:s24+$0xD560];
	v0 =	vadd.f32 v31, v0  }
0x15c: {  	v53 =	vld [tilespmem:s24+$0xD570]  }
0x15d: {  	v29 =	vld [tilespmem:s24+$0xD5E0]  }
0x15e: {  	v54 =	vld [tilespmem:s24+$0xD5F0];
	[tilespmem:s23+$0xF300] =	vst v12  }
0x15f: {  	[tilespmem:s23+$0xF310] =	vst v11  }
0x160: {  	[tilespmem:s23+$0xF320] =	vst v6  }
0x161: {  	[tilespmem:s23+$0xF330] =	vst v2  }
0x162: {  	v7 =	vadd.f32 v25, v7;
	[tilespmem:s23+$0xF340] =	vst v9  }
0x163: {  	v20 =	vadd.f32 v26, v20;
	[tilespmem:s23+$0xF350] =	vst v3  }
0x164: {  	v55 =	vadd.f32 v27, v21;
	[tilespmem:s23+$0xF360] =	vst v1;
	v7 =	vadd.f32 v15, v7  }
0x165: {  	v56 =	vadd.f32 v28, v19;
	[tilespmem:s23+$0xF370] =	vst v0;
	v13 =	vadd.f32 v13, v20  }
0x166: {  	v10 =	vadd.f32 v10, v55;
	v58 =	vadd.f32 v22, v17;
	[tilespmem:s23+$0xF380] =	vst v7  }
0x167: {  	v57 =	vadd.f32 v8, v56;
	v59 =	vadd.f32 v23, v18;
	[tilespmem:s23+$0xF390] =	vst v13  }
0x168: {  	[tilespmem:s23+$0xF3A0] =	vst v10;
	v4 =	vadd.f32 v4, v58;
	v60 =	vadd.f32 v24, v16  }
.Ltmp6:
0x169: {  	[tilespmem:s23+$0xF3B0] =	vst v57;
	v2 =	vadd.f32 v5, v59;
	v61 =	vadd.f32 v53, v14;
	(pc) =	sbr.rel @p0 .LBB2_12-.Ltmp6, $4  }
0x16a: {  	[tilespmem:s23+$0xF3C0] =	vst v4;
	v62 =	vadd.f32 v29, v60  }
0x16b: {  	[tilespmem:s23+$0xF3D0] =	vst v2;
	v63 =	vadd.f32 v54, v61  }
0x16c: {  	[tilespmem:s23+$0xF3E0] =	vst v62  }
0x16d: {  	[tilespmem:s23+$0xF3F0] =	vst v63  }
.Ltmp7:
0x16e: {  	(pc) =	sbr.rel .LBB2_2-.Ltmp7, $4  }
0x16f: {  	s23 =	sshll.u32 s22, $0x9  }
0x170: {  	s23 =	sand.u32 $0x3FFFFE00, s23  }
0x171: {  	s22 =	sadd.s32 $0x1, s22;
	s23 =	sadd.s32 $0x380, s23  }
0x172: {  	[tilespmem:s15], [sflag:$0x4] =	stream.indirect.gather [hbm4b:s2+s8], $0x80, s23, s8, $0xb8;
	[tilespmem:$0x13000] =	vst v63  }
.LBB2_13:
0x173: {  	_ =	sfence.sel $0x180000  }
0x174: {  	[bflag:$0x0] =	sbarrier.arrive $0xFFFF  }
0x175: {  	p0 =	sne.s32 s1, $0x0;
	_ =	strace $0x90000047  }
0x176: {  	s0 =	sadd.s32 @!p0 $0x100000, s0;
	[bflag:$0x2] =	sbarrier.arrive $0xFFFF  }
0x177: {  	[sflag:s0] =	ssyncadd.tile.s32 @!p0 $0x1;
	_ =	shalt  }
.Lfunc_end2:
_tile_overlayer_lowered:
.L_overlay_start_2:
0x178: {  	(tag) =	ssettag $0x2  }
0x179: {  	s0 =	rddreg [dreg:$0x0];
	s2 =	stileid.u32  }
0x17a: {  	s1 =	rddreg [dreg:$0x1];
	p0 =	sne.s32 s2, $0x0  }
0x17b: {  	s3 =	rddreg [dreg:$0x2];
	[bflag:$0x3] =	sbarrier.arrive $0xFFFF;
	s2 =	simm.s32 @!p0 $0x1C05  }
0x17c: {  	[timem:s3], [sflag:s2] =	dma.local @!p0 [hbm:s0], s1  }
0x17d: {  	s0 =	simm.s32 @!p0 $0x5  }
0x17e: {  	_ =	swait.ge @!p0 [sflag:s0], s1  }
0x17f: {  	s1 =	ssub.s32 @!p0 $0x0, s1;
	[sflag:s0] =	ssyncset.done @!p0 $0x0  }
0x180: {  	[sflag:s0] =	ssyncadd.s32 @!p0 s1  }
0x181: {  	[bflag:$0x3] =	sbarrier.arrive $0xFFFF  }
0x182: {  	_ =	shalt  }

</sc_bundles>
